<compile_context>
chip_gen: v7x
topology: tpu7x:2x2x1
jax: 0.10.2.dev20260603
libtpu: 0.0.44.dev20260713+nightly
codegen_flags: <defaults>
</compile_context>

<pallas_src>
import functools

import jax
import jax.numpy as jnp
from jax import lax
from jax.experimental import pallas as pl
from jax.experimental.pallas import tpu as pltpu
from jax.experimental.pallas import tpu_sc as plsc

_L = 16
_N = 8192
_C = _N // _L
_CS = _C + 1
_R = 2048
_HEADS_PER_WORKER = 2


def _keys_tc(q0, kt):

  def body(q_ref, k_ref, o_ref):
    for h in range(2):
      s = lax.dot_general(q_ref[0, h:h + 1, :], k_ref[0, h],
                          (((1,), (0,)), ((), ())),
                          preferred_element_type=jnp.float32)
      col = lax.broadcasted_iota(jnp.int32, s.shape, 1)
      s = jnp.where(col == 0, jnp.float32(jnp.inf), s)
      b = lax.bitcast_convert_type(s, jnp.int32)
      m = lax.shift_right_arithmetic(b, 31)
      keys = b ^ (m | jnp.int32(-2147483648))
      o_ref[0, h] = keys.reshape(_N // 128, 128)

  g = q0.shape[0]
  return pl.pallas_call(
      body,
      grid=(g,),
      in_specs=[
          pl.BlockSpec((1, 2, 64), lambda i: (i, 0, 0)),
          pl.BlockSpec((1, 2, 64, _N), lambda i: (i, 0, 0, 0)),
      ],
      out_specs=pl.BlockSpec((1, 2, _N // 128, 128), lambda i: (i, 0, 0, 0)),
      out_shape=jax.ShapeDtypeStruct((g, 2, _N // 128, 128), jnp.int32),
  )(q0, kt)


def _mask_sc(keys):
  nheads = keys.shape[0]
  hpw = nheads // 32
  mesh = plsc.VectorSubcoreMesh(
      core_axis_name="c", subcore_axis_name="s", num_cores=2, num_subcores=16)

  @functools.partial(
      pl.kernel,
      out_type=jax.ShapeDtypeStruct((nheads, _N // 128, 128), jnp.int32),
      mesh=mesh,
      compiler_params=pltpu.CompilerParams(needs_layout_passes=False),
      scratch_types=[
          pltpu.VMEM((_N // 128, 128), jnp.int32),
          pltpu.VMEM((_L * _CS,), jnp.int32),
          pltpu.VMEM((_L * _CS,), jnp.int32),
          pltpu.VMEM((_L * _CS,), jnp.int32),
          pltpu.VMEM((_L * _CS,), jnp.int32),
          pltpu.VMEM((_N // 128, 128), jnp.int32),
          pltpu.VMEM((256 * _L,), jnp.int32),
      ],
  )
  def sc_kernel(keys_hbm, out_hbm, stage, ks1, ks2, fs1, fs2, ob, hist):
    num_cores = 2
    wid = lax.axis_index("s") * num_cores + lax.axis_index("c")
    lane = lax.iota(jnp.int32, _L)
    base_lin = lane * _C
    base_skw = lane * _CS
    zeros16 = jnp.zeros((_L,), jnp.int32)
    ones16 = jnp.ones((_L,), jnp.int32)

    def zero_hist():
      def zero_body(i, _):
        hist[pl.ds(i * _L, _L)] = zeros16
        return 0

      lax.fori_loop(0, 256, zero_body, 0, unroll=8)

    def scan_hist():
      def scan_body(i, carry):
        hv = hist[pl.ds(i * _L, _L)]
        incl = plsc.cumsum(hv)
        hist[pl.ds(i * _L, _L)] = incl - hv + carry
        return carry + jnp.max(incl)

      lax.fori_loop(0, 256, scan_body, jnp.int32(0), unroll=2)

    for n in range(hpw):
      h = wid * hpw + n
      pltpu.sync_copy(keys_hbm.at[h], stage)

      zero_hist()

      def hist0_body(t, _):
        j = base_lin + t
        kv = plsc.load_gather(stage, [j >> 7, j & 127])
        plsc.addupdate_scatter(hist, [((kv & 255) << 4) | lane], ones16)
        return 0

      lax.fori_loop(0, _C, hist0_body, 0, unroll=4)
      scan_hist()

      def perm0_body(t, _):
        j = base_lin + t
        kv = plsc.load_gather(stage, [j >> 7, j & 127])
        fv = (j <= _R).astype(jnp.int32)
        a = ((kv & 255) << 4) | lane
        off = plsc.load_gather(hist, [a])
        plsc.store_scatter(hist, [a], off + 1)
        sk = off + (off >> 9)
        plsc.store_scatter(ks1, [sk], kv)
        plsc.store_scatter(fs1, [sk], fv)
        return 0

      lax.fori_loop(0, _C, perm0_body, 0, unroll=2)

      plan = [(ks1, fs1, ks2, fs2), (ks2, fs2, ks1, fs1),
              (ks1, fs1, None, None)]
      for p, (src_k, src_f, dst_k, dst_f) in enumerate(plan, start=1):
        shift = p * 8
        zero_hist()

        def hist_body(t, _, src_k=src_k, shift=shift):
          kv = plsc.load_gather(src_k, [base_skw + t])
          d = (kv >> shift) & 255
          plsc.addupdate_scatter(hist, [(d << 4) | lane], ones16)
          return 0

        lax.fori_loop(0, _C, hist_body, 0, unroll=4)
        scan_hist()

        if p < 3:

          def perm_body(t, _, src_k=src_k, src_f=src_f, dst_k=dst_k,
                        dst_f=dst_f, shift=shift):
            idx = base_skw + t
            kv = plsc.load_gather(src_k, [idx])
            fv = plsc.load_gather(src_f, [idx])
            a = (((kv >> shift) & 255) << 4) | lane
            off = plsc.load_gather(hist, [a])
            plsc.store_scatter(hist, [a], off + 1)
            sk = off + (off >> 9)
            plsc.store_scatter(dst_k, [sk], kv)
            plsc.store_scatter(dst_f, [sk], fv)
            return 0

        else:

          def perm_body(t, _, src_k=src_k, src_f=src_f, shift=shift):
            idx = base_skw + t
            kv = plsc.load_gather(src_k, [idx])
            fv = plsc.load_gather(src_f, [idx])
            a = (((kv >> shift) & 255) << 4) | lane
            off = plsc.load_gather(hist, [a])
            plsc.store_scatter(hist, [a], off + 1)
            tgt = (off + 1) & (_N - 1)
            plsc.store_scatter(ob, [tgt >> 7, tgt & 127], fv)
            return 0

        lax.fori_loop(0, _C, perm_body, 0, unroll=2)

      pltpu.sync_copy(ob, out_hbm.at[h])

  return sc_kernel(keys)


def kernel(q, k):
  b, nh, s, d = q.shape
  q0 = q[:, :, 0, :].reshape(32, 2, d)
  kt = jnp.swapaxes(k, -1, -2).reshape(32, 2, d, s)
  keys = _keys_tc(q0, kt)
  mask = _mask_sc(keys.reshape(b * nh, s // 128, 128))
  return (mask != 0).reshape(b, nh, s)

# --- scband reference (transcript-rebuilt; emitter-appended) ---
"""Pipeline reference for scband-top-sampler-59485297050203 (READ-ONLY COPY).

The authoritative reference and input builder live on the scoring server;
editing this copy changes nothing except your own understanding.
"""

import jax, jax.numpy as jnp
import numpy as np

R = 2048


def setup_inputs(seed: int = 0) -> dict:
    key = jax.random.key(seed)
    kq, kk = jax.random.split(key)
    q = jax.random.normal(kq, (4, 16, 8192, 64), dtype=jnp.float32)
    k = jax.random.normal(kk, (4, 16, 8192, 64), dtype=jnp.float32)
    return {"q": q, "k": k}


def reference(q, k):
    # a = q[..., :1, :] @ k[..., 1:, :]^T  -> [..., 1, S-1] -> [..., S-1]
    a = jnp.matmul(q[..., :1, :], jnp.swapaxes(k[..., 1:, :], -2, -1))[..., 0, :]
    # torch.sort ascending -> indices
    index = jnp.argsort(a, axis=-1)
    index = jnp.concatenate([jnp.zeros_like(index[..., :1]), index + 1], axis=-1)
    return index <= R

if __name__ == "__main__":
    import jax
    _d = setup_inputs()
    print(jax.jit(kernel)(*tuple(_d.values())))

</pallas_src>

<mosaic_0001>
#map = affine_map<(d0, d1) -> (0, 0, 0)>
module attributes {stable_mosaic.version = 14 : i64} {
  func.func @sc_kernel(%arg0: i32, %arg1: i32, %arg2: memref<64x64x128xi32, #tpu.memory_space<hbm>>, %arg3: memref<64x64x128xi32, #tpu.memory_space<hbm>>, %arg4: memref<64x128xi32, #tpu.memory_space<vmem>>, %arg5: memref<8208xi32, #tpu.memory_space<vmem>>, %arg6: memref<8208xi32, #tpu.memory_space<vmem>>, %arg7: memref<8208xi32, #tpu.memory_space<vmem>>, %arg8: memref<8208xi32, #tpu.memory_space<vmem>>, %arg9: memref<64x128xi32, #tpu.memory_space<vmem>>, %arg10: memref<4096xi32, #tpu.memory_space<vmem>>) attributes {dimension_semantics = [#tpu.dimension_semantics<core_parallel>, #tpu.dimension_semantics<subcore_parallel>], iteration_bounds = array<i64: 2, 16>, scalar_prefetch = 0 : i64, scratch_operands = 7 : i64, tpu.core_type = #tpu.core_type<sc_vector_subcore>, window_params = [{transform_indices = #map}, {transform_indices = #map}]} {
    %mul3A = arith.constant 2 : i32
    %mul3A_0 = arith.muli %arg1, %mul3A : i32
    %add3A = arith.addi %mul3A_0, %arg0 : i32
    %iota3A = tpu.iota {dimensions = array<i32: 0>} : vector<16xi32>
    %mul3A_1 = arith.constant 512 : i32
    %mul3A_2 = vector.broadcast %mul3A_1 : i32 to vector<16xi32>
    %mul3A_3 = arith.muli %iota3A, %mul3A_2 : vector<16xi32>
    %mul3A_4 = arith.constant 513 : i32
    %mul3A_5 = vector.broadcast %mul3A_4 : i32 to vector<16xi32>
    %mul3A_6 = arith.muli %iota3A, %mul3A_5 : vector<16xi32>
    %broadcast_in_dim3A = arith.constant 0 : i32
    %broadcast_in_dim3A_7 = vector.broadcast %broadcast_in_dim3A : i32 to vector<16xi32>
    %broadcast_in_dim3A_8 = arith.constant 1 : i32
    %broadcast_in_dim3A_9 = vector.broadcast %broadcast_in_dim3A_8 : i32 to vector<16xi32>
    %mul3A_10 = arith.constant 2 : i32
    %mul3A_11 = arith.muli %add3A, %mul3A_10 : i32
    %add3A_12 = arith.constant 0 : i32
    %add3A_13 = arith.addi %mul3A_11, %add3A_12 : i32
    "tpu.region"() ({
      %run_scoped3A = tpu.sem_alloc : memref<!tpu.dma_semaphore, #tpu.memory_space<semaphore_mem>>
      %dma_start3A = arith.constant 0 : i32
      %dma_start3A_241 = arith.constant 0 : i32
      %dma_start3A_242 = tpu.memref_slice %arg2[%add3A_13, %dma_start3A, %dma_start3A_241] : memref<64x64x128xi32, #tpu.memory_space<hbm>> -> memref<1x64x128xi32, #tpu.memory_space<hbm>>
      %dma_start3A_243 = tpu.memref_squeeze %dma_start3A_242 : memref<1x64x128xi32, #tpu.memory_space<hbm>> -> memref<64x128xi32, #tpu.memory_space<hbm>>
      %dma_start3A_244 = arith.constant 0 : i32
      %dma_start3A_245 = arith.constant 0 : i32
      %dma_start3A_246 = tpu.memref_slice %arg2[%add3A_13, %dma_start3A_244, %dma_start3A_245] : memref<64x64x128xi32, #tpu.memory_space<hbm>> -> memref<1x64x128xi32, #tpu.memory_space<hbm>>
      %dma_start3A_247 = tpu.memref_squeeze %dma_start3A_246 : memref<1x64x128xi32, #tpu.memory_space<hbm>> -> memref<64x128xi32, #tpu.memory_space<hbm>>
      tpu.enqueue_dma source(%dma_start3A_247 : memref<64x128xi32, #tpu.memory_space<hbm>>) target(%arg4 : memref<64x128xi32, #tpu.memory_space<vmem>>) target_semaphore(%run_scoped3A : memref<!tpu.dma_semaphore, #tpu.memory_space<semaphore_mem>>)
      %dma_wait3A = arith.constant 0 : i32
      %dma_wait3A_248 = arith.constant 0 : i32
      %dma_wait3A_249 = tpu.memref_slice %arg2[%add3A_13, %dma_wait3A, %dma_wait3A_248] : memref<64x64x128xi32, #tpu.memory_space<hbm>> -> memref<1x64x128xi32, #tpu.memory_space<hbm>>
      %dma_wait3A_250 = tpu.memref_squeeze %dma_wait3A_249 : memref<1x64x128xi32, #tpu.memory_space<hbm>> -> memref<64x128xi32, #tpu.memory_space<hbm>>
      %dma_wait3A_251 = arith.constant 0 : i32
      %dma_wait3A_252 = arith.constant 0 : i32
      %dma_wait3A_253 = tpu.memref_slice %arg2[%add3A_13, %dma_wait3A_251, %dma_wait3A_252] : memref<64x64x128xi32, #tpu.memory_space<hbm>> -> memref<1x64x128xi32, #tpu.memory_space<hbm>>
      %dma_wait3A_254 = tpu.memref_squeeze %dma_wait3A_253 : memref<1x64x128xi32, #tpu.memory_space<hbm>> -> memref<64x128xi32, #tpu.memory_space<hbm>>
      tpu.wait_dma2 semaphore(%run_scoped3A : memref<!tpu.dma_semaphore, #tpu.memory_space<semaphore_mem>>) src(%dma_wait3A_254 : memref<64x128xi32, #tpu.memory_space<hbm>>) dst(%arg4 : memref<64x128xi32, #tpu.memory_space<vmem>>)
      tpu.yield
    }) : () -> ()
    %scan3A = arith.constant 0 : i32
    %scan3A_14 = arith.constant 0 : i32
    %scan3A_15 = arith.constant 256 : i32
    %scan3A_16 = arith.addi %scan3A_14, %scan3A_15 : i32
    %scan3A_17 = arith.constant 8 : i32
    %scan3A_18 = scf.for %scan3A_241 = %scan3A_14 to %scan3A_16 step %scan3A_17 iter_args(%scan3A_242 = %scan3A) -> (i32)  : i32 {
      %mul3A_243 = arith.constant 16 : i32
      %mul3A_244 = arith.muli %scan3A_241, %mul3A_243 : i32
      %swap3A = arith.index_cast %mul3A_244 : i32 to index
      %swap3A_245 = tpu.vector_load %arg10[%swap3A] {strides = array<i32>} : memref<4096xi32, #tpu.memory_space<vmem>>, vector<16xi32>,
      tpu.vector_store %arg10[%swap3A], %broadcast_in_dim3A_7 {strides = array<i32>} : memref<4096xi32, #tpu.memory_space<vmem>>, vector<16xi32>,
      %scan3A_246 = arith.constant 0 : i32
      %scan3A_247 = arith.constant 1 : i32
      %scan3A_248 = arith.addi %scan3A_241, %scan3A_247 : i32
      %mul3A_249 = arith.constant 16 : i32
      %mul3A_250 = arith.muli %scan3A_248, %mul3A_249 : i32
      %swap3A_251 = arith.index_cast %mul3A_250 : i32 to index
      %swap3A_252 = tpu.vector_load %arg10[%swap3A_251] {strides = array<i32>} : memref<4096xi32, #tpu.memory_space<vmem>>, vector<16xi32>,
      tpu.vector_store %arg10[%swap3A_251], %broadcast_in_dim3A_7 {strides = array<i32>} : memref<4096xi32, #tpu.memory_space<vmem>>, vector<16xi32>,
      %scan3A_253 = arith.constant 0 : i32
      %scan3A_254 = arith.constant 2 : i32
      %scan3A_255 = arith.addi %scan3A_241, %scan3A_254 : i32
      %mul3A_256 = arith.constant 16 : i32
      %mul3A_257 = arith.muli %scan3A_255, %mul3A_256 : i32
      %swap3A_258 = arith.index_cast %mul3A_257 : i32 to index
      %swap3A_259 = tpu.vector_load %arg10[%swap3A_258] {strides = array<i32>} : memref<4096xi32, #tpu.memory_space<vmem>>, vector<16xi32>,
      tpu.vector_store %arg10[%swap3A_258], %broadcast_in_dim3A_7 {strides = array<i32>} : memref<4096xi32, #tpu.memory_space<vmem>>, vector<16xi32>,
      %scan3A_260 = arith.constant 0 : i32
      %scan3A_261 = arith.constant 3 : i32
      %scan3A_262 = arith.addi %scan3A_241, %scan3A_261 : i32
      %mul3A_263 = arith.constant 16 : i32
      %mul3A_264 = arith.muli %scan3A_262, %mul3A_263 : i32
      %swap3A_265 = arith.index_cast %mul3A_264 : i32 to index
      %swap3A_266 = tpu.vector_load %arg10[%swap3A_265] {strides = array<i32>} : memref<4096xi32, #tpu.memory_space<vmem>>, vector<16xi32>,
      tpu.vector_store %arg10[%swap3A_265], %broadcast_in_dim3A_7 {strides = array<i32>} : memref<4096xi32, #tpu.memory_space<vmem>>, vector<16xi32>,
      %scan3A_267 = arith.constant 0 : i32
      %scan3A_268 = arith.constant 4 : i32
      %scan3A_269 = arith.addi %scan3A_241, %scan3A_268 : i32
      %mul3A_270 = arith.constant 16 : i32
      %mul3A_271 = arith.muli %scan3A_269, %mul3A_270 : i32
      %swap3A_272 = arith.index_cast %mul3A_271 : i32 to index
      %swap3A_273 = tpu.vector_load %arg10[%swap3A_272] {strides = array<i32>} : memref<4096xi32, #tpu.memory_space<vmem>>, vector<16xi32>,
      tpu.vector_store %arg10[%swap3A_272], %broadcast_in_dim3A_7 {strides = array<i32>} : memref<4096xi32, #tpu.memory_space<vmem>>, vector<16xi32>,
      %scan3A_274 = arith.constant 0 : i32
      %scan3A_275 = arith.constant 5 : i32
      %scan3A_276 = arith.addi %scan3A_241, %scan3A_275 : i32
      %mul3A_277 = arith.constant 16 : i32
      %mul3A_278 = arith.muli %scan3A_276, %mul3A_277 : i32
      %swap3A_279 = arith.index_cast %mul3A_278 : i32 to index
      %swap3A_280 = tpu.vector_load %arg10[%swap3A_279] {strides = array<i32>} : memref<4096xi32, #tpu.memory_space<vmem>>, vector<16xi32>,
      tpu.vector_store %arg10[%swap3A_279], %broadcast_in_dim3A_7 {strides = array<i32>} : memref<4096xi32, #tpu.memory_space<vmem>>, vector<16xi32>,
      %scan3A_281 = arith.constant 0 : i32
      %scan3A_282 = arith.constant 6 : i32
      %scan3A_283 = arith.addi %scan3A_241, %scan3A_282 : i32
      %mul3A_284 = arith.constant 16 : i32
      %mul3A_285 = arith.muli %scan3A_283, %mul3A_284 : i32
      %swap3A_286 = arith.index_cast %mul3A_285 : i32 to index
      %swap3A_287 = tpu.vector_load %arg10[%swap3A_286] {strides = array<i32>} : memref<4096xi32, #tpu.memory_space<vmem>>, vector<16xi32>,
      tpu.vector_store %arg10[%swap3A_286], %broadcast_in_dim3A_7 {strides = array<i32>} : memref<4096xi32, #tpu.memory_space<vmem>>, vector<16xi32>,
      %scan3A_288 = arith.constant 0 : i32
      %scan3A_289 = arith.constant 7 : i32
      %scan3A_290 = arith.addi %scan3A_241, %scan3A_289 : i32
      %mul3A_291 = arith.constant 16 : i32
      %mul3A_292 = arith.muli %scan3A_290, %mul3A_291 : i32
      %swap3A_293 = arith.index_cast %mul3A_292 : i32 to index
      %swap3A_294 = tpu.vector_load %arg10[%swap3A_293] {strides = array<i32>} : memref<4096xi32, #tpu.memory_space<vmem>>, vector<16xi32>,
      tpu.vector_store %arg10[%swap3A_293], %broadcast_in_dim3A_7 {strides = array<i32>} : memref<4096xi32, #tpu.memory_space<vmem>>, vector<16xi32>,
      %scan3A_295 = arith.constant 0 : i32
      scf.yield %scan3A_295 : i32
    }
    %scan3A_19 = arith.constant 256 : i32
    %scan3A_20 = arith.constant 0 : i32
    %scan3A_21 = arith.constant 0 : i32
    %scan3A_22 = arith.constant 512 : i32
    %scan3A_23 = arith.addi %scan3A_21, %scan3A_22 : i32
    %scan3A_24 = arith.constant 4 : i32
    %scan3A_25 = scf.for %scan3A_241 = %scan3A_21 to %scan3A_23 step %scan3A_24 iter_args(%scan3A_242 = %scan3A_20) -> (i32)  : i32 {
      %add3A_243 = vector.broadcast %scan3A_241 : i32 to vector<16xi32>
      %add3A_244 = arith.addi %mul3A_3, %add3A_243 : vector<16xi32>
      %shift_right_arithmetic3A = arith.constant 7 : i32
      %shift_right_arithmetic3A_245 = vector.broadcast %shift_right_arithmetic3A : i32 to vector<16xi32>
      %shift_right_arithmetic3A_246 = arith.shrsi %add3A_244, %shift_right_arithmetic3A_245 : vector<16xi32>
      %and3A = arith.constant 127 : i32
      %and3A_247 = vector.broadcast %and3A : i32 to vector<16xi32>
      %and3A_248 = arith.andi %add3A_244, %and3A_247 : vector<16xi32>
      %gather3A = tpu.vector_load_idx %arg4[%shift_right_arithmetic3A_246, %and3A_248] : memref<64x128xi32, #tpu.memory_space<vmem>>[vector<16xi32>, vector<16xi32>], vector<16xi32>,
      %and3A_249 = arith.constant 255 : i32
      %and3A_250 = vector.broadcast %and3A_249 : i32 to vector<16xi32>
      %and3A_251 = arith.andi %gather3A, %and3A_250 : vector<16xi32>
      %shift_left3A = arith.constant 4 : i32
      %shift_left3A_252 = vector.broadcast %shift_left3A : i32 to vector<16xi32>
      %shift_left3A_253 = arith.shli %and3A_251, %shift_left3A_252 : vector<16xi32>
      %or3A = arith.ori %shift_left3A_253, %iota3A : vector<16xi32>
      tpu.vector_store_idx %arg10[%or3A], %broadcast_in_dim3A_9 {add = true} : memref<4096xi32, #tpu.memory_space<vmem>>[vector<16xi32>], vector<16xi32>,
      %scan3A_254 = arith.constant 0 : i32
      %scan3A_255 = arith.constant 1 : i32
      %scan3A_256 = arith.addi %scan3A_241, %scan3A_255 : i32
      %add3A_257 = vector.broadcast %scan3A_256 : i32 to vector<16xi32>
      %add3A_258 = arith.addi %mul3A_3, %add3A_257 : vector<16xi32>
      %shift_right_arithmetic3A_259 = arith.constant 7 : i32
      %shift_right_arithmetic3A_260 = vector.broadcast %shift_right_arithmetic3A_259 : i32 to vector<16xi32>
      %shift_right_arithmetic3A_261 = arith.shrsi %add3A_258, %shift_right_arithmetic3A_260 : vector<16xi32>
      %and3A_262 = arith.constant 127 : i32
      %and3A_263 = vector.broadcast %and3A_262 : i32 to vector<16xi32>
      %and3A_264 = arith.andi %add3A_258, %and3A_263 : vector<16xi32>
      %gather3A_265 = tpu.vector_load_idx %arg4[%shift_right_arithmetic3A_261, %and3A_264] : memref<64x128xi32, #tpu.memory_space<vmem>>[vector<16xi32>, vector<16xi32>], vector<16xi32>,
      %and3A_266 = arith.constant 255 : i32
      %and3A_267 = vector.broadcast %and3A_266 : i32 to vector<16xi32>
      %and3A_268 = arith.andi %gather3A_265, %and3A_267 : vector<16xi32>
      %shift_left3A_269 = arith.constant 4 : i32
      %shift_left3A_270 = vector.broadcast %shift_left3A_269 : i32 to vector<16xi32>
      %shift_left3A_271 = arith.shli %and3A_268, %shift_left3A_270 : vector<16xi32>
      %or3A_272 = arith.ori %shift_left3A_271, %iota3A : vector<16xi32>
      tpu.vector_store_idx %arg10[%or3A_272], %broadcast_in_dim3A_9 {add = true} : memref<4096xi32, #tpu.memory_space<vmem>>[vector<16xi32>], vector<16xi32>,
      %scan3A_273 = arith.constant 0 : i32
      %scan3A_274 = arith.constant 2 : i32
      %scan3A_275 = arith.addi %scan3A_241, %scan3A_274 : i32
      %add3A_276 = vector.broadcast %scan3A_275 : i32 to vector<16xi32>
      %add3A_277 = arith.addi %mul3A_3, %add3A_276 : vector<16xi32>
      %shift_right_arithmetic3A_278 = arith.constant 7 : i32
      %shift_right_arithmetic3A_279 = vector.broadcast %shift_right_arithmetic3A_278 : i32 to vector<16xi32>
      %shift_right_arithmetic3A_280 = arith.shrsi %add3A_277, %shift_right_arithmetic3A_279 : vector<16xi32>
      %and3A_281 = arith.constant 127 : i32
      %and3A_282 = vector.broadcast %and3A_281 : i32 to vector<16xi32>
      %and3A_283 = arith.andi %add3A_277, %and3A_282 : vector<16xi32>
      %gather3A_284 = tpu.vector_load_idx %arg4[%shift_right_arithmetic3A_280, %and3A_283] : memref<64x128xi32, #tpu.memory_space<vmem>>[vector<16xi32>, vector<16xi32>], vector<16xi32>,
      %and3A_285 = arith.constant 255 : i32
      %and3A_286 = vector.broadcast %and3A_285 : i32 to vector<16xi32>
      %and3A_287 = arith.andi %gather3A_284, %and3A_286 : vector<16xi32>
      %shift_left3A_288 = arith.constant 4 : i32
      %shift_left3A_289 = vector.broadcast %shift_left3A_288 : i32 to vector<16xi32>
      %shift_left3A_290 = arith.shli %and3A_287, %shift_left3A_289 : vector<16xi32>
      %or3A_291 = arith.ori %shift_left3A_290, %iota3A : vector<16xi32>
      tpu.vector_store_idx %arg10[%or3A_291], %broadcast_in_dim3A_9 {add = true} : memref<4096xi32, #tpu.memory_space<vmem>>[vector<16xi32>], vector<16xi32>,
      %scan3A_292 = arith.constant 0 : i32
      %scan3A_293 = arith.constant 3 : i32
      %scan3A_294 = arith.addi %scan3A_241, %scan3A_293 : i32
      %add3A_295 = vector.broadcast %scan3A_294 : i32 to vector<16xi32>
      %add3A_296 = arith.addi %mul3A_3, %add3A_295 : vector<16xi32>
      %shift_right_arithmetic3A_297 = arith.constant 7 : i32
      %shift_right_arithmetic3A_298 = vector.broadcast %shift_right_arithmetic3A_297 : i32 to vector<16xi32>
      %shift_right_arithmetic3A_299 = arith.shrsi %add3A_296, %shift_right_arithmetic3A_298 : vector<16xi32>
      %and3A_300 = arith.constant 127 : i32
      %and3A_301 = vector.broadcast %and3A_300 : i32 to vector<16xi32>
      %and3A_302 = arith.andi %add3A_296, %and3A_301 : vector<16xi32>
      %gather3A_303 = tpu.vector_load_idx %arg4[%shift_right_arithmetic3A_299, %and3A_302] : memref<64x128xi32, #tpu.memory_space<vmem>>[vector<16xi32>, vector<16xi32>], vector<16xi32>,
      %and3A_304 = arith.constant 255 : i32
      %and3A_305 = vector.broadcast %and3A_304 : i32 to vector<16xi32>
      %and3A_306 = arith.andi %gather3A_303, %and3A_305 : vector<16xi32>
      %shift_left3A_307 = arith.constant 4 : i32
      %shift_left3A_308 = vector.broadcast %shift_left3A_307 : i32 to vector<16xi32>
      %shift_left3A_309 = arith.shli %and3A_306, %shift_left3A_308 : vector<16xi32>
      %or3A_310 = arith.ori %shift_left3A_309, %iota3A : vector<16xi32>
      tpu.vector_store_idx %arg10[%or3A_310], %broadcast_in_dim3A_9 {add = true} : memref<4096xi32, #tpu.memory_space<vmem>>[vector<16xi32>], vector<16xi32>,
      %scan3A_311 = arith.constant 0 : i32
      scf.yield %scan3A_311 : i32
    }
    %scan3A_26 = arith.constant 512 : i32
    %scan3A_27 = arith.constant 0 : i32
    %scan3A_28 = arith.constant 0 : i32
    %scan3A_29 = arith.constant 256 : i32
    %scan3A_30 = arith.addi %scan3A_28, %scan3A_29 : i32
    %scan3A_31 = arith.constant 2 : i32
    %scan3A_32 = scf.for %scan3A_241 = %scan3A_28 to %scan3A_30 step %scan3A_31 iter_args(%scan3A_242 = %scan3A_27) -> (i32)  : i32 {
      %mul3A_243 = arith.constant 16 : i32
      %mul3A_244 = arith.muli %scan3A_241, %mul3A_243 : i32
      %get3A = arith.index_cast %mul3A_244 : i32 to index
      %get3A_245 = tpu.vector_load %arg10[%get3A] {strides = array<i32>} : memref<4096xi32, #tpu.memory_space<vmem>>, vector<16xi32>,
      %broadcast_in_dim3A_246 = arith.constant true
      %broadcast_in_dim3A_247 = vector.broadcast %broadcast_in_dim3A_246 : i1 to vector<16xi1>
      %masked_cumsum3A = tpu.scan <sum>, %get3A_245 masked %broadcast_in_dim3A_247 : vector<16xi32>, vector<16xi1> -> vector<16xi32>
      %sub3A = arith.subi %masked_cumsum3A, %get3A_245 : vector<16xi32>
      %add3A_248 = vector.broadcast %scan3A_242 : i32 to vector<16xi32>
      %add3A_249 = arith.addi %sub3A, %add3A_248 : vector<16xi32>
      %mul3A_250 = arith.constant 16 : i32
      %mul3A_251 = arith.muli %scan3A_241, %mul3A_250 : i32
      %swap3A = arith.index_cast %mul3A_251 : i32 to index
      %swap3A_252 = tpu.vector_load %arg10[%swap3A] {strides = array<i32>} : memref<4096xi32, #tpu.memory_space<vmem>>, vector<16xi32>,
      tpu.vector_store %arg10[%swap3A], %add3A_249 {strides = array<i32>} : memref<4096xi32, #tpu.memory_space<vmem>>, vector<16xi32>,
      %reduce_max3A = arith.constant true
      %reduce_max3A_253 = vector.broadcast %reduce_max3A : i1 to vector<16xi1>
      %reduce_max3A_254 = arith.constant -2147483648 : i32
      %reduce_max3A_255 = vector.broadcast %reduce_max3A_254 : i32 to vector<16xi32>
      %reduce_max3A_256 = arith.xori %masked_cumsum3A, %reduce_max3A_255 : vector<16xi32>
      %reduce_max3A_257 = tpu.scan <max>, %reduce_max3A_256 masked %reduce_max3A_253 : vector<16xi32>, vector<16xi1> -> vector<16xi32>
      %reduce_max3A_258 = arith.xori %reduce_max3A_257, %reduce_max3A_255 : vector<16xi32>
      %reduce_max3A_259 = vector.extract %reduce_max3A_258[15] : i32 from vector<16xi32>
      %add3A_260 = arith.addi %scan3A_242, %reduce_max3A_259 : i32
      %scan3A_261 = arith.constant 1 : i32
      %scan3A_262 = arith.addi %scan3A_241, %scan3A_261 : i32
      %mul3A_263 = arith.constant 16 : i32
      %mul3A_264 = arith.muli %scan3A_262, %mul3A_263 : i32
      %get3A_265 = arith.index_cast %mul3A_264 : i32 to index
      %get3A_266 = tpu.vector_load %arg10[%get3A_265] {strides = array<i32>} : memref<4096xi32, #tpu.memory_space<vmem>>, vector<16xi32>,
      %broadcast_in_dim3A_267 = arith.constant true
      %broadcast_in_dim3A_268 = vector.broadcast %broadcast_in_dim3A_267 : i1 to vector<16xi1>
      %masked_cumsum3A_269 = tpu.scan <sum>, %get3A_266 masked %broadcast_in_dim3A_268 : vector<16xi32>, vector<16xi1> -> vector<16xi32>
      %sub3A_270 = arith.subi %masked_cumsum3A_269, %get3A_266 : vector<16xi32>
      %add3A_271 = vector.broadcast %add3A_260 : i32 to vector<16xi32>
      %add3A_272 = arith.addi %sub3A_270, %add3A_271 : vector<16xi32>
      %mul3A_273 = arith.constant 16 : i32
      %mul3A_274 = arith.muli %scan3A_262, %mul3A_273 : i32
      %swap3A_275 = arith.index_cast %mul3A_274 : i32 to index
      %swap3A_276 = tpu.vector_load %arg10[%swap3A_275] {strides = array<i32>} : memref<4096xi32, #tpu.memory_space<vmem>>, vector<16xi32>,
      tpu.vector_store %arg10[%swap3A_275], %add3A_272 {strides = array<i32>} : memref<4096xi32, #tpu.memory_space<vmem>>, vector<16xi32>,
      %reduce_max3A_277 = arith.constant true
      %reduce_max3A_278 = vector.broadcast %reduce_max3A_277 : i1 to vector<16xi1>
      %reduce_max3A_279 = arith.constant -2147483648 : i32
      %reduce_max3A_280 = vector.broadcast %reduce_max3A_279 : i32 to vector<16xi32>
      %reduce_max3A_281 = arith.xori %masked_cumsum3A_269, %reduce_max3A_280 : vector<16xi32>
      %reduce_max3A_282 = tpu.scan <max>, %reduce_max3A_281 masked %reduce_max3A_278 : vector<16xi32>, vector<16xi1> -> vector<16xi32>
      %reduce_max3A_283 = arith.xori %reduce_max3A_282, %reduce_max3A_280 : vector<16xi32>
      %reduce_max3A_284 = vector.extract %reduce_max3A_283[15] : i32 from vector<16xi32>
      %add3A_285 = arith.addi %add3A_260, %reduce_max3A_284 : i32
      scf.yield %add3A_285 : i32
    }
    %scan3A_33 = arith.constant 256 : i32
    %scan3A_34 = arith.constant 0 : i32
    %scan3A_35 = arith.constant 0 : i32
    %scan3A_36 = arith.constant 512 : i32
    %scan3A_37 = arith.addi %scan3A_35, %scan3A_36 : i32
    %scan3A_38 = arith.constant 2 : i32
    %scan3A_39 = scf.for %scan3A_241 = %scan3A_35 to %scan3A_37 step %scan3A_38 iter_args(%scan3A_242 = %scan3A_34) -> (i32)  : i32 {
      %add3A_243 = vector.broadcast %scan3A_241 : i32 to vector<16xi32>
      %add3A_244 = arith.addi %mul3A_3, %add3A_243 : vector<16xi32>
      %shift_right_arithmetic3A = arith.constant 7 : i32
      %shift_right_arithmetic3A_245 = vector.broadcast %shift_right_arithmetic3A : i32 to vector<16xi32>
      %shift_right_arithmetic3A_246 = arith.shrsi %add3A_244, %shift_right_arithmetic3A_245 : vector<16xi32>
      %and3A = arith.constant 127 : i32
      %and3A_247 = vector.broadcast %and3A : i32 to vector<16xi32>
      %and3A_248 = arith.andi %add3A_244, %and3A_247 : vector<16xi32>
      %gather3A = tpu.vector_load_idx %arg4[%shift_right_arithmetic3A_246, %and3A_248] : memref<64x128xi32, #tpu.memory_space<vmem>>[vector<16xi32>, vector<16xi32>], vector<16xi32>,
      %le3A = arith.constant 2048 : i32
      %le3A_249 = vector.broadcast %le3A : i32 to vector<16xi32>
      %le3A_250 = arith.cmpi sle, %add3A_244, %le3A_249 : vector<16xi32>
      %convert_element_type3A = arith.extui %le3A_250 : vector<16xi1> to vector<16xi32>
      %and3A_251 = arith.constant 255 : i32
      %and3A_252 = vector.broadcast %and3A_251 : i32 to vector<16xi32>
      %and3A_253 = arith.andi %gather3A, %and3A_252 : vector<16xi32>
      %shift_left3A = arith.constant 4 : i32
      %shift_left3A_254 = vector.broadcast %shift_left3A : i32 to vector<16xi32>
      %shift_left3A_255 = arith.shli %and3A_253, %shift_left3A_254 : vector<16xi32>
      %or3A = arith.ori %shift_left3A_255, %iota3A : vector<16xi32>
      %gather3A_256 = tpu.vector_load_idx %arg10[%or3A] : memref<4096xi32, #tpu.memory_space<vmem>>[vector<16xi32>], vector<16xi32>,
      %add3A_257 = arith.constant 1 : i32
      %add3A_258 = vector.broadcast %add3A_257 : i32 to vector<16xi32>
      %add3A_259 = arith.addi %gather3A_256, %add3A_258 : vector<16xi32>
      tpu.vector_store_idx %arg10[%or3A], %add3A_259 : memref<4096xi32, #tpu.memory_space<vmem>>[vector<16xi32>], vector<16xi32>,
      %shift_right_arithmetic3A_260 = arith.constant 9 : i32
      %shift_right_arithmetic3A_261 = vector.broadcast %shift_right_arithmetic3A_260 : i32 to vector<16xi32>
      %shift_right_arithmetic3A_262 = arith.shrsi %gather3A_256, %shift_right_arithmetic3A_261 : vector<16xi32>
      %add3A_263 = arith.addi %gather3A_256, %shift_right_arithmetic3A_262 : vector<16xi32>
      tpu.vector_store_idx %arg5[%add3A_263], %gather3A : memref<8208xi32, #tpu.memory_space<vmem>>[vector<16xi32>], vector<16xi32>,
      tpu.vector_store_idx %arg7[%add3A_263], %convert_element_type3A : memref<8208xi32, #tpu.memory_space<vmem>>[vector<16xi32>], vector<16xi32>,
      %scan3A_264 = arith.constant 0 : i32
      %scan3A_265 = arith.constant 1 : i32
      %scan3A_266 = arith.addi %scan3A_241, %scan3A_265 : i32
      %add3A_267 = vector.broadcast %scan3A_266 : i32 to vector<16xi32>
      %add3A_268 = arith.addi %mul3A_3, %add3A_267 : vector<16xi32>
      %shift_right_arithmetic3A_269 = arith.constant 7 : i32
      %shift_right_arithmetic3A_270 = vector.broadcast %shift_right_arithmetic3A_269 : i32 to vector<16xi32>
      %shift_right_arithmetic3A_271 = arith.shrsi %add3A_268, %shift_right_arithmetic3A_270 : vector<16xi32>
      %and3A_272 = arith.constant 127 : i32
      %and3A_273 = vector.broadcast %and3A_272 : i32 to vector<16xi32>
      %and3A_274 = arith.andi %add3A_268, %and3A_273 : vector<16xi32>
      %gather3A_275 = tpu.vector_load_idx %arg4[%shift_right_arithmetic3A_271, %and3A_274] : memref<64x128xi32, #tpu.memory_space<vmem>>[vector<16xi32>, vector<16xi32>], vector<16xi32>,
      %le3A_276 = arith.constant 2048 : i32
      %le3A_277 = vector.broadcast %le3A_276 : i32 to vector<16xi32>
      %le3A_278 = arith.cmpi sle, %add3A_268, %le3A_277 : vector<16xi32>
      %convert_element_type3A_279 = arith.extui %le3A_278 : vector<16xi1> to vector<16xi32>
      %and3A_280 = arith.constant 255 : i32
      %and3A_281 = vector.broadcast %and3A_280 : i32 to vector<16xi32>
      %and3A_282 = arith.andi %gather3A_275, %and3A_281 : vector<16xi32>
      %shift_left3A_283 = arith.constant 4 : i32
      %shift_left3A_284 = vector.broadcast %shift_left3A_283 : i32 to vector<16xi32>
      %shift_left3A_285 = arith.shli %and3A_282, %shift_left3A_284 : vector<16xi32>
      %or3A_286 = arith.ori %shift_left3A_285, %iota3A : vector<16xi32>
      %gather3A_287 = tpu.vector_load_idx %arg10[%or3A_286] : memref<4096xi32, #tpu.memory_space<vmem>>[vector<16xi32>], vector<16xi32>,
      %add3A_288 = arith.constant 1 : i32
      %add3A_289 = vector.broadcast %add3A_288 : i32 to vector<16xi32>
      %add3A_290 = arith.addi %gather3A_287, %add3A_289 : vector<16xi32>
      tpu.vector_store_idx %arg10[%or3A_286], %add3A_290 : memref<4096xi32, #tpu.memory_space<vmem>>[vector<16xi32>], vector<16xi32>,
      %shift_right_arithmetic3A_291 = arith.constant 9 : i32
      %shift_right_arithmetic3A_292 = vector.broadcast %shift_right_arithmetic3A_291 : i32 to vector<16xi32>
      %shift_right_arithmetic3A_293 = arith.shrsi %gather3A_287, %shift_right_arithmetic3A_292 : vector<16xi32>
      %add3A_294 = arith.addi %gather3A_287, %shift_right_arithmetic3A_293 : vector<16xi32>
      tpu.vector_store_idx %arg5[%add3A_294], %gather3A_275 : memref<8208xi32, #tpu.memory_space<vmem>>[vector<16xi32>], vector<16xi32>,
      tpu.vector_store_idx %arg7[%add3A_294], %convert_element_type3A_279 : memref<8208xi32, #tpu.memory_space<vmem>>[vector<16xi32>], vector<16xi32>,
      %scan3A_295 = arith.constant 0 : i32
      scf.yield %scan3A_295 : i32
    }
    %scan3A_40 = arith.constant 512 : i32
    %scan3A_41 = arith.constant 0 : i32
    %scan3A_42 = arith.constant 0 : i32
    %scan3A_43 = arith.constant 256 : i32
    %scan3A_44 = arith.addi %scan3A_42, %scan3A_43 : i32
    %scan3A_45 = arith.constant 8 : i32
    %scan3A_46 = scf.for %scan3A_241 = %scan3A_42 to %scan3A_44 step %scan3A_45 iter_args(%scan3A_242 = %scan3A_41) -> (i32)  : i32 {
      %mul3A_243 = arith.constant 16 : i32
      %mul3A_244 = arith.muli %scan3A_241, %mul3A_243 : i32
      %swap3A = arith.index_cast %mul3A_244 : i32 to index
      %swap3A_245 = tpu.vector_load %arg10[%swap3A] {strides = array<i32>} : memref<4096xi32, #tpu.memory_space<vmem>>, vector<16xi32>,
      tpu.vector_store %arg10[%swap3A], %broadcast_in_dim3A_7 {strides = array<i32>} : memref<4096xi32, #tpu.memory_space<vmem>>, vector<16xi32>,
      %scan3A_246 = arith.constant 0 : i32
      %scan3A_247 = arith.constant 1 : i32
      %scan3A_248 = arith.addi %scan3A_241, %scan3A_247 : i32
      %mul3A_249 = arith.constant 16 : i32
      %mul3A_250 = arith.muli %scan3A_248, %mul3A_249 : i32
      %swap3A_251 = arith.index_cast %mul3A_250 : i32 to index
      %swap3A_252 = tpu.vector_load %arg10[%swap3A_251] {strides = array<i32>} : memref<4096xi32, #tpu.memory_space<vmem>>, vector<16xi32>,
      tpu.vector_store %arg10[%swap3A_251], %broadcast_in_dim3A_7 {strides = array<i32>} : memref<4096xi32, #tpu.memory_space<vmem>>, vector<16xi32>,
      %scan3A_253 = arith.constant 0 : i32
      %scan3A_254 = arith.constant 2 : i32
      %scan3A_255 = arith.addi %scan3A_241, %scan3A_254 : i32
      %mul3A_256 = arith.constant 16 : i32
      %mul3A_257 = arith.muli %scan3A_255, %mul3A_256 : i32
      %swap3A_258 = arith.index_cast %mul3A_257 : i32 to index
      %swap3A_259 = tpu.vector_load %arg10[%swap3A_258] {strides = array<i32>} : memref<4096xi32, #tpu.memory_space<vmem>>, vector<16xi32>,
      tpu.vector_store %arg10[%swap3A_258], %broadcast_in_dim3A_7 {strides = array<i32>} : memref<4096xi32, #tpu.memory_space<vmem>>, vector<16xi32>,
      %scan3A_260 = arith.constant 0 : i32
      %scan3A_261 = arith.constant 3 : i32
      %scan3A_262 = arith.addi %scan3A_241, %scan3A_261 : i32
      %mul3A_263 = arith.constant 16 : i32
      %mul3A_264 = arith.muli %scan3A_262, %mul3A_263 : i32
      %swap3A_265 = arith.index_cast %mul3A_264 : i32 to index
      %swap3A_266 = tpu.vector_load %arg10[%swap3A_265] {strides = array<i32>} : memref<4096xi32, #tpu.memory_space<vmem>>, vector<16xi32>,
      tpu.vector_store %arg10[%swap3A_265], %broadcast_in_dim3A_7 {strides = array<i32>} : memref<4096xi32, #tpu.memory_space<vmem>>, vector<16xi32>,
      %scan3A_267 = arith.constant 0 : i32
      %scan3A_268 = arith.constant 4 : i32
      %scan3A_269 = arith.addi %scan3A_241, %scan3A_268 : i32
      %mul3A_270 = arith.constant 16 : i32
      %mul3A_271 = arith.muli %scan3A_269, %mul3A_270 : i32
      %swap3A_272 = arith.index_cast %mul3A_271 : i32 to index
      %swap3A_273 = tpu.vector_load %arg10[%swap3A_272] {strides = array<i32>} : memref<4096xi32, #tpu.memory_space<vmem>>, vector<16xi32>,
      tpu.vector_store %arg10[%swap3A_272], %broadcast_in_dim3A_7 {strides = array<i32>} : memref<4096xi32, #tpu.memory_space<vmem>>, vector<16xi32>,
      %scan3A_274 = arith.constant 0 : i32
      %scan3A_275 = arith.constant 5 : i32
      %scan3A_276 = arith.addi %scan3A_241, %scan3A_275 : i32
      %mul3A_277 = arith.constant 16 : i32
      %mul3A_278 = arith.muli %scan3A_276, %mul3A_277 : i32
      %swap3A_279 = arith.index_cast %mul3A_278 : i32 to index
      %swap3A_280 = tpu.vector_load %arg10[%swap3A_279] {strides = array<i32>} : memref<4096xi32, #tpu.memory_space<vmem>>, vector<16xi32>,
      tpu.vector_store %arg10[%swap3A_279], %broadcast_in_dim3A_7 {strides = array<i32>} : memref<4096xi32, #tpu.memory_space<vmem>>, vector<16xi32>,
      %scan3A_281 = arith.constant 0 : i32
      %scan3A_282 = arith.constant 6 : i32
      %scan3A_283 = arith.addi %scan3A_241, %scan3A_282 : i32
      %mul3A_284 = arith.constant 16 : i32
      %mul3A_285 = arith.muli %scan3A_283, %mul3A_284 : i32
      %swap3A_286 = arith.index_cast %mul3A_285 : i32 to index
      %swap3A_287 = tpu.vector_load %arg10[%swap3A_286] {strides = array<i32>} : memref<4096xi32, #tpu.memory_space<vmem>>, vector<16xi32>,
      tpu.vector_store %arg10[%swap3A_286], %broadcast_in_dim3A_7 {strides = array<i32>} : memref<4096xi32, #tpu.memory_space<vmem>>, vector<16xi32>,
      %scan3A_288 = arith.constant 0 : i32
      %scan3A_289 = arith.constant 7 : i32
      %scan3A_290 = arith.addi %scan3A_241, %scan3A_289 : i32
      %mul3A_291 = arith.constant 16 : i32
      %mul3A_292 = arith.muli %scan3A_290, %mul3A_291 : i32
      %swap3A_293 = arith.index_cast %mul3A_292 : i32 to index
      %swap3A_294 = tpu.vector_load %arg10[%swap3A_293] {strides = array<i32>} : memref<4096xi32, #tpu.memory_space<vmem>>, vector<16xi32>,
      tpu.vector_store %arg10[%swap3A_293], %broadcast_in_dim3A_7 {strides = array<i32>} : memref<4096xi32, #tpu.memory_space<vmem>>, vector<16xi32>,
      %scan3A_295 = arith.constant 0 : i32
      scf.yield %scan3A_295 : i32
    }
    %scan3A_47 = arith.constant 256 : i32
    %scan3A_48 = arith.constant 0 : i32
    %scan3A_49 = arith.constant 0 : i32
    %scan3A_50 = arith.constant 512 : i32
    %scan3A_51 = arith.addi %scan3A_49, %scan3A_50 : i32
    %scan3A_52 = arith.constant 4 : i32
    %scan3A_53 = scf.for %scan3A_241 = %scan3A_49 to %scan3A_51 step %scan3A_52 iter_args(%scan3A_242 = %scan3A_48) -> (i32)  : i32 {
      %add3A_243 = vector.broadcast %scan3A_241 : i32 to vector<16xi32>
      %add3A_244 = arith.addi %mul3A_6, %add3A_243 : vector<16xi32>
      %gather3A = tpu.vector_load_idx %arg5[%add3A_244] : memref<8208xi32, #tpu.memory_space<vmem>>[vector<16xi32>], vector<16xi32>,
      %shift_right_arithmetic3A = arith.constant 8 : i32
      %shift_right_arithmetic3A_245 = vector.broadcast %shift_right_arithmetic3A : i32 to vector<16xi32>
      %shift_right_arithmetic3A_246 = arith.shrsi %gather3A, %shift_right_arithmetic3A_245 : vector<16xi32>
      %and3A = arith.constant 255 : i32
      %and3A_247 = vector.broadcast %and3A : i32 to vector<16xi32>
      %and3A_248 = arith.andi %shift_right_arithmetic3A_246, %and3A_247 : vector<16xi32>
      %shift_left3A = arith.constant 4 : i32
      %shift_left3A_249 = vector.broadcast %shift_left3A : i32 to vector<16xi32>
      %shift_left3A_250 = arith.shli %and3A_248, %shift_left3A_249 : vector<16xi32>
      %or3A = arith.ori %shift_left3A_250, %iota3A : vector<16xi32>
      tpu.vector_store_idx %arg10[%or3A], %broadcast_in_dim3A_9 {add = true} : memref<4096xi32, #tpu.memory_space<vmem>>[vector<16xi32>], vector<16xi32>,
      %scan3A_251 = arith.constant 0 : i32
      %scan3A_252 = arith.constant 1 : i32
      %scan3A_253 = arith.addi %scan3A_241, %scan3A_252 : i32
      %add3A_254 = vector.broadcast %scan3A_253 : i32 to vector<16xi32>
      %add3A_255 = arith.addi %mul3A_6, %add3A_254 : vector<16xi32>
      %gather3A_256 = tpu.vector_load_idx %arg5[%add3A_255] : memref<8208xi32, #tpu.memory_space<vmem>>[vector<16xi32>], vector<16xi32>,
      %shift_right_arithmetic3A_257 = arith.constant 8 : i32
      %shift_right_arithmetic3A_258 = vector.broadcast %shift_right_arithmetic3A_257 : i32 to vector<16xi32>
      %shift_right_arithmetic3A_259 = arith.shrsi %gather3A_256, %shift_right_arithmetic3A_258 : vector<16xi32>
      %and3A_260 = arith.constant 255 : i32
      %and3A_261 = vector.broadcast %and3A_260 : i32 to vector<16xi32>
      %and3A_262 = arith.andi %shift_right_arithmetic3A_259, %and3A_261 : vector<16xi32>
      %shift_left3A_263 = arith.constant 4 : i32
      %shift_left3A_264 = vector.broadcast %shift_left3A_263 : i32 to vector<16xi32>
      %shift_left3A_265 = arith.shli %and3A_262, %shift_left3A_264 : vector<16xi32>
      %or3A_266 = arith.ori %shift_left3A_265, %iota3A : vector<16xi32>
      tpu.vector_store_idx %arg10[%or3A_266], %broadcast_in_dim3A_9 {add = true} : memref<4096xi32, #tpu.memory_space<vmem>>[vector<16xi32>], vector<16xi32>,
      %scan3A_267 = arith.constant 0 : i32
      %scan3A_268 = arith.constant 2 : i32
      %scan3A_269 = arith.addi %scan3A_241, %scan3A_268 : i32
      %add3A_270 = vector.broadcast %scan3A_269 : i32 to vector<16xi32>
      %add3A_271 = arith.addi %mul3A_6, %add3A_270 : vector<16xi32>
      %gather3A_272 = tpu.vector_load_idx %arg5[%add3A_271] : memref<8208xi32, #tpu.memory_space<vmem>>[vector<16xi32>], vector<16xi32>,
      %shift_right_arithmetic3A_273 = arith.constant 8 : i32
      %shift_right_arithmetic3A_274 = vector.broadcast %shift_right_arithmetic3A_273 : i32 to vector<16xi32>
      %shift_right_arithmetic3A_275 = arith.shrsi %gather3A_272, %shift_right_arithmetic3A_274 : vector<16xi32>
      %and3A_276 = arith.constant 255 : i32
      %and3A_277 = vector.broadcast %and3A_276 : i32 to vector<16xi32>
      %and3A_278 = arith.andi %shift_right_arithmetic3A_275, %and3A_277 : vector<16xi32>
      %shift_left3A_279 = arith.constant 4 : i32
      %shift_left3A_280 = vector.broadcast %shift_left3A_279 : i32 to vector<16xi32>
      %shift_left3A_281 = arith.shli %and3A_278, %shift_left3A_280 : vector<16xi32>
      %or3A_282 = arith.ori %shift_left3A_281, %iota3A : vector<16xi32>
      tpu.vector_store_idx %arg10[%or3A_282], %broadcast_in_dim3A_9 {add = true} : memref<4096xi32, #tpu.memory_space<vmem>>[vector<16xi32>], vector<16xi32>,
      %scan3A_283 = arith.constant 0 : i32
      %scan3A_284 = arith.constant 3 : i32
      %scan3A_285 = arith.addi %scan3A_241, %scan3A_284 : i32
      %add3A_286 = vector.broadcast %scan3A_285 : i32 to vector<16xi32>
      %add3A_287 = arith.addi %mul3A_6, %add3A_286 : vector<16xi32>
      %gather3A_288 = tpu.vector_load_idx %arg5[%add3A_287] : memref<8208xi32, #tpu.memory_space<vmem>>[vector<16xi32>], vector<16xi32>,
      %shift_right_arithmetic3A_289 = arith.constant 8 : i32
      %shift_right_arithmetic3A_290 = vector.broadcast %shift_right_arithmetic3A_289 : i32 to vector<16xi32>
      %shift_right_arithmetic3A_291 = arith.shrsi %gather3A_288, %shift_right_arithmetic3A_290 : vector<16xi32>
      %and3A_292 = arith.constant 255 : i32
      %and3A_293 = vector.broadcast %and3A_292 : i32 to vector<16xi32>
      %and3A_294 = arith.andi %shift_right_arithmetic3A_291, %and3A_293 : vector<16xi32>
      %shift_left3A_295 = arith.constant 4 : i32
      %shift_left3A_296 = vector.broadcast %shift_left3A_295 : i32 to vector<16xi32>
      %shift_left3A_297 = arith.shli %and3A_294, %shift_left3A_296 : vector<16xi32>
      %or3A_298 = arith.ori %shift_left3A_297, %iota3A : vector<16xi32>
      tpu.vector_store_idx %arg10[%or3A_298], %broadcast_in_dim3A_9 {add = true} : memref<4096xi32, #tpu.memory_space<vmem>>[vector<16xi32>], vector<16xi32>,
      %scan3A_299 = arith.constant 0 : i32
      scf.yield %scan3A_299 : i32
    }
    %scan3A_54 = arith.constant 512 : i32
    %scan3A_55 = arith.constant 0 : i32
    %scan3A_56 = arith.constant 0 : i32
    %scan3A_57 = arith.constant 256 : i32
    %scan3A_58 = arith.addi %scan3A_56, %scan3A_57 : i32
    %scan3A_59 = arith.constant 2 : i32
    %scan3A_60 = scf.for %scan3A_241 = %scan3A_56 to %scan3A_58 step %scan3A_59 iter_args(%scan3A_242 = %scan3A_55) -> (i32)  : i32 {
      %mul3A_243 = arith.constant 16 : i32
      %mul3A_244 = arith.muli %scan3A_241, %mul3A_243 : i32
      %get3A = arith.index_cast %mul3A_244 : i32 to index
      %get3A_245 = tpu.vector_load %arg10[%get3A] {strides = array<i32>} : memref<4096xi32, #tpu.memory_space<vmem>>, vector<16xi32>,
      %broadcast_in_dim3A_246 = arith.constant true
      %broadcast_in_dim3A_247 = vector.broadcast %broadcast_in_dim3A_246 : i1 to vector<16xi1>
      %masked_cumsum3A = tpu.scan <sum>, %get3A_245 masked %broadcast_in_dim3A_247 : vector<16xi32>, vector<16xi1> -> vector<16xi32>
      %sub3A = arith.subi %masked_cumsum3A, %get3A_245 : vector<16xi32>
      %add3A_248 = vector.broadcast %scan3A_242 : i32 to vector<16xi32>
      %add3A_249 = arith.addi %sub3A, %add3A_248 : vector<16xi32>
      %mul3A_250 = arith.constant 16 : i32
      %mul3A_251 = arith.muli %scan3A_241, %mul3A_250 : i32
      %swap3A = arith.index_cast %mul3A_251 : i32 to index
      %swap3A_252 = tpu.vector_load %arg10[%swap3A] {strides = array<i32>} : memref<4096xi32, #tpu.memory_space<vmem>>, vector<16xi32>,
      tpu.vector_store %arg10[%swap3A], %add3A_249 {strides = array<i32>} : memref<4096xi32, #tpu.memory_space<vmem>>, vector<16xi32>,
      %reduce_max3A = arith.constant true
      %reduce_max3A_253 = vector.broadcast %reduce_max3A : i1 to vector<16xi1>
      %reduce_max3A_254 = arith.constant -2147483648 : i32
      %reduce_max3A_255 = vector.broadcast %reduce_max3A_254 : i32 to vector<16xi32>
      %reduce_max3A_256 = arith.xori %masked_cumsum3A, %reduce_max3A_255 : vector<16xi32>
      %reduce_max3A_257 = tpu.scan <max>, %reduce_max3A_256 masked %reduce_max3A_253 : vector<16xi32>, vector<16xi1> -> vector<16xi32>
      %reduce_max3A_258 = arith.xori %reduce_max3A_257, %reduce_max3A_255 : vector<16xi32>
      %reduce_max3A_259 = vector.extract %reduce_max3A_258[15] : i32 from vector<16xi32>
      %add3A_260 = arith.addi %scan3A_242, %reduce_max3A_259 : i32
      %scan3A_261 = arith.constant 1 : i32
      %scan3A_262 = arith.addi %scan3A_241, %scan3A_261 : i32
      %mul3A_263 = arith.constant 16 : i32
      %mul3A_264 = arith.muli %scan3A_262, %mul3A_263 : i32
      %get3A_265 = arith.index_cast %mul3A_264 : i32 to index
      %get3A_266 = tpu.vector_load %arg10[%get3A_265] {strides = array<i32>} : memref<4096xi32, #tpu.memory_space<vmem>>, vector<16xi32>,
      %broadcast_in_dim3A_267 = arith.constant true
      %broadcast_in_dim3A_268 = vector.broadcast %broadcast_in_dim3A_267 : i1 to vector<16xi1>
      %masked_cumsum3A_269 = tpu.scan <sum>, %get3A_266 masked %broadcast_in_dim3A_268 : vector<16xi32>, vector<16xi1> -> vector<16xi32>
      %sub3A_270 = arith.subi %masked_cumsum3A_269, %get3A_266 : vector<16xi32>
      %add3A_271 = vector.broadcast %add3A_260 : i32 to vector<16xi32>
      %add3A_272 = arith.addi %sub3A_270, %add3A_271 : vector<16xi32>
      %mul3A_273 = arith.constant 16 : i32
      %mul3A_274 = arith.muli %scan3A_262, %mul3A_273 : i32
      %swap3A_275 = arith.index_cast %mul3A_274 : i32 to index
      %swap3A_276 = tpu.vector_load %arg10[%swap3A_275] {strides = array<i32>} : memref<4096xi32, #tpu.memory_space<vmem>>, vector<16xi32>,
      tpu.vector_store %arg10[%swap3A_275], %add3A_272 {strides = array<i32>} : memref<4096xi32, #tpu.memory_space<vmem>>, vector<16xi32>,
      %reduce_max3A_277 = arith.constant true
      %reduce_max3A_278 = vector.broadcast %reduce_max3A_277 : i1 to vector<16xi1>
      %reduce_max3A_279 = arith.constant -2147483648 : i32
      %reduce_max3A_280 = vector.broadcast %reduce_max3A_279 : i32 to vector<16xi32>
      %reduce_max3A_281 = arith.xori %masked_cumsum3A_269, %reduce_max3A_280 : vector<16xi32>
      %reduce_max3A_282 = tpu.scan <max>, %reduce_max3A_281 masked %reduce_max3A_278 : vector<16xi32>, vector<16xi1> -> vector<16xi32>
      %reduce_max3A_283 = arith.xori %reduce_max3A_282, %reduce_max3A_280 : vector<16xi32>
      %reduce_max3A_284 = vector.extract %reduce_max3A_283[15] : i32 from vector<16xi32>
      %add3A_285 = arith.addi %add3A_260, %reduce_max3A_284 : i32
      scf.yield %add3A_285 : i32
    }
    %scan3A_61 = arith.constant 256 : i32
    %scan3A_62 = arith.constant 0 : i32
    %scan3A_63 = arith.constant 0 : i32
    %scan3A_64 = arith.constant 512 : i32
    %scan3A_65 = arith.addi %scan3A_63, %scan3A_64 : i32
    %scan3A_66 = arith.constant 2 : i32
    %scan3A_67 = scf.for %scan3A_241 = %scan3A_63 to %scan3A_65 step %scan3A_66 iter_args(%scan3A_242 = %scan3A_62) -> (i32)  : i32 {
      %add3A_243 = vector.broadcast %scan3A_241 : i32 to vector<16xi32>
      %add3A_244 = arith.addi %mul3A_6, %add3A_243 : vector<16xi32>
      %gather3A = tpu.vector_load_idx %arg5[%add3A_244] : memref<8208xi32, #tpu.memory_space<vmem>>[vector<16xi32>], vector<16xi32>,
      %gather3A_245 = tpu.vector_load_idx %arg7[%add3A_244] : memref<8208xi32, #tpu.memory_space<vmem>>[vector<16xi32>], vector<16xi32>,
      %shift_right_arithmetic3A = arith.constant 8 : i32
      %shift_right_arithmetic3A_246 = vector.broadcast %shift_right_arithmetic3A : i32 to vector<16xi32>
      %shift_right_arithmetic3A_247 = arith.shrsi %gather3A, %shift_right_arithmetic3A_246 : vector<16xi32>
      %and3A = arith.constant 255 : i32
      %and3A_248 = vector.broadcast %and3A : i32 to vector<16xi32>
      %and3A_249 = arith.andi %shift_right_arithmetic3A_247, %and3A_248 : vector<16xi32>
      %shift_left3A = arith.constant 4 : i32
      %shift_left3A_250 = vector.broadcast %shift_left3A : i32 to vector<16xi32>
      %shift_left3A_251 = arith.shli %and3A_249, %shift_left3A_250 : vector<16xi32>
      %or3A = arith.ori %shift_left3A_251, %iota3A : vector<16xi32>
      %gather3A_252 = tpu.vector_load_idx %arg10[%or3A] : memref<4096xi32, #tpu.memory_space<vmem>>[vector<16xi32>], vector<16xi32>,
      %add3A_253 = arith.constant 1 : i32
      %add3A_254 = vector.broadcast %add3A_253 : i32 to vector<16xi32>
      %add3A_255 = arith.addi %gather3A_252, %add3A_254 : vector<16xi32>
      tpu.vector_store_idx %arg10[%or3A], %add3A_255 : memref<4096xi32, #tpu.memory_space<vmem>>[vector<16xi32>], vector<16xi32>,
      %shift_right_arithmetic3A_256 = arith.constant 9 : i32
      %shift_right_arithmetic3A_257 = vector.broadcast %shift_right_arithmetic3A_256 : i32 to vector<16xi32>
      %shift_right_arithmetic3A_258 = arith.shrsi %gather3A_252, %shift_right_arithmetic3A_257 : vector<16xi32>
      %add3A_259 = arith.addi %gather3A_252, %shift_right_arithmetic3A_258 : vector<16xi32>
      tpu.vector_store_idx %arg6[%add3A_259], %gather3A : memref<8208xi32, #tpu.memory_space<vmem>>[vector<16xi32>], vector<16xi32>,
      tpu.vector_store_idx %arg8[%add3A_259], %gather3A_245 : memref<8208xi32, #tpu.memory_space<vmem>>[vector<16xi32>], vector<16xi32>,
      %scan3A_260 = arith.constant 0 : i32
      %scan3A_261 = arith.constant 1 : i32
      %scan3A_262 = arith.addi %scan3A_241, %scan3A_261 : i32
      %add3A_263 = vector.broadcast %scan3A_262 : i32 to vector<16xi32>
      %add3A_264 = arith.addi %mul3A_6, %add3A_263 : vector<16xi32>
      %gather3A_265 = tpu.vector_load_idx %arg5[%add3A_264] : memref<8208xi32, #tpu.memory_space<vmem>>[vector<16xi32>], vector<16xi32>,
      %gather3A_266 = tpu.vector_load_idx %arg7[%add3A_264] : memref<8208xi32, #tpu.memory_space<vmem>>[vector<16xi32>], vector<16xi32>,
      %shift_right_arithmetic3A_267 = arith.constant 8 : i32
      %shift_right_arithmetic3A_268 = vector.broadcast %shift_right_arithmetic3A_267 : i32 to vector<16xi32>
      %shift_right_arithmetic3A_269 = arith.shrsi %gather3A_265, %shift_right_arithmetic3A_268 : vector<16xi32>
      %and3A_270 = arith.constant 255 : i32
      %and3A_271 = vector.broadcast %and3A_270 : i32 to vector<16xi32>
      %and3A_272 = arith.andi %shift_right_arithmetic3A_269, %and3A_271 : vector<16xi32>
      %shift_left3A_273 = arith.constant 4 : i32
      %shift_left3A_274 = vector.broadcast %shift_left3A_273 : i32 to vector<16xi32>
      %shift_left3A_275 = arith.shli %and3A_272, %shift_left3A_274 : vector<16xi32>
      %or3A_276 = arith.ori %shift_left3A_275, %iota3A : vector<16xi32>
      %gather3A_277 = tpu.vector_load_idx %arg10[%or3A_276] : memref<4096xi32, #tpu.memory_space<vmem>>[vector<16xi32>], vector<16xi32>,
      %add3A_278 = arith.constant 1 : i32
      %add3A_279 = vector.broadcast %add3A_278 : i32 to vector<16xi32>
      %add3A_280 = arith.addi %gather3A_277, %add3A_279 : vector<16xi32>
      tpu.vector_store_idx %arg10[%or3A_276], %add3A_280 : memref<4096xi32, #tpu.memory_space<vmem>>[vector<16xi32>], vector<16xi32>,
      %shift_right_arithmetic3A_281 = arith.constant 9 : i32
      %shift_right_arithmetic3A_282 = vector.broadcast %shift_right_arithmetic3A_281 : i32 to vector<16xi32>
      %shift_right_arithmetic3A_283 = arith.shrsi %gather3A_277, %shift_right_arithmetic3A_282 : vector<16xi32>
      %add3A_284 = arith.addi %gather3A_277, %shift_right_arithmetic3A_283 : vector<16xi32>
      tpu.vector_store_idx %arg6[%add3A_284], %gather3A_265 : memref<8208xi32, #tpu.memory_space<vmem>>[vector<16xi32>], vector<16xi32>,
      tpu.vector_store_idx %arg8[%add3A_284], %gather3A_266 : memref<8208xi32, #tpu.memory_space<vmem>>[vector<16xi32>], vector<16xi32>,
      %scan3A_285 = arith.constant 0 : i32
      scf.yield %scan3A_285 : i32
    }
    %scan3A_68 = arith.constant 512 : i32
    %scan3A_69 = arith.constant 0 : i32
    %scan3A_70 = arith.constant 0 : i32
    %scan3A_71 = arith.constant 256 : i32
    %scan3A_72 = arith.addi %scan3A_70, %scan3A_71 : i32
    %scan3A_73 = arith.constant 8 : i32
    %scan3A_74 = scf.for %scan3A_241 = %scan3A_70 to %scan3A_72 step %scan3A_73 iter_args(%scan3A_242 = %scan3A_69) -> (i32)  : i32 {
      %mul3A_243 = arith.constant 16 : i32
      %mul3A_244 = arith.muli %scan3A_241, %mul3A_243 : i32
      %swap3A = arith.index_cast %mul3A_244 : i32 to index
      %swap3A_245 = tpu.vector_load %arg10[%swap3A] {strides = array<i32>} : memref<4096xi32, #tpu.memory_space<vmem>>, vector<16xi32>,
      tpu.vector_store %arg10[%swap3A], %broadcast_in_dim3A_7 {strides = array<i32>} : memref<4096xi32, #tpu.memory_space<vmem>>, vector<16xi32>,
      %scan3A_246 = arith.constant 0 : i32
      %scan3A_247 = arith.constant 1 : i32
      %scan3A_248 = arith.addi %scan3A_241, %scan3A_247 : i32
      %mul3A_249 = arith.constant 16 : i32
      %mul3A_250 = arith.muli %scan3A_248, %mul3A_249 : i32
      %swap3A_251 = arith.index_cast %mul3A_250 : i32 to index
      %swap3A_252 = tpu.vector_load %arg10[%swap3A_251] {strides = array<i32>} : memref<4096xi32, #tpu.memory_space<vmem>>, vector<16xi32>,
      tpu.vector_store %arg10[%swap3A_251], %broadcast_in_dim3A_7 {strides = array<i32>} : memref<4096xi32, #tpu.memory_space<vmem>>, vector<16xi32>,
      %scan3A_253 = arith.constant 0 : i32
      %scan3A_254 = arith.constant 2 : i32
      %scan3A_255 = arith.addi %scan3A_241, %scan3A_254 : i32
      %mul3A_256 = arith.constant 16 : i32
      %mul3A_257 = arith.muli %scan3A_255, %mul3A_256 : i32
      %swap3A_258 = arith.index_cast %mul3A_257 : i32 to index
      %swap3A_259 = tpu.vector_load %arg10[%swap3A_258] {strides = array<i32>} : memref<4096xi32, #tpu.memory_space<vmem>>, vector<16xi32>,
      tpu.vector_store %arg10[%swap3A_258], %broadcast_in_dim3A_7 {strides = array<i32>} : memref<4096xi32, #tpu.memory_space<vmem>>, vector<16xi32>,
      %scan3A_260 = arith.constant 0 : i32
      %scan3A_261 = arith.constant 3 : i32
      %scan3A_262 = arith.addi %scan3A_241, %scan3A_261 : i32
      %mul3A_263 = arith.constant 16 : i32
      %mul3A_264 = arith.muli %scan3A_262, %mul3A_263 : i32
      %swap3A_265 = arith.index_cast %mul3A_264 : i32 to index
      %swap3A_266 = tpu.vector_load %arg10[%swap3A_265] {strides = array<i32>} : memref<4096xi32, #tpu.memory_space<vmem>>, vector<16xi32>,
      tpu.vector_store %arg10[%swap3A_265], %broadcast_in_dim3A_7 {strides = array<i32>} : memref<4096xi32, #tpu.memory_space<vmem>>, vector<16xi32>,
      %scan3A_267 = arith.constant 0 : i32
      %scan3A_268 = arith.constant 4 : i32
      %scan3A_269 = arith.addi %scan3A_241, %scan3A_268 : i32
      %mul3A_270 = arith.constant 16 : i32
      %mul3A_271 = arith.muli %scan3A_269, %mul3A_270 : i32
      %swap3A_272 = arith.index_cast %mul3A_271 : i32 to index
      %swap3A_273 = tpu.vector_load %arg10[%swap3A_272] {strides = array<i32>} : memref<4096xi32, #tpu.memory_space<vmem>>, vector<16xi32>,
      tpu.vector_store %arg10[%swap3A_272], %broadcast_in_dim3A_7 {strides = array<i32>} : memref<4096xi32, #tpu.memory_space<vmem>>, vector<16xi32>,
      %scan3A_274 = arith.constant 0 : i32
      %scan3A_275 = arith.constant 5 : i32
      %scan3A_276 = arith.addi %scan3A_241, %scan3A_275 : i32
      %mul3A_277 = arith.constant 16 : i32
      %mul3A_278 = arith.muli %scan3A_276, %mul3A_277 : i32
      %swap3A_279 = arith.index_cast %mul3A_278 : i32 to index
      %swap3A_280 = tpu.vector_load %arg10[%swap3A_279] {strides = array<i32>} : memref<4096xi32, #tpu.memory_space<vmem>>, vector<16xi32>,
      tpu.vector_store %arg10[%swap3A_279], %broadcast_in_dim3A_7 {strides = array<i32>} : memref<4096xi32, #tpu.memory_space<vmem>>, vector<16xi32>,
      %scan3A_281 = arith.constant 0 : i32
      %scan3A_282 = arith.constant 6 : i32
      %scan3A_283 = arith.addi %scan3A_241, %scan3A_282 : i32
      %mul3A_284 = arith.constant 16 : i32
      %mul3A_285 = arith.muli %scan3A_283, %mul3A_284 : i32
      %swap3A_286 = arith.index_cast %mul3A_285 : i32 to index
      %swap3A_287 = tpu.vector_load %arg10[%swap3A_286] {strides = array<i32>} : memref<4096xi32, #tpu.memory_space<vmem>>, vector<16xi32>,
      tpu.vector_store %arg10[%swap3A_286], %broadcast_in_dim3A_7 {strides = array<i32>} : memref<4096xi32, #tpu.memory_space<vmem>>, vector<16xi32>,
      %scan3A_288 = arith.constant 0 : i32
      %scan3A_289 = arith.constant 7 : i32
      %scan3A_290 = arith.addi %scan3A_241, %scan3A_289 : i32
      %mul3A_291 = arith.constant 16 : i32
      %mul3A_292 = arith.muli %scan3A_290, %mul3A_291 : i32
      %swap3A_293 = arith.index_cast %mul3A_292 : i32 to index
      %swap3A_294 = tpu.vector_load %arg10[%swap3A_293] {strides = array<i32>} : memref<4096xi32, #tpu.memory_space<vmem>>, vector<16xi32>,
      tpu.vector_store %arg10[%swap3A_293], %broadcast_in_dim3A_7 {strides = array<i32>} : memref<4096xi32, #tpu.memory_space<vmem>>, vector<16xi32>,
      %scan3A_295 = arith.constant 0 : i32
      scf.yield %scan3A_295 : i32
    }
    %scan3A_75 = arith.constant 256 : i32
    %scan3A_76 = arith.constant 0 : i32
    %scan3A_77 = arith.constant 0 : i32
    %scan3A_78 = arith.constant 512 : i32
    %scan3A_79 = arith.addi %scan3A_77, %scan3A_78 : i32
    %scan3A_80 = arith.constant 4 : i32
    %scan3A_81 = scf.for %scan3A_241 = %scan3A_77 to %scan3A_79 step %scan3A_80 iter_args(%scan3A_242 = %scan3A_76) -> (i32)  : i32 {
      %add3A_243 = vector.broadcast %scan3A_241 : i32 to vector<16xi32>
      %add3A_244 = arith.addi %mul3A_6, %add3A_243 : vector<16xi32>
      %gather3A = tpu.vector_load_idx %arg6[%add3A_244] : memref<8208xi32, #tpu.memory_space<vmem>>[vector<16xi32>], vector<16xi32>,
      %shift_right_arithmetic3A = arith.constant 16 : i32
      %shift_right_arithmetic3A_245 = vector.broadcast %shift_right_arithmetic3A : i32 to vector<16xi32>
      %shift_right_arithmetic3A_246 = arith.shrsi %gather3A, %shift_right_arithmetic3A_245 : vector<16xi32>
      %and3A = arith.constant 255 : i32
      %and3A_247 = vector.broadcast %and3A : i32 to vector<16xi32>
      %and3A_248 = arith.andi %shift_right_arithmetic3A_246, %and3A_247 : vector<16xi32>
      %shift_left3A = arith.constant 4 : i32
      %shift_left3A_249 = vector.broadcast %shift_left3A : i32 to vector<16xi32>
      %shift_left3A_250 = arith.shli %and3A_248, %shift_left3A_249 : vector<16xi32>
      %or3A = arith.ori %shift_left3A_250, %iota3A : vector<16xi32>
      tpu.vector_store_idx %arg10[%or3A], %broadcast_in_dim3A_9 {add = true} : memref<4096xi32, #tpu.memory_space<vmem>>[vector<16xi32>], vector<16xi32>,
      %scan3A_251 = arith.constant 0 : i32
      %scan3A_252 = arith.constant 1 : i32
      %scan3A_253 = arith.addi %scan3A_241, %scan3A_252 : i32
      %add3A_254 = vector.broadcast %scan3A_253 : i32 to vector<16xi32>
      %add3A_255 = arith.addi %mul3A_6, %add3A_254 : vector<16xi32>
      %gather3A_256 = tpu.vector_load_idx %arg6[%add3A_255] : memref<8208xi32, #tpu.memory_space<vmem>>[vector<16xi32>], vector<16xi32>,
      %shift_right_arithmetic3A_257 = arith.constant 16 : i32
      %shift_right_arithmetic3A_258 = vector.broadcast %shift_right_arithmetic3A_257 : i32 to vector<16xi32>
      %shift_right_arithmetic3A_259 = arith.shrsi %gather3A_256, %shift_right_arithmetic3A_258 : vector<16xi32>
      %and3A_260 = arith.constant 255 : i32
      %and3A_261 = vector.broadcast %and3A_260 : i32 to vector<16xi32>
      %and3A_262 = arith.andi %shift_right_arithmetic3A_259, %and3A_261 : vector<16xi32>
      %shift_left3A_263 = arith.constant 4 : i32
      %shift_left3A_264 = vector.broadcast %shift_left3A_263 : i32 to vector<16xi32>
      %shift_left3A_265 = arith.shli %and3A_262, %shift_left3A_264 : vector<16xi32>
      %or3A_266 = arith.ori %shift_left3A_265, %iota3A : vector<16xi32>
      tpu.vector_store_idx %arg10[%or3A_266], %broadcast_in_dim3A_9 {add = true} : memref<4096xi32, #tpu.memory_space<vmem>>[vector<16xi32>], vector<16xi32>,
      %scan3A_267 = arith.constant 0 : i32
      %scan3A_268 = arith.constant 2 : i32
      %scan3A_269 = arith.addi %scan3A_241, %scan3A_268 : i32
      %add3A_270 = vector.broadcast %scan3A_269 : i32 to vector<16xi32>
      %add3A_271 = arith.addi %mul3A_6, %add3A_270 : vector<16xi32>
      %gather3A_272 = tpu.vector_load_idx %arg6[%add3A_271] : memref<8208xi32, #tpu.memory_space<vmem>>[vector<16xi32>], vector<16xi32>,
      %shift_right_arithmetic3A_273 = arith.constant 16 : i32
      %shift_right_arithmetic3A_274 = vector.broadcast %shift_right_arithmetic3A_273 : i32 to vector<16xi32>
      %shift_right_arithmetic3A_275 = arith.shrsi %gather3A_272, %shift_right_arithmetic3A_274 : vector<16xi32>
      %and3A_276 = arith.constant 255 : i32
      %and3A_277 = vector.broadcast %and3A_276 : i32 to vector<16xi32>
      %and3A_278 = arith.andi %shift_right_arithmetic3A_275, %and3A_277 : vector<16xi32>
      %shift_left3A_279 = arith.constant 4 : i32
      %shift_left3A_280 = vector.broadcast %shift_left3A_279 : i32 to vector<16xi32>
      %shift_left3A_281 = arith.shli %and3A_278, %shift_left3A_280 : vector<16xi32>
      %or3A_282 = arith.ori %shift_left3A_281, %iota3A : vector<16xi32>
      tpu.vector_store_idx %arg10[%or3A_282], %broadcast_in_dim3A_9 {add = true} : memref<4096xi32, #tpu.memory_space<vmem>>[vector<16xi32>], vector<16xi32>,
      %scan3A_283 = arith.constant 0 : i32
      %scan3A_284 = arith.constant 3 : i32
      %scan3A_285 = arith.addi %scan3A_241, %scan3A_284 : i32
      %add3A_286 = vector.broadcast %scan3A_285 : i32 to vector<16xi32>
      %add3A_287 = arith.addi %mul3A_6, %add3A_286 : vector<16xi32>
      %gather3A_288 = tpu.vector_load_idx %arg6[%add3A_287] : memref<8208xi32, #tpu.memory_space<vmem>>[vector<16xi32>], vector<16xi32>,
      %shift_right_arithmetic3A_289 = arith.constant 16 : i32
      %shift_right_arithmetic3A_290 = vector.broadcast %shift_right_arithmetic3A_289 : i32 to vector<16xi32>
      %shift_right_arithmetic3A_291 = arith.shrsi %gather3A_288, %shift_right_arithmetic3A_290 : vector<16xi32>
      %and3A_292 = arith.constant 255 : i32
      %and3A_293 = vector.broadcast %and3A_292 : i32 to vector<16xi32>
      %and3A_294 = arith.andi %shift_right_arithmetic3A_291, %and3A_293 : vector<16xi32>
      %shift_left3A_295 = arith.constant 4 : i32
      %shift_left3A_296 = vector.broadcast %shift_left3A_295 : i32 to vector<16xi32>
      %shift_left3A_297 = arith.shli %and3A_294, %shift_left3A_296 : vector<16xi32>
      %or3A_298 = arith.ori %shift_left3A_297, %iota3A : vector<16xi32>
      tpu.vector_store_idx %arg10[%or3A_298], %broadcast_in_dim3A_9 {add = true} : memref<4096xi32, #tpu.memory_space<vmem>>[vector<16xi32>], vector<16xi32>,
      %scan3A_299 = arith.constant 0 : i32
      scf.yield %scan3A_299 : i32
    }
    %scan3A_82 = arith.constant 512 : i32
    %scan3A_83 = arith.constant 0 : i32
    %scan3A_84 = arith.constant 0 : i32
    %scan3A_85 = arith.constant 256 : i32
    %scan3A_86 = arith.addi %scan3A_84, %scan3A_85 : i32
    %scan3A_87 = arith.constant 2 : i32
    %scan3A_88 = scf.for %scan3A_241 = %scan3A_84 to %scan3A_86 step %scan3A_87 iter_args(%scan3A_242 = %scan3A_83) -> (i32)  : i32 {
      %mul3A_243 = arith.constant 16 : i32
      %mul3A_244 = arith.muli %scan3A_241, %mul3A_243 : i32
      %get3A = arith.index_cast %mul3A_244 : i32 to index
      %get3A_245 = tpu.vector_load %arg10[%get3A] {strides = array<i32>} : memref<4096xi32, #tpu.memory_space<vmem>>, vector<16xi32>,
      %broadcast_in_dim3A_246 = arith.constant true
      %broadcast_in_dim3A_247 = vector.broadcast %broadcast_in_dim3A_246 : i1 to vector<16xi1>
      %masked_cumsum3A = tpu.scan <sum>, %get3A_245 masked %broadcast_in_dim3A_247 : vector<16xi32>, vector<16xi1> -> vector<16xi32>
      %sub3A = arith.subi %masked_cumsum3A, %get3A_245 : vector<16xi32>
      %add3A_248 = vector.broadcast %scan3A_242 : i32 to vector<16xi32>
      %add3A_249 = arith.addi %sub3A, %add3A_248 : vector<16xi32>
      %mul3A_250 = arith.constant 16 : i32
      %mul3A_251 = arith.muli %scan3A_241, %mul3A_250 : i32
      %swap3A = arith.index_cast %mul3A_251 : i32 to index
      %swap3A_252 = tpu.vector_load %arg10[%swap3A] {strides = array<i32>} : memref<4096xi32, #tpu.memory_space<vmem>>, vector<16xi32>,
      tpu.vector_store %arg10[%swap3A], %add3A_249 {strides = array<i32>} : memref<4096xi32, #tpu.memory_space<vmem>>, vector<16xi32>,
      %reduce_max3A = arith.constant true
      %reduce_max3A_253 = vector.broadcast %reduce_max3A : i1 to vector<16xi1>
      %reduce_max3A_254 = arith.constant -2147483648 : i32
      %reduce_max3A_255 = vector.broadcast %reduce_max3A_254 : i32 to vector<16xi32>
      %reduce_max3A_256 = arith.xori %masked_cumsum3A, %reduce_max3A_255 : vector<16xi32>
      %reduce_max3A_257 = tpu.scan <max>, %reduce_max3A_256 masked %reduce_max3A_253 : vector<16xi32>, vector<16xi1> -> vector<16xi32>
      %reduce_max3A_258 = arith.xori %reduce_max3A_257, %reduce_max3A_255 : vector<16xi32>
      %reduce_max3A_259 = vector.extract %reduce_max3A_258[15] : i32 from vector<16xi32>
      %add3A_260 = arith.addi %scan3A_242, %reduce_max3A_259 : i32
      %scan3A_261 = arith.constant 1 : i32
      %scan3A_262 = arith.addi %scan3A_241, %scan3A_261 : i32
      %mul3A_263 = arith.constant 16 : i32
      %mul3A_264 = arith.muli %scan3A_262, %mul3A_263 : i32
      %get3A_265 = arith.index_cast %mul3A_264 : i32 to index
      %get3A_266 = tpu.vector_load %arg10[%get3A_265] {strides = array<i32>} : memref<4096xi32, #tpu.memory_space<vmem>>, vector<16xi32>,
      %broadcast_in_dim3A_267 = arith.constant true
      %broadcast_in_dim3A_268 = vector.broadcast %broadcast_in_dim3A_267 : i1 to vector<16xi1>
      %masked_cumsum3A_269 = tpu.scan <sum>, %get3A_266 masked %broadcast_in_dim3A_268 : vector<16xi32>, vector<16xi1> -> vector<16xi32>
      %sub3A_270 = arith.subi %masked_cumsum3A_269, %get3A_266 : vector<16xi32>
      %add3A_271 = vector.broadcast %add3A_260 : i32 to vector<16xi32>
      %add3A_272 = arith.addi %sub3A_270, %add3A_271 : vector<16xi32>
      %mul3A_273 = arith.constant 16 : i32
      %mul3A_274 = arith.muli %scan3A_262, %mul3A_273 : i32
      %swap3A_275 = arith.index_cast %mul3A_274 : i32 to index
      %swap3A_276 = tpu.vector_load %arg10[%swap3A_275] {strides = array<i32>} : memref<4096xi32, #tpu.memory_space<vmem>>, vector<16xi32>,
      tpu.vector_store %arg10[%swap3A_275], %add3A_272 {strides = array<i32>} : memref<4096xi32, #tpu.memory_space<vmem>>, vector<16xi32>,
      %reduce_max3A_277 = arith.constant true
      %reduce_max3A_278 = vector.broadcast %reduce_max3A_277 : i1 to vector<16xi1>
      %reduce_max3A_279 = arith.constant -2147483648 : i32
      %reduce_max3A_280 = vector.broadcast %reduce_max3A_279 : i32 to vector<16xi32>
      %reduce_max3A_281 = arith.xori %masked_cumsum3A_269, %reduce_max3A_280 : vector<16xi32>
      %reduce_max3A_282 = tpu.scan <max>, %reduce_max3A_281 masked %reduce_max3A_278 : vector<16xi32>, vector<16xi1> -> vector<16xi32>
      %reduce_max3A_283 = arith.xori %reduce_max3A_282, %reduce_max3A_280 : vector<16xi32>
      %reduce_max3A_284 = vector.extract %reduce_max3A_283[15] : i32 from vector<16xi32>
      %add3A_285 = arith.addi %add3A_260, %reduce_max3A_284 : i32
      scf.yield %add3A_285 : i32
    }
    %scan3A_89 = arith.constant 256 : i32
    %scan3A_90 = arith.constant 0 : i32
    %scan3A_91 = arith.constant 0 : i32
    %scan3A_92 = arith.constant 512 : i32
    %scan3A_93 = arith.addi %scan3A_91, %scan3A_92 : i32
    %scan3A_94 = arith.constant 2 : i32
    %scan3A_95 = scf.for %scan3A_241 = %scan3A_91 to %scan3A_93 step %scan3A_94 iter_args(%scan3A_242 = %scan3A_90) -> (i32)  : i32 {
      %add3A_243 = vector.broadcast %scan3A_241 : i32 to vector<16xi32>
      %add3A_244 = arith.addi %mul3A_6, %add3A_243 : vector<16xi32>
      %gather3A = tpu.vector_load_idx %arg6[%add3A_244] : memref<8208xi32, #tpu.memory_space<vmem>>[vector<16xi32>], vector<16xi32>,
      %gather3A_245 = tpu.vector_load_idx %arg8[%add3A_244] : memref<8208xi32, #tpu.memory_space<vmem>>[vector<16xi32>], vector<16xi32>,
      %shift_right_arithmetic3A = arith.constant 16 : i32
      %shift_right_arithmetic3A_246 = vector.broadcast %shift_right_arithmetic3A : i32 to vector<16xi32>
      %shift_right_arithmetic3A_247 = arith.shrsi %gather3A, %shift_right_arithmetic3A_246 : vector<16xi32>
      %and3A = arith.constant 255 : i32
      %and3A_248 = vector.broadcast %and3A : i32 to vector<16xi32>
      %and3A_249 = arith.andi %shift_right_arithmetic3A_247, %and3A_248 : vector<16xi32>
      %shift_left3A = arith.constant 4 : i32
      %shift_left3A_250 = vector.broadcast %shift_left3A : i32 to vector<16xi32>
      %shift_left3A_251 = arith.shli %and3A_249, %shift_left3A_250 : vector<16xi32>
      %or3A = arith.ori %shift_left3A_251, %iota3A : vector<16xi32>
      %gather3A_252 = tpu.vector_load_idx %arg10[%or3A] : memref<4096xi32, #tpu.memory_space<vmem>>[vector<16xi32>], vector<16xi32>,
      %add3A_253 = arith.constant 1 : i32
      %add3A_254 = vector.broadcast %add3A_253 : i32 to vector<16xi32>
      %add3A_255 = arith.addi %gather3A_252, %add3A_254 : vector<16xi32>
      tpu.vector_store_idx %arg10[%or3A], %add3A_255 : memref<4096xi32, #tpu.memory_space<vmem>>[vector<16xi32>], vector<16xi32>,
      %shift_right_arithmetic3A_256 = arith.constant 9 : i32
      %shift_right_arithmetic3A_257 = vector.broadcast %shift_right_arithmetic3A_256 : i32 to vector<16xi32>
      %shift_right_arithmetic3A_258 = arith.shrsi %gather3A_252, %shift_right_arithmetic3A_257 : vector<16xi32>
      %add3A_259 = arith.addi %gather3A_252, %shift_right_arithmetic3A_258 : vector<16xi32>
      tpu.vector_store_idx %arg5[%add3A_259], %gather3A : memref<8208xi32, #tpu.memory_space<vmem>>[vector<16xi32>], vector<16xi32>,
      tpu.vector_store_idx %arg7[%add3A_259], %gather3A_245 : memref<8208xi32, #tpu.memory_space<vmem>>[vector<16xi32>], vector<16xi32>,
      %scan3A_260 = arith.constant 0 : i32
      %scan3A_261 = arith.constant 1 : i32
      %scan3A_262 = arith.addi %scan3A_241, %scan3A_261 : i32
      %add3A_263 = vector.broadcast %scan3A_262 : i32 to vector<16xi32>
      %add3A_264 = arith.addi %mul3A_6, %add3A_263 : vector<16xi32>
      %gather3A_265 = tpu.vector_load_idx %arg6[%add3A_264] : memref<8208xi32, #tpu.memory_space<vmem>>[vector<16xi32>], vector<16xi32>,
      %gather3A_266 = tpu.vector_load_idx %arg8[%add3A_264] : memref<8208xi32, #tpu.memory_space<vmem>>[vector<16xi32>], vector<16xi32>,
      %shift_right_arithmetic3A_267 = arith.constant 16 : i32
      %shift_right_arithmetic3A_268 = vector.broadcast %shift_right_arithmetic3A_267 : i32 to vector<16xi32>
      %shift_right_arithmetic3A_269 = arith.shrsi %gather3A_265, %shift_right_arithmetic3A_268 : vector<16xi32>
      %and3A_270 = arith.constant 255 : i32
      %and3A_271 = vector.broadcast %and3A_270 : i32 to vector<16xi32>
      %and3A_272 = arith.andi %shift_right_arithmetic3A_269, %and3A_271 : vector<16xi32>
      %shift_left3A_273 = arith.constant 4 : i32
      %shift_left3A_274 = vector.broadcast %shift_left3A_273 : i32 to vector<16xi32>
      %shift_left3A_275 = arith.shli %and3A_272, %shift_left3A_274 : vector<16xi32>
      %or3A_276 = arith.ori %shift_left3A_275, %iota3A : vector<16xi32>
      %gather3A_277 = tpu.vector_load_idx %arg10[%or3A_276] : memref<4096xi32, #tpu.memory_space<vmem>>[vector<16xi32>], vector<16xi32>,
      %add3A_278 = arith.constant 1 : i32
      %add3A_279 = vector.broadcast %add3A_278 : i32 to vector<16xi32>
      %add3A_280 = arith.addi %gather3A_277, %add3A_279 : vector<16xi32>
      tpu.vector_store_idx %arg10[%or3A_276], %add3A_280 : memref<4096xi32, #tpu.memory_space<vmem>>[vector<16xi32>], vector<16xi32>,
      %shift_right_arithmetic3A_281 = arith.constant 9 : i32
      %shift_right_arithmetic3A_282 = vector.broadcast %shift_right_arithmetic3A_281 : i32 to vector<16xi32>
      %shift_right_arithmetic3A_283 = arith.shrsi %gather3A_277, %shift_right_arithmetic3A_282 : vector<16xi32>
      %add3A_284 = arith.addi %gather3A_277, %shift_right_arithmetic3A_283 : vector<16xi32>
      tpu.vector_store_idx %arg5[%add3A_284], %gather3A_265 : memref<8208xi32, #tpu.memory_space<vmem>>[vector<16xi32>], vector<16xi32>,
      tpu.vector_store_idx %arg7[%add3A_284], %gather3A_266 : memref<8208xi32, #tpu.memory_space<vmem>>[vector<16xi32>], vector<16xi32>,
      %scan3A_285 = arith.constant 0 : i32
      scf.yield %scan3A_285 : i32
    }
    %scan3A_96 = arith.constant 512 : i32
    %scan3A_97 = arith.constant 0 : i32
    %scan3A_98 = arith.constant 0 : i32
    %scan3A_99 = arith.constant 256 : i32
    %scan3A_100 = arith.addi %scan3A_98, %scan3A_99 : i32
    %scan3A_101 = arith.constant 8 : i32
    %scan3A_102 = scf.for %scan3A_241 = %scan3A_98 to %scan3A_100 step %scan3A_101 iter_args(%scan3A_242 = %scan3A_97) -> (i32)  : i32 {
      %mul3A_243 = arith.constant 16 : i32
      %mul3A_244 = arith.muli %scan3A_241, %mul3A_243 : i32
      %swap3A = arith.index_cast %mul3A_244 : i32 to index
      %swap3A_245 = tpu.vector_load %arg10[%swap3A] {strides = array<i32>} : memref<4096xi32, #tpu.memory_space<vmem>>, vector<16xi32>,
      tpu.vector_store %arg10[%swap3A], %broadcast_in_dim3A_7 {strides = array<i32>} : memref<4096xi32, #tpu.memory_space<vmem>>, vector<16xi32>,
      %scan3A_246 = arith.constant 0 : i32
      %scan3A_247 = arith.constant 1 : i32
      %scan3A_248 = arith.addi %scan3A_241, %scan3A_247 : i32
      %mul3A_249 = arith.constant 16 : i32
      %mul3A_250 = arith.muli %scan3A_248, %mul3A_249 : i32
      %swap3A_251 = arith.index_cast %mul3A_250 : i32 to index
      %swap3A_252 = tpu.vector_load %arg10[%swap3A_251] {strides = array<i32>} : memref<4096xi32, #tpu.memory_space<vmem>>, vector<16xi32>,
      tpu.vector_store %arg10[%swap3A_251], %broadcast_in_dim3A_7 {strides = array<i32>} : memref<4096xi32, #tpu.memory_space<vmem>>, vector<16xi32>,
      %scan3A_253 = arith.constant 0 : i32
      %scan3A_254 = arith.constant 2 : i32
      %scan3A_255 = arith.addi %scan3A_241, %scan3A_254 : i32
      %mul3A_256 = arith.constant 16 : i32
      %mul3A_257 = arith.muli %scan3A_255, %mul3A_256 : i32
      %swap3A_258 = arith.index_cast %mul3A_257 : i32 to index
      %swap3A_259 = tpu.vector_load %arg10[%swap3A_258] {strides = array<i32>} : memref<4096xi32, #tpu.memory_space<vmem>>, vector<16xi32>,
      tpu.vector_store %arg10[%swap3A_258], %broadcast_in_dim3A_7 {strides = array<i32>} : memref<4096xi32, #tpu.memory_space<vmem>>, vector<16xi32>,
      %scan3A_260 = arith.constant 0 : i32
      %scan3A_261 = arith.constant 3 : i32
      %scan3A_262 = arith.addi %scan3A_241, %scan3A_261 : i32
      %mul3A_263 = arith.constant 16 : i32
      %mul3A_264 = arith.muli %scan3A_262, %mul3A_263 : i32
      %swap3A_265 = arith.index_cast %mul3A_264 : i32 to index
      %swap3A_266 = tpu.vector_load %arg10[%swap3A_265] {strides = array<i32>} : memref<4096xi32, #tpu.memory_space<vmem>>, vector<16xi32>,
      tpu.vector_store %arg10[%swap3A_265], %broadcast_in_dim3A_7 {strides = array<i32>} : memref<4096xi32, #tpu.memory_space<vmem>>, vector<16xi32>,
      %scan3A_267 = arith.constant 0 : i32
      %scan3A_268 = arith.constant 4 : i32
      %scan3A_269 = arith.addi %scan3A_241, %scan3A_268 : i32
      %mul3A_270 = arith.constant 16 : i32
      %mul3A_271 = arith.muli %scan3A_269, %mul3A_270 : i32
      %swap3A_272 = arith.index_cast %mul3A_271 : i32 to index
      %swap3A_273 = tpu.vector_load %arg10[%swap3A_272] {strides = array<i32>} : memref<4096xi32, #tpu.memory_space<vmem>>, vector<16xi32>,
      tpu.vector_store %arg10[%swap3A_272], %broadcast_in_dim3A_7 {strides = array<i32>} : memref<4096xi32, #tpu.memory_space<vmem>>, vector<16xi32>,
      %scan3A_274 = arith.constant 0 : i32
      %scan3A_275 = arith.constant 5 : i32
      %scan3A_276 = arith.addi %scan3A_241, %scan3A_275 : i32
      %mul3A_277 = arith.constant 16 : i32
      %mul3A_278 = arith.muli %scan3A_276, %mul3A_277 : i32
      %swap3A_279 = arith.index_cast %mul3A_278 : i32 to index
      %swap3A_280 = tpu.vector_load %arg10[%swap3A_279] {strides = array<i32>} : memref<4096xi32, #tpu.memory_space<vmem>>, vector<16xi32>,
      tpu.vector_store %arg10[%swap3A_279], %broadcast_in_dim3A_7 {strides = array<i32>} : memref<4096xi32, #tpu.memory_space<vmem>>, vector<16xi32>,
      %scan3A_281 = arith.constant 0 : i32
      %scan3A_282 = arith.constant 6 : i32
      %scan3A_283 = arith.addi %scan3A_241, %scan3A_282 : i32
      %mul3A_284 = arith.constant 16 : i32
      %mul3A_285 = arith.muli %scan3A_283, %mul3A_284 : i32
      %swap3A_286 = arith.index_cast %mul3A_285 : i32 to index
      %swap3A_287 = tpu.vector_load %arg10[%swap3A_286] {strides = array<i32>} : memref<4096xi32, #tpu.memory_space<vmem>>, vector<16xi32>,
      tpu.vector_store %arg10[%swap3A_286], %broadcast_in_dim3A_7 {strides = array<i32>} : memref<4096xi32, #tpu.memory_space<vmem>>, vector<16xi32>,
      %scan3A_288 = arith.constant 0 : i32
      %scan3A_289 = arith.constant 7 : i32
      %scan3A_290 = arith.addi %scan3A_241, %scan3A_289 : i32
      %mul3A_291 = arith.constant 16 : i32
      %mul3A_292 = arith.muli %scan3A_290, %mul3A_291 : i32
      %swap3A_293 = arith.index_cast %mul3A_292 : i32 to index
      %swap3A_294 = tpu.vector_load %arg10[%swap3A_293] {strides = array<i32>} : memref<4096xi32, #tpu.memory_space<vmem>>, vector<16xi32>,
      tpu.vector_store %arg10[%swap3A_293], %broadcast_in_dim3A_7 {strides = array<i32>} : memref<4096xi32, #tpu.memory_space<vmem>>, vector<16xi32>,
      %scan3A_295 = arith.constant 0 : i32
      scf.yield %scan3A_295 : i32
    }
    %scan3A_103 = arith.constant 256 : i32
    %scan3A_104 = arith.constant 0 : i32
    %scan3A_105 = arith.constant 0 : i32
    %scan3A_106 = arith.constant 512 : i32
    %scan3A_107 = arith.addi %scan3A_105, %scan3A_106 : i32
    %scan3A_108 = arith.constant 4 : i32
    %scan3A_109 = scf.for %scan3A_241 = %scan3A_105 to %scan3A_107 step %scan3A_108 iter_args(%scan3A_242 = %scan3A_104) -> (i32)  : i32 {
      %add3A_243 = vector.broadcast %scan3A_241 : i32 to vector<16xi32>
      %add3A_244 = arith.addi %mul3A_6, %add3A_243 : vector<16xi32>
      %gather3A = tpu.vector_load_idx %arg5[%add3A_244] : memref<8208xi32, #tpu.memory_space<vmem>>[vector<16xi32>], vector<16xi32>,
      %shift_right_arithmetic3A = arith.constant 24 : i32
      %shift_right_arithmetic3A_245 = vector.broadcast %shift_right_arithmetic3A : i32 to vector<16xi32>
      %shift_right_arithmetic3A_246 = arith.shrsi %gather3A, %shift_right_arithmetic3A_245 : vector<16xi32>
      %and3A = arith.constant 255 : i32
      %and3A_247 = vector.broadcast %and3A : i32 to vector<16xi32>
      %and3A_248 = arith.andi %shift_right_arithmetic3A_246, %and3A_247 : vector<16xi32>
      %shift_left3A = arith.constant 4 : i32
      %shift_left3A_249 = vector.broadcast %shift_left3A : i32 to vector<16xi32>
      %shift_left3A_250 = arith.shli %and3A_248, %shift_left3A_249 : vector<16xi32>
      %or3A = arith.ori %shift_left3A_250, %iota3A : vector<16xi32>
      tpu.vector_store_idx %arg10[%or3A], %broadcast_in_dim3A_9 {add = true} : memref<4096xi32, #tpu.memory_space<vmem>>[vector<16xi32>], vector<16xi32>,
      %scan3A_251 = arith.constant 0 : i32
      %scan3A_252 = arith.constant 1 : i32
      %scan3A_253 = arith.addi %scan3A_241, %scan3A_252 : i32
      %add3A_254 = vector.broadcast %scan3A_253 : i32 to vector<16xi32>
      %add3A_255 = arith.addi %mul3A_6, %add3A_254 : vector<16xi32>
      %gather3A_256 = tpu.vector_load_idx %arg5[%add3A_255] : memref<8208xi32, #tpu.memory_space<vmem>>[vector<16xi32>], vector<16xi32>,
      %shift_right_arithmetic3A_257 = arith.constant 24 : i32
      %shift_right_arithmetic3A_258 = vector.broadcast %shift_right_arithmetic3A_257 : i32 to vector<16xi32>
      %shift_right_arithmetic3A_259 = arith.shrsi %gather3A_256, %shift_right_arithmetic3A_258 : vector<16xi32>
      %and3A_260 = arith.constant 255 : i32
      %and3A_261 = vector.broadcast %and3A_260 : i32 to vector<16xi32>
      %and3A_262 = arith.andi %shift_right_arithmetic3A_259, %and3A_261 : vector<16xi32>
      %shift_left3A_263 = arith.constant 4 : i32
      %shift_left3A_264 = vector.broadcast %shift_left3A_263 : i32 to vector<16xi32>
      %shift_left3A_265 = arith.shli %and3A_262, %shift_left3A_264 : vector<16xi32>
      %or3A_266 = arith.ori %shift_left3A_265, %iota3A : vector<16xi32>
      tpu.vector_store_idx %arg10[%or3A_266], %broadcast_in_dim3A_9 {add = true} : memref<4096xi32, #tpu.memory_space<vmem>>[vector<16xi32>], vector<16xi32>,
      %scan3A_267 = arith.constant 0 : i32
      %scan3A_268 = arith.constant 2 : i32
      %scan3A_269 = arith.addi %scan3A_241, %scan3A_268 : i32
      %add3A_270 = vector.broadcast %scan3A_269 : i32 to vector<16xi32>
      %add3A_271 = arith.addi %mul3A_6, %add3A_270 : vector<16xi32>
      %gather3A_272 = tpu.vector_load_idx %arg5[%add3A_271] : memref<8208xi32, #tpu.memory_space<vmem>>[vector<16xi32>], vector<16xi32>,
      %shift_right_arithmetic3A_273 = arith.constant 24 : i32
      %shift_right_arithmetic3A_274 = vector.broadcast %shift_right_arithmetic3A_273 : i32 to vector<16xi32>
      %shift_right_arithmetic3A_275 = arith.shrsi %gather3A_272, %shift_right_arithmetic3A_274 : vector<16xi32>
      %and3A_276 = arith.constant 255 : i32
      %and3A_277 = vector.broadcast %and3A_276 : i32 to vector<16xi32>
      %and3A_278 = arith.andi %shift_right_arithmetic3A_275, %and3A_277 : vector<16xi32>
      %shift_left3A_279 = arith.constant 4 : i32
      %shift_left3A_280 = vector.broadcast %shift_left3A_279 : i32 to vector<16xi32>
      %shift_left3A_281 = arith.shli %and3A_278, %shift_left3A_280 : vector<16xi32>
      %or3A_282 = arith.ori %shift_left3A_281, %iota3A : vector<16xi32>
      tpu.vector_store_idx %arg10[%or3A_282], %broadcast_in_dim3A_9 {add = true} : memref<4096xi32, #tpu.memory_space<vmem>>[vector<16xi32>], vector<16xi32>,
      %scan3A_283 = arith.constant 0 : i32
      %scan3A_284 = arith.constant 3 : i32
      %scan3A_285 = arith.addi %scan3A_241, %scan3A_284 : i32
      %add3A_286 = vector.broadcast %scan3A_285 : i32 to vector<16xi32>
      %add3A_287 = arith.addi %mul3A_6, %add3A_286 : vector<16xi32>
      %gather3A_288 = tpu.vector_load_idx %arg5[%add3A_287] : memref<8208xi32, #tpu.memory_space<vmem>>[vector<16xi32>], vector<16xi32>,
      %shift_right_arithmetic3A_289 = arith.constant 24 : i32
      %shift_right_arithmetic3A_290 = vector.broadcast %shift_right_arithmetic3A_289 : i32 to vector<16xi32>
      %shift_right_arithmetic3A_291 = arith.shrsi %gather3A_288, %shift_right_arithmetic3A_290 : vector<16xi32>
      %and3A_292 = arith.constant 255 : i32
      %and3A_293 = vector.broadcast %and3A_292 : i32 to vector<16xi32>
      %and3A_294 = arith.andi %shift_right_arithmetic3A_291, %and3A_293 : vector<16xi32>
      %shift_left3A_295 = arith.constant 4 : i32
      %shift_left3A_296 = vector.broadcast %shift_left3A_295 : i32 to vector<16xi32>
      %shift_left3A_297 = arith.shli %and3A_294, %shift_left3A_296 : vector<16xi32>
      %or3A_298 = arith.ori %shift_left3A_297, %iota3A : vector<16xi32>
      tpu.vector_store_idx %arg10[%or3A_298], %broadcast_in_dim3A_9 {add = true} : memref<4096xi32, #tpu.memory_space<vmem>>[vector<16xi32>], vector<16xi32>,
      %scan3A_299 = arith.constant 0 : i32
      scf.yield %scan3A_299 : i32
    }
    %scan3A_110 = arith.constant 512 : i32
    %scan3A_111 = arith.constant 0 : i32
    %scan3A_112 = arith.constant 0 : i32
    %scan3A_113 = arith.constant 256 : i32
    %scan3A_114 = arith.addi %scan3A_112, %scan3A_113 : i32
    %scan3A_115 = arith.constant 2 : i32
    %scan3A_116 = scf.for %scan3A_241 = %scan3A_112 to %scan3A_114 step %scan3A_115 iter_args(%scan3A_242 = %scan3A_111) -> (i32)  : i32 {
      %mul3A_243 = arith.constant 16 : i32
      %mul3A_244 = arith.muli %scan3A_241, %mul3A_243 : i32
      %get3A = arith.index_cast %mul3A_244 : i32 to index
      %get3A_245 = tpu.vector_load %arg10[%get3A] {strides = array<i32>} : memref<4096xi32, #tpu.memory_space<vmem>>, vector<16xi32>,
      %broadcast_in_dim3A_246 = arith.constant true
      %broadcast_in_dim3A_247 = vector.broadcast %broadcast_in_dim3A_246 : i1 to vector<16xi1>
      %masked_cumsum3A = tpu.scan <sum>, %get3A_245 masked %broadcast_in_dim3A_247 : vector<16xi32>, vector<16xi1> -> vector<16xi32>
      %sub3A = arith.subi %masked_cumsum3A, %get3A_245 : vector<16xi32>
      %add3A_248 = vector.broadcast %scan3A_242 : i32 to vector<16xi32>
      %add3A_249 = arith.addi %sub3A, %add3A_248 : vector<16xi32>
      %mul3A_250 = arith.constant 16 : i32
      %mul3A_251 = arith.muli %scan3A_241, %mul3A_250 : i32
      %swap3A = arith.index_cast %mul3A_251 : i32 to index
      %swap3A_252 = tpu.vector_load %arg10[%swap3A] {strides = array<i32>} : memref<4096xi32, #tpu.memory_space<vmem>>, vector<16xi32>,
      tpu.vector_store %arg10[%swap3A], %add3A_249 {strides = array<i32>} : memref<4096xi32, #tpu.memory_space<vmem>>, vector<16xi32>,
      %reduce_max3A = arith.constant true
      %reduce_max3A_253 = vector.broadcast %reduce_max3A : i1 to vector<16xi1>
      %reduce_max3A_254 = arith.constant -2147483648 : i32
      %reduce_max3A_255 = vector.broadcast %reduce_max3A_254 : i32 to vector<16xi32>
      %reduce_max3A_256 = arith.xori %masked_cumsum3A, %reduce_max3A_255 : vector<16xi32>
      %reduce_max3A_257 = tpu.scan <max>, %reduce_max3A_256 masked %reduce_max3A_253 : vector<16xi32>, vector<16xi1> -> vector<16xi32>
      %reduce_max3A_258 = arith.xori %reduce_max3A_257, %reduce_max3A_255 : vector<16xi32>
      %reduce_max3A_259 = vector.extract %reduce_max3A_258[15] : i32 from vector<16xi32>
      %add3A_260 = arith.addi %scan3A_242, %reduce_max3A_259 : i32
      %scan3A_261 = arith.constant 1 : i32
      %scan3A_262 = arith.addi %scan3A_241, %scan3A_261 : i32
      %mul3A_263 = arith.constant 16 : i32
      %mul3A_264 = arith.muli %scan3A_262, %mul3A_263 : i32
      %get3A_265 = arith.index_cast %mul3A_264 : i32 to index
      %get3A_266 = tpu.vector_load %arg10[%get3A_265] {strides = array<i32>} : memref<4096xi32, #tpu.memory_space<vmem>>, vector<16xi32>,
      %broadcast_in_dim3A_267 = arith.constant true
      %broadcast_in_dim3A_268 = vector.broadcast %broadcast_in_dim3A_267 : i1 to vector<16xi1>
      %masked_cumsum3A_269 = tpu.scan <sum>, %get3A_266 masked %broadcast_in_dim3A_268 : vector<16xi32>, vector<16xi1> -> vector<16xi32>
      %sub3A_270 = arith.subi %masked_cumsum3A_269, %get3A_266 : vector<16xi32>
      %add3A_271 = vector.broadcast %add3A_260 : i32 to vector<16xi32>
      %add3A_272 = arith.addi %sub3A_270, %add3A_271 : vector<16xi32>
      %mul3A_273 = arith.constant 16 : i32
      %mul3A_274 = arith.muli %scan3A_262, %mul3A_273 : i32
      %swap3A_275 = arith.index_cast %mul3A_274 : i32 to index
      %swap3A_276 = tpu.vector_load %arg10[%swap3A_275] {strides = array<i32>} : memref<4096xi32, #tpu.memory_space<vmem>>, vector<16xi32>,
      tpu.vector_store %arg10[%swap3A_275], %add3A_272 {strides = array<i32>} : memref<4096xi32, #tpu.memory_space<vmem>>, vector<16xi32>,
      %reduce_max3A_277 = arith.constant true
      %reduce_max3A_278 = vector.broadcast %reduce_max3A_277 : i1 to vector<16xi1>
      %reduce_max3A_279 = arith.constant -2147483648 : i32
      %reduce_max3A_280 = vector.broadcast %reduce_max3A_279 : i32 to vector<16xi32>
      %reduce_max3A_281 = arith.xori %masked_cumsum3A_269, %reduce_max3A_280 : vector<16xi32>
      %reduce_max3A_282 = tpu.scan <max>, %reduce_max3A_281 masked %reduce_max3A_278 : vector<16xi32>, vector<16xi1> -> vector<16xi32>
      %reduce_max3A_283 = arith.xori %reduce_max3A_282, %reduce_max3A_280 : vector<16xi32>
      %reduce_max3A_284 = vector.extract %reduce_max3A_283[15] : i32 from vector<16xi32>
      %add3A_285 = arith.addi %add3A_260, %reduce_max3A_284 : i32
      scf.yield %add3A_285 : i32
    }
    %scan3A_117 = arith.constant 256 : i32
    %scan3A_118 = arith.constant 0 : i32
    %scan3A_119 = arith.constant 0 : i32
    %scan3A_120 = arith.constant 512 : i32
    %scan3A_121 = arith.addi %scan3A_119, %scan3A_120 : i32
    %scan3A_122 = arith.constant 2 : i32
    %scan3A_123 = scf.for %scan3A_241 = %scan3A_119 to %scan3A_121 step %scan3A_122 iter_args(%scan3A_242 = %scan3A_118) -> (i32)  : i32 {
      %add3A_243 = vector.broadcast %scan3A_241 : i32 to vector<16xi32>
      %add3A_244 = arith.addi %mul3A_6, %add3A_243 : vector<16xi32>
      %gather3A = tpu.vector_load_idx %arg5[%add3A_244] : memref<8208xi32, #tpu.memory_space<vmem>>[vector<16xi32>], vector<16xi32>,
      %gather3A_245 = tpu.vector_load_idx %arg7[%add3A_244] : memref<8208xi32, #tpu.memory_space<vmem>>[vector<16xi32>], vector<16xi32>,
      %shift_right_arithmetic3A = arith.constant 24 : i32
      %shift_right_arithmetic3A_246 = vector.broadcast %shift_right_arithmetic3A : i32 to vector<16xi32>
      %shift_right_arithmetic3A_247 = arith.shrsi %gather3A, %shift_right_arithmetic3A_246 : vector<16xi32>
      %and3A = arith.constant 255 : i32
      %and3A_248 = vector.broadcast %and3A : i32 to vector<16xi32>
      %and3A_249 = arith.andi %shift_right_arithmetic3A_247, %and3A_248 : vector<16xi32>
      %shift_left3A = arith.constant 4 : i32
      %shift_left3A_250 = vector.broadcast %shift_left3A : i32 to vector<16xi32>
      %shift_left3A_251 = arith.shli %and3A_249, %shift_left3A_250 : vector<16xi32>
      %or3A = arith.ori %shift_left3A_251, %iota3A : vector<16xi32>
      %gather3A_252 = tpu.vector_load_idx %arg10[%or3A] : memref<4096xi32, #tpu.memory_space<vmem>>[vector<16xi32>], vector<16xi32>,
      %add3A_253 = arith.constant 1 : i32
      %add3A_254 = vector.broadcast %add3A_253 : i32 to vector<16xi32>
      %add3A_255 = arith.addi %gather3A_252, %add3A_254 : vector<16xi32>
      tpu.vector_store_idx %arg10[%or3A], %add3A_255 : memref<4096xi32, #tpu.memory_space<vmem>>[vector<16xi32>], vector<16xi32>,
      %add3A_256 = arith.constant 1 : i32
      %add3A_257 = vector.broadcast %add3A_256 : i32 to vector<16xi32>
      %add3A_258 = arith.addi %gather3A_252, %add3A_257 : vector<16xi32>
      %and3A_259 = arith.constant 8191 : i32
      %and3A_260 = vector.broadcast %and3A_259 : i32 to vector<16xi32>
      %and3A_261 = arith.andi %add3A_258, %and3A_260 : vector<16xi32>
      %shift_right_arithmetic3A_262 = arith.constant 7 : i32
      %shift_right_arithmetic3A_263 = vector.broadcast %shift_right_arithmetic3A_262 : i32 to vector<16xi32>
      %shift_right_arithmetic3A_264 = arith.shrsi %and3A_261, %shift_right_arithmetic3A_263 : vector<16xi32>
      %and3A_265 = arith.constant 127 : i32
      %and3A_266 = vector.broadcast %and3A_265 : i32 to vector<16xi32>
      %and3A_267 = arith.andi %and3A_261, %and3A_266 : vector<16xi32>
      tpu.vector_store_idx %arg9[%shift_right_arithmetic3A_264, %and3A_267], %gather3A_245 : memref<64x128xi32, #tpu.memory_space<vmem>>[vector<16xi32>, vector<16xi32>], vector<16xi32>,
      %scan3A_268 = arith.constant 0 : i32
      %scan3A_269 = arith.constant 1 : i32
      %scan3A_270 = arith.addi %scan3A_241, %scan3A_269 : i32
      %add3A_271 = vector.broadcast %scan3A_270 : i32 to vector<16xi32>
      %add3A_272 = arith.addi %mul3A_6, %add3A_271 : vector<16xi32>
      %gather3A_273 = tpu.vector_load_idx %arg5[%add3A_272] : memref<8208xi32, #tpu.memory_space<vmem>>[vector<16xi32>], vector<16xi32>,
      %gather3A_274 = tpu.vector_load_idx %arg7[%add3A_272] : memref<8208xi32, #tpu.memory_space<vmem>>[vector<16xi32>], vector<16xi32>,
      %shift_right_arithmetic3A_275 = arith.constant 24 : i32
      %shift_right_arithmetic3A_276 = vector.broadcast %shift_right_arithmetic3A_275 : i32 to vector<16xi32>
      %shift_right_arithmetic3A_277 = arith.shrsi %gather3A_273, %shift_right_arithmetic3A_276 : vector<16xi32>
      %and3A_278 = arith.constant 255 : i32
      %and3A_279 = vector.broadcast %and3A_278 : i32 to vector<16xi32>
      %and3A_280 = arith.andi %shift_right_arithmetic3A_277, %and3A_279 : vector<16xi32>
      %shift_left3A_281 = arith.constant 4 : i32
      %shift_left3A_282 = vector.broadcast %shift_left3A_281 : i32 to vector<16xi32>
      %shift_left3A_283 = arith.shli %and3A_280, %shift_left3A_282 : vector<16xi32>
      %or3A_284 = arith.ori %shift_left3A_283, %iota3A : vector<16xi32>
      %gather3A_285 = tpu.vector_load_idx %arg10[%or3A_284] : memref<4096xi32, #tpu.memory_space<vmem>>[vector<16xi32>], vector<16xi32>,
      %add3A_286 = arith.constant 1 : i32
      %add3A_287 = vector.broadcast %add3A_286 : i32 to vector<16xi32>
      %add3A_288 = arith.addi %gather3A_285, %add3A_287 : vector<16xi32>
      tpu.vector_store_idx %arg10[%or3A_284], %add3A_288 : memref<4096xi32, #tpu.memory_space<vmem>>[vector<16xi32>], vector<16xi32>,
      %add3A_289 = arith.constant 1 : i32
      %add3A_290 = vector.broadcast %add3A_289 : i32 to vector<16xi32>
      %add3A_291 = arith.addi %gather3A_285, %add3A_290 : vector<16xi32>
      %and3A_292 = arith.constant 8191 : i32
      %and3A_293 = vector.broadcast %and3A_292 : i32 to vector<16xi32>
      %and3A_294 = arith.andi %add3A_291, %and3A_293 : vector<16xi32>
      %shift_right_arithmetic3A_295 = arith.constant 7 : i32
      %shift_right_arithmetic3A_296 = vector.broadcast %shift_right_arithmetic3A_295 : i32 to vector<16xi32>
      %shift_right_arithmetic3A_297 = arith.shrsi %and3A_294, %shift_right_arithmetic3A_296 : vector<16xi32>
      %and3A_298 = arith.constant 127 : i32
      %and3A_299 = vector.broadcast %and3A_298 : i32 to vector<16xi32>
      %and3A_300 = arith.andi %and3A_294, %and3A_299 : vector<16xi32>
      tpu.vector_store_idx %arg9[%shift_right_arithmetic3A_297, %and3A_300], %gather3A_274 : memref<64x128xi32, #tpu.memory_space<vmem>>[vector<16xi32>, vector<16xi32>], vector<16xi32>,
      %scan3A_301 = arith.constant 0 : i32
      scf.yield %scan3A_301 : i32
    }
    %scan3A_124 = arith.constant 512 : i32
    "tpu.region"() ({
      %run_scoped3A = tpu.sem_alloc : memref<!tpu.dma_semaphore, #tpu.memory_space<semaphore_mem>>
      %dma_start3A = arith.constant 0 : i32
      %dma_start3A_241 = arith.constant 0 : i32
      %dma_start3A_242 = tpu.memref_slice %arg3[%add3A_13, %dma_start3A, %dma_start3A_241] : memref<64x64x128xi32, #tpu.memory_space<hbm>> -> memref<1x64x128xi32, #tpu.memory_space<hbm>>
      %dma_start3A_243 = tpu.memref_squeeze %dma_start3A_242 : memref<1x64x128xi32, #tpu.memory_space<hbm>> -> memref<64x128xi32, #tpu.memory_space<hbm>>
      %dma_start3A_244 = arith.constant 0 : i32
      %dma_start3A_245 = arith.constant 0 : i32
      %dma_start3A_246 = tpu.memref_slice %arg3[%add3A_13, %dma_start3A_244, %dma_start3A_245] : memref<64x64x128xi32, #tpu.memory_space<hbm>> -> memref<1x64x128xi32, #tpu.memory_space<hbm>>
      %dma_start3A_247 = tpu.memref_squeeze %dma_start3A_246 : memref<1x64x128xi32, #tpu.memory_space<hbm>> -> memref<64x128xi32, #tpu.memory_space<hbm>>
      tpu.enqueue_dma source(%arg9 : memref<64x128xi32, #tpu.memory_space<vmem>>) target(%dma_start3A_247 : memref<64x128xi32, #tpu.memory_space<hbm>>) target_semaphore(%run_scoped3A : memref<!tpu.dma_semaphore, #tpu.memory_space<semaphore_mem>>)
      %dma_wait3A = arith.constant 0 : i32
      %dma_wait3A_248 = arith.constant 0 : i32
      %dma_wait3A_249 = tpu.memref_slice %arg3[%add3A_13, %dma_wait3A, %dma_wait3A_248] : memref<64x64x128xi32, #tpu.memory_space<hbm>> -> memref<1x64x128xi32, #tpu.memory_space<hbm>>
      %dma_wait3A_250 = tpu.memref_squeeze %dma_wait3A_249 : memref<1x64x128xi32, #tpu.memory_space<hbm>> -> memref<64x128xi32, #tpu.memory_space<hbm>>
      %dma_wait3A_251 = arith.constant 0 : i32
      %dma_wait3A_252 = arith.constant 0 : i32
      %dma_wait3A_253 = tpu.memref_slice %arg3[%add3A_13, %dma_wait3A_251, %dma_wait3A_252] : memref<64x64x128xi32, #tpu.memory_space<hbm>> -> memref<1x64x128xi32, #tpu.memory_space<hbm>>
      %dma_wait3A_254 = tpu.memref_squeeze %dma_wait3A_253 : memref<1x64x128xi32, #tpu.memory_space<hbm>> -> memref<64x128xi32, #tpu.memory_space<hbm>>
      tpu.wait_dma2 semaphore(%run_scoped3A : memref<!tpu.dma_semaphore, #tpu.memory_space<semaphore_mem>>) src(%arg9 : memref<64x128xi32, #tpu.memory_space<vmem>>) dst(%dma_wait3A_254 : memref<64x128xi32, #tpu.memory_space<hbm>>)
      tpu.yield
    }) : () -> ()
    %mul3A_125 = arith.constant 2 : i32
    %mul3A_126 = arith.muli %add3A, %mul3A_125 : i32
    %add3A_127 = arith.constant 1 : i32
    %add3A_128 = arith.addi %mul3A_126, %add3A_127 : i32
    "tpu.region"() ({
      %run_scoped3A = tpu.sem_alloc : memref<!tpu.dma_semaphore, #tpu.memory_space<semaphore_mem>>
      %dma_start3A = arith.constant 0 : i32
      %dma_start3A_241 = arith.constant 0 : i32
      %dma_start3A_242 = tpu.memref_slice %arg2[%add3A_128, %dma_start3A, %dma_start3A_241] : memref<64x64x128xi32, #tpu.memory_space<hbm>> -> memref<1x64x128xi32, #tpu.memory_space<hbm>>
      %dma_start3A_243 = tpu.memref_squeeze %dma_start3A_242 : memref<1x64x128xi32, #tpu.memory_space<hbm>> -> memref<64x128xi32, #tpu.memory_space<hbm>>
      %dma_start3A_244 = arith.constant 0 : i32
      %dma_start3A_245 = arith.constant 0 : i32
      %dma_start3A_246 = tpu.memref_slice %arg2[%add3A_128, %dma_start3A_244, %dma_start3A_245] : memref<64x64x128xi32, #tpu.memory_space<hbm>> -> memref<1x64x128xi32, #tpu.memory_space<hbm>>
      %dma_start3A_247 = tpu.memref_squeeze %dma_start3A_246 : memref<1x64x128xi32, #tpu.memory_space<hbm>> -> memref<64x128xi32, #tpu.memory_space<hbm>>
      tpu.enqueue_dma source(%dma_start3A_247 : memref<64x128xi32, #tpu.memory_space<hbm>>) target(%arg4 : memref<64x128xi32, #tpu.memory_space<vmem>>) target_semaphore(%run_scoped3A : memref<!tpu.dma_semaphore, #tpu.memory_space<semaphore_mem>>)
      %dma_wait3A = arith.constant 0 : i32
      %dma_wait3A_248 = arith.constant 0 : i32
      %dma_wait3A_249 = tpu.memref_slice %arg2[%add3A_128, %dma_wait3A, %dma_wait3A_248] : memref<64x64x128xi32, #tpu.memory_space<hbm>> -> memref<1x64x128xi32, #tpu.memory_space<hbm>>
      %dma_wait3A_250 = tpu.memref_squeeze %dma_wait3A_249 : memref<1x64x128xi32, #tpu.memory_space<hbm>> -> memref<64x128xi32, #tpu.memory_space<hbm>>
      %dma_wait3A_251 = arith.constant 0 : i32
      %dma_wait3A_252 = arith.constant 0 : i32
      %dma_wait3A_253 = tpu.memref_slice %arg2[%add3A_128, %dma_wait3A_251, %dma_wait3A_252] : memref<64x64x128xi32, #tpu.memory_space<hbm>> -> memref<1x64x128xi32, #tpu.memory_space<hbm>>
      %dma_wait3A_254 = tpu.memref_squeeze %dma_wait3A_253 : memref<1x64x128xi32, #tpu.memory_space<hbm>> -> memref<64x128xi32, #tpu.memory_space<hbm>>
      tpu.wait_dma2 semaphore(%run_scoped3A : memref<!tpu.dma_semaphore, #tpu.memory_space<semaphore_mem>>) src(%dma_wait3A_254 : memref<64x128xi32, #tpu.memory_space<hbm>>) dst(%arg4 : memref<64x128xi32, #tpu.memory_space<vmem>>)
      tpu.yield
    }) : () -> ()
    %scan3A_129 = arith.constant 0 : i32
    %scan3A_130 = arith.constant 0 : i32
    %scan3A_131 = arith.constant 256 : i32
    %scan3A_132 = arith.addi %scan3A_130, %scan3A_131 : i32
    %scan3A_133 = arith.constant 8 : i32
    %scan3A_134 = scf.for %scan3A_241 = %scan3A_130 to %scan3A_132 step %scan3A_133 iter_args(%scan3A_242 = %scan3A_129) -> (i32)  : i32 {
      %mul3A_243 = arith.constant 16 : i32
      %mul3A_244 = arith.muli %scan3A_241, %mul3A_243 : i32
      %swap3A = arith.index_cast %mul3A_244 : i32 to index
      %swap3A_245 = tpu.vector_load %arg10[%swap3A] {strides = array<i32>} : memref<4096xi32, #tpu.memory_space<vmem>>, vector<16xi32>,
      tpu.vector_store %arg10[%swap3A], %broadcast_in_dim3A_7 {strides = array<i32>} : memref<4096xi32, #tpu.memory_space<vmem>>, vector<16xi32>,
      %scan3A_246 = arith.constant 0 : i32
      %scan3A_247 = arith.constant 1 : i32
      %scan3A_248 = arith.addi %scan3A_241, %scan3A_247 : i32
      %mul3A_249 = arith.constant 16 : i32
      %mul3A_250 = arith.muli %scan3A_248, %mul3A_249 : i32
      %swap3A_251 = arith.index_cast %mul3A_250 : i32 to index
      %swap3A_252 = tpu.vector_load %arg10[%swap3A_251] {strides = array<i32>} : memref<4096xi32, #tpu.memory_space<vmem>>, vector<16xi32>,
      tpu.vector_store %arg10[%swap3A_251], %broadcast_in_dim3A_7 {strides = array<i32>} : memref<4096xi32, #tpu.memory_space<vmem>>, vector<16xi32>,
      %scan3A_253 = arith.constant 0 : i32
      %scan3A_254 = arith.constant 2 : i32
      %scan3A_255 = arith.addi %scan3A_241, %scan3A_254 : i32
      %mul3A_256 = arith.constant 16 : i32
      %mul3A_257 = arith.muli %scan3A_255, %mul3A_256 : i32
      %swap3A_258 = arith.index_cast %mul3A_257 : i32 to index
      %swap3A_259 = tpu.vector_load %arg10[%swap3A_258] {strides = array<i32>} : memref<4096xi32, #tpu.memory_space<vmem>>, vector<16xi32>,
      tpu.vector_store %arg10[%swap3A_258], %broadcast_in_dim3A_7 {strides = array<i32>} : memref<4096xi32, #tpu.memory_space<vmem>>, vector<16xi32>,
      %scan3A_260 = arith.constant 0 : i32
      %scan3A_261 = arith.constant 3 : i32
      %scan3A_262 = arith.addi %scan3A_241, %scan3A_261 : i32
      %mul3A_263 = arith.constant 16 : i32
      %mul3A_264 = arith.muli %scan3A_262, %mul3A_263 : i32
      %swap3A_265 = arith.index_cast %mul3A_264 : i32 to index
      %swap3A_266 = tpu.vector_load %arg10[%swap3A_265] {strides = array<i32>} : memref<4096xi32, #tpu.memory_space<vmem>>, vector<16xi32>,
      tpu.vector_store %arg10[%swap3A_265], %broadcast_in_dim3A_7 {strides = array<i32>} : memref<4096xi32, #tpu.memory_space<vmem>>, vector<16xi32>,
      %scan3A_267 = arith.constant 0 : i32
      %scan3A_268 = arith.constant 4 : i32
      %scan3A_269 = arith.addi %scan3A_241, %scan3A_268 : i32
      %mul3A_270 = arith.constant 16 : i32
      %mul3A_271 = arith.muli %scan3A_269, %mul3A_270 : i32
      %swap3A_272 = arith.index_cast %mul3A_271 : i32 to index
      %swap3A_273 = tpu.vector_load %arg10[%swap3A_272] {strides = array<i32>} : memref<4096xi32, #tpu.memory_space<vmem>>, vector<16xi32>,
      tpu.vector_store %arg10[%swap3A_272], %broadcast_in_dim3A_7 {strides = array<i32>} : memref<4096xi32, #tpu.memory_space<vmem>>, vector<16xi32>,
      %scan3A_274 = arith.constant 0 : i32
      %scan3A_275 = arith.constant 5 : i32
      %scan3A_276 = arith.addi %scan3A_241, %scan3A_275 : i32
      %mul3A_277 = arith.constant 16 : i32
      %mul3A_278 = arith.muli %scan3A_276, %mul3A_277 : i32
      %swap3A_279 = arith.index_cast %mul3A_278 : i32 to index
      %swap3A_280 = tpu.vector_load %arg10[%swap3A_279] {strides = array<i32>} : memref<4096xi32, #tpu.memory_space<vmem>>, vector<16xi32>,
      tpu.vector_store %arg10[%swap3A_279], %broadcast_in_dim3A_7 {strides = array<i32>} : memref<4096xi32, #tpu.memory_space<vmem>>, vector<16xi32>,
      %scan3A_281 = arith.constant 0 : i32
      %scan3A_282 = arith.constant 6 : i32
      %scan3A_283 = arith.addi %scan3A_241, %scan3A_282 : i32
      %mul3A_284 = arith.constant 16 : i32
      %mul3A_285 = arith.muli %scan3A_283, %mul3A_284 : i32
      %swap3A_286 = arith.index_cast %mul3A_285 : i32 to index
      %swap3A_287 = tpu.vector_load %arg10[%swap3A_286] {strides = array<i32>} : memref<4096xi32, #tpu.memory_space<vmem>>, vector<16xi32>,
      tpu.vector_store %arg10[%swap3A_286], %broadcast_in_dim3A_7 {strides = array<i32>} : memref<4096xi32, #tpu.memory_space<vmem>>, vector<16xi32>,
      %scan3A_288 = arith.constant 0 : i32
      %scan3A_289 = arith.constant 7 : i32
      %scan3A_290 = arith.addi %scan3A_241, %scan3A_289 : i32
      %mul3A_291 = arith.constant 16 : i32
      %mul3A_292 = arith.muli %scan3A_290, %mul3A_291 : i32
      %swap3A_293 = arith.index_cast %mul3A_292 : i32 to index
      %swap3A_294 = tpu.vector_load %arg10[%swap3A_293] {strides = array<i32>} : memref<4096xi32, #tpu.memory_space<vmem>>, vector<16xi32>,
      tpu.vector_store %arg10[%swap3A_293], %broadcast_in_dim3A_7 {strides = array<i32>} : memref<4096xi32, #tpu.memory_space<vmem>>, vector<16xi32>,
      %scan3A_295 = arith.constant 0 : i32
      scf.yield %scan3A_295 : i32
    }
    %scan3A_135 = arith.constant 256 : i32
    %scan3A_136 = arith.constant 0 : i32
    %scan3A_137 = arith.constant 0 : i32
    %scan3A_138 = arith.constant 512 : i32
    %scan3A_139 = arith.addi %scan3A_137, %scan3A_138 : i32
    %scan3A_140 = arith.constant 4 : i32
    %scan3A_141 = scf.for %scan3A_241 = %scan3A_137 to %scan3A_139 step %scan3A_140 iter_args(%scan3A_242 = %scan3A_136) -> (i32)  : i32 {
      %add3A_243 = vector.broadcast %scan3A_241 : i32 to vector<16xi32>
      %add3A_244 = arith.addi %mul3A_3, %add3A_243 : vector<16xi32>
      %shift_right_arithmetic3A = arith.constant 7 : i32
      %shift_right_arithmetic3A_245 = vector.broadcast %shift_right_arithmetic3A : i32 to vector<16xi32>
      %shift_right_arithmetic3A_246 = arith.shrsi %add3A_244, %shift_right_arithmetic3A_245 : vector<16xi32>
      %and3A = arith.constant 127 : i32
      %and3A_247 = vector.broadcast %and3A : i32 to vector<16xi32>
      %and3A_248 = arith.andi %add3A_244, %and3A_247 : vector<16xi32>
      %gather3A = tpu.vector_load_idx %arg4[%shift_right_arithmetic3A_246, %and3A_248] : memref<64x128xi32, #tpu.memory_space<vmem>>[vector<16xi32>, vector<16xi32>], vector<16xi32>,
      %and3A_249 = arith.constant 255 : i32
      %and3A_250 = vector.broadcast %and3A_249 : i32 to vector<16xi32>
      %and3A_251 = arith.andi %gather3A, %and3A_250 : vector<16xi32>
      %shift_left3A = arith.constant 4 : i32
      %shift_left3A_252 = vector.broadcast %shift_left3A : i32 to vector<16xi32>
      %shift_left3A_253 = arith.shli %and3A_251, %shift_left3A_252 : vector<16xi32>
      %or3A = arith.ori %shift_left3A_253, %iota3A : vector<16xi32>
      tpu.vector_store_idx %arg10[%or3A], %broadcast_in_dim3A_9 {add = true} : memref<4096xi32, #tpu.memory_space<vmem>>[vector<16xi32>], vector<16xi32>,
      %scan3A_254 = arith.constant 0 : i32
      %scan3A_255 = arith.constant 1 : i32
      %scan3A_256 = arith.addi %scan3A_241, %scan3A_255 : i32
      %add3A_257 = vector.broadcast %scan3A_256 : i32 to vector<16xi32>
      %add3A_258 = arith.addi %mul3A_3, %add3A_257 : vector<16xi32>
      %shift_right_arithmetic3A_259 = arith.constant 7 : i32
      %shift_right_arithmetic3A_260 = vector.broadcast %shift_right_arithmetic3A_259 : i32 to vector<16xi32>
      %shift_right_arithmetic3A_261 = arith.shrsi %add3A_258, %shift_right_arithmetic3A_260 : vector<16xi32>
      %and3A_262 = arith.constant 127 : i32
      %and3A_263 = vector.broadcast %and3A_262 : i32 to vector<16xi32>
      %and3A_264 = arith.andi %add3A_258, %and3A_263 : vector<16xi32>
      %gather3A_265 = tpu.vector_load_idx %arg4[%shift_right_arithmetic3A_261, %and3A_264] : memref<64x128xi32, #tpu.memory_space<vmem>>[vector<16xi32>, vector<16xi32>], vector<16xi32>,
      %and3A_266 = arith.constant 255 : i32
      %and3A_267 = vector.broadcast %and3A_266 : i32 to vector<16xi32>
      %and3A_268 = arith.andi %gather3A_265, %and3A_267 : vector<16xi32>
      %shift_left3A_269 = arith.constant 4 : i32
      %shift_left3A_270 = vector.broadcast %shift_left3A_269 : i32 to vector<16xi32>
      %shift_left3A_271 = arith.shli %and3A_268, %shift_left3A_270 : vector<16xi32>
      %or3A_272 = arith.ori %shift_left3A_271, %iota3A : vector<16xi32>
      tpu.vector_store_idx %arg10[%or3A_272], %broadcast_in_dim3A_9 {add = true} : memref<4096xi32, #tpu.memory_space<vmem>>[vector<16xi32>], vector<16xi32>,
      %scan3A_273 = arith.constant 0 : i32
      %scan3A_274 = arith.constant 2 : i32
      %scan3A_275 = arith.addi %scan3A_241, %scan3A_274 : i32
      %add3A_276 = vector.broadcast %scan3A_275 : i32 to vector<16xi32>
      %add3A_277 = arith.addi %mul3A_3, %add3A_276 : vector<16xi32>
      %shift_right_arithmetic3A_278 = arith.constant 7 : i32
      %shift_right_arithmetic3A_279 = vector.broadcast %shift_right_arithmetic3A_278 : i32 to vector<16xi32>
      %shift_right_arithmetic3A_280 = arith.shrsi %add3A_277, %shift_right_arithmetic3A_279 : vector<16xi32>
      %and3A_281 = arith.constant 127 : i32
      %and3A_282 = vector.broadcast %and3A_281 : i32 to vector<16xi32>
      %and3A_283 = arith.andi %add3A_277, %and3A_282 : vector<16xi32>
      %gather3A_284 = tpu.vector_load_idx %arg4[%shift_right_arithmetic3A_280, %and3A_283] : memref<64x128xi32, #tpu.memory_space<vmem>>[vector<16xi32>, vector<16xi32>], vector<16xi32>,
      %and3A_285 = arith.constant 255 : i32
      %and3A_286 = vector.broadcast %and3A_285 : i32 to vector<16xi32>
      %and3A_287 = arith.andi %gather3A_284, %and3A_286 : vector<16xi32>
      %shift_left3A_288 = arith.constant 4 : i32
      %shift_left3A_289 = vector.broadcast %shift_left3A_288 : i32 to vector<16xi32>
      %shift_left3A_290 = arith.shli %and3A_287, %shift_left3A_289 : vector<16xi32>
      %or3A_291 = arith.ori %shift_left3A_290, %iota3A : vector<16xi32>
      tpu.vector_store_idx %arg10[%or3A_291], %broadcast_in_dim3A_9 {add = true} : memref<4096xi32, #tpu.memory_space<vmem>>[vector<16xi32>], vector<16xi32>,
      %scan3A_292 = arith.constant 0 : i32
      %scan3A_293 = arith.constant 3 : i32
      %scan3A_294 = arith.addi %scan3A_241, %scan3A_293 : i32
      %add3A_295 = vector.broadcast %scan3A_294 : i32 to vector<16xi32>
      %add3A_296 = arith.addi %mul3A_3, %add3A_295 : vector<16xi32>
      %shift_right_arithmetic3A_297 = arith.constant 7 : i32
      %shift_right_arithmetic3A_298 = vector.broadcast %shift_right_arithmetic3A_297 : i32 to vector<16xi32>
      %shift_right_arithmetic3A_299 = arith.shrsi %add3A_296, %shift_right_arithmetic3A_298 : vector<16xi32>
      %and3A_300 = arith.constant 127 : i32
      %and3A_301 = vector.broadcast %and3A_300 : i32 to vector<16xi32>
      %and3A_302 = arith.andi %add3A_296, %and3A_301 : vector<16xi32>
      %gather3A_303 = tpu.vector_load_idx %arg4[%shift_right_arithmetic3A_299, %and3A_302] : memref<64x128xi32, #tpu.memory_space<vmem>>[vector<16xi32>, vector<16xi32>], vector<16xi32>,
      %and3A_304 = arith.constant 255 : i32
      %and3A_305 = vector.broadcast %and3A_304 : i32 to vector<16xi32>
      %and3A_306 = arith.andi %gather3A_303, %and3A_305 : vector<16xi32>
      %shift_left3A_307 = arith.constant 4 : i32
      %shift_left3A_308 = vector.broadcast %shift_left3A_307 : i32 to vector<16xi32>
      %shift_left3A_309 = arith.shli %and3A_306, %shift_left3A_308 : vector<16xi32>
      %or3A_310 = arith.ori %shift_left3A_309, %iota3A : vector<16xi32>
      tpu.vector_store_idx %arg10[%or3A_310], %broadcast_in_dim3A_9 {add = true} : memref<4096xi32, #tpu.memory_space<vmem>>[vector<16xi32>], vector<16xi32>,
      %scan3A_311 = arith.constant 0 : i32
      scf.yield %scan3A_311 : i32
    }
    %scan3A_142 = arith.constant 512 : i32
    %scan3A_143 = arith.constant 0 : i32
    %scan3A_144 = arith.constant 0 : i32
    %scan3A_145 = arith.constant 256 : i32
    %scan3A_146 = arith.addi %scan3A_144, %scan3A_145 : i32
    %scan3A_147 = arith.constant 2 : i32
    %scan3A_148 = scf.for %scan3A_241 = %scan3A_144 to %scan3A_146 step %scan3A_147 iter_args(%scan3A_242 = %scan3A_143) -> (i32)  : i32 {
      %mul3A_243 = arith.constant 16 : i32
      %mul3A_244 = arith.muli %scan3A_241, %mul3A_243 : i32
      %get3A = arith.index_cast %mul3A_244 : i32 to index
      %get3A_245 = tpu.vector_load %arg10[%get3A] {strides = array<i32>} : memref<4096xi32, #tpu.memory_space<vmem>>, vector<16xi32>,
      %broadcast_in_dim3A_246 = arith.constant true
      %broadcast_in_dim3A_247 = vector.broadcast %broadcast_in_dim3A_246 : i1 to vector<16xi1>
      %masked_cumsum3A = tpu.scan <sum>, %get3A_245 masked %broadcast_in_dim3A_247 : vector<16xi32>, vector<16xi1> -> vector<16xi32>
      %sub3A = arith.subi %masked_cumsum3A, %get3A_245 : vector<16xi32>
      %add3A_248 = vector.broadcast %scan3A_242 : i32 to vector<16xi32>
      %add3A_249 = arith.addi %sub3A, %add3A_248 : vector<16xi32>
      %mul3A_250 = arith.constant 16 : i32
      %mul3A_251 = arith.muli %scan3A_241, %mul3A_250 : i32
      %swap3A = arith.index_cast %mul3A_251 : i32 to index
      %swap3A_252 = tpu.vector_load %arg10[%swap3A] {strides = array<i32>} : memref<4096xi32, #tpu.memory_space<vmem>>, vector<16xi32>,
      tpu.vector_store %arg10[%swap3A], %add3A_249 {strides = array<i32>} : memref<4096xi32, #tpu.memory_space<vmem>>, vector<16xi32>,
      %reduce_max3A = arith.constant true
      %reduce_max3A_253 = vector.broadcast %reduce_max3A : i1 to vector<16xi1>
      %reduce_max3A_254 = arith.constant -2147483648 : i32
      %reduce_max3A_255 = vector.broadcast %reduce_max3A_254 : i32 to vector<16xi32>
      %reduce_max3A_256 = arith.xori %masked_cumsum3A, %reduce_max3A_255 : vector<16xi32>
      %reduce_max3A_257 = tpu.scan <max>, %reduce_max3A_256 masked %reduce_max3A_253 : vector<16xi32>, vector<16xi1> -> vector<16xi32>
      %reduce_max3A_258 = arith.xori %reduce_max3A_257, %reduce_max3A_255 : vector<16xi32>
      %reduce_max3A_259 = vector.extract %reduce_max3A_258[15] : i32 from vector<16xi32>
      %add3A_260 = arith.addi %scan3A_242, %reduce_max3A_259 : i32
      %scan3A_261 = arith.constant 1 : i32
      %scan3A_262 = arith.addi %scan3A_241, %scan3A_261 : i32
      %mul3A_263 = arith.constant 16 : i32
      %mul3A_264 = arith.muli %scan3A_262, %mul3A_263 : i32
      %get3A_265 = arith.index_cast %mul3A_264 : i32 to index
      %get3A_266 = tpu.vector_load %arg10[%get3A_265] {strides = array<i32>} : memref<4096xi32, #tpu.memory_space<vmem>>, vector<16xi32>,
      %broadcast_in_dim3A_267 = arith.constant true
      %broadcast_in_dim3A_268 = vector.broadcast %broadcast_in_dim3A_267 : i1 to vector<16xi1>
      %masked_cumsum3A_269 = tpu.scan <sum>, %get3A_266 masked %broadcast_in_dim3A_268 : vector<16xi32>, vector<16xi1> -> vector<16xi32>
      %sub3A_270 = arith.subi %masked_cumsum3A_269, %get3A_266 : vector<16xi32>
      %add3A_271 = vector.broadcast %add3A_260 : i32 to vector<16xi32>
      %add3A_272 = arith.addi %sub3A_270, %add3A_271 : vector<16xi32>
      %mul3A_273 = arith.constant 16 : i32
      %mul3A_274 = arith.muli %scan3A_262, %mul3A_273 : i32
      %swap3A_275 = arith.index_cast %mul3A_274 : i32 to index
      %swap3A_276 = tpu.vector_load %arg10[%swap3A_275] {strides = array<i32>} : memref<4096xi32, #tpu.memory_space<vmem>>, vector<16xi32>,
      tpu.vector_store %arg10[%swap3A_275], %add3A_272 {strides = array<i32>} : memref<4096xi32, #tpu.memory_space<vmem>>, vector<16xi32>,
      %reduce_max3A_277 = arith.constant true
      %reduce_max3A_278 = vector.broadcast %reduce_max3A_277 : i1 to vector<16xi1>
      %reduce_max3A_279 = arith.constant -2147483648 : i32
      %reduce_max3A_280 = vector.broadcast %reduce_max3A_279 : i32 to vector<16xi32>
      %reduce_max3A_281 = arith.xori %masked_cumsum3A_269, %reduce_max3A_280 : vector<16xi32>
      %reduce_max3A_282 = tpu.scan <max>, %reduce_max3A_281 masked %reduce_max3A_278 : vector<16xi32>, vector<16xi1> -> vector<16xi32>
      %reduce_max3A_283 = arith.xori %reduce_max3A_282, %reduce_max3A_280 : vector<16xi32>
      %reduce_max3A_284 = vector.extract %reduce_max3A_283[15] : i32 from vector<16xi32>
      %add3A_285 = arith.addi %add3A_260, %reduce_max3A_284 : i32
      scf.yield %add3A_285 : i32
    }
    %scan3A_149 = arith.constant 256 : i32
    %scan3A_150 = arith.constant 0 : i32
    %scan3A_151 = arith.constant 0 : i32
    %scan3A_152 = arith.constant 512 : i32
    %scan3A_153 = arith.addi %scan3A_151, %scan3A_152 : i32
    %scan3A_154 = arith.constant 2 : i32
    %scan3A_155 = scf.for %scan3A_241 = %scan3A_151 to %scan3A_153 step %scan3A_154 iter_args(%scan3A_242 = %scan3A_150) -> (i32)  : i32 {
      %add3A_243 = vector.broadcast %scan3A_241 : i32 to vector<16xi32>
      %add3A_244 = arith.addi %mul3A_3, %add3A_243 : vector<16xi32>
      %shift_right_arithmetic3A = arith.constant 7 : i32
      %shift_right_arithmetic3A_245 = vector.broadcast %shift_right_arithmetic3A : i32 to vector<16xi32>
      %shift_right_arithmetic3A_246 = arith.shrsi %add3A_244, %shift_right_arithmetic3A_245 : vector<16xi32>
      %and3A = arith.constant 127 : i32
      %and3A_247 = vector.broadcast %and3A : i32 to vector<16xi32>
      %and3A_248 = arith.andi %add3A_244, %and3A_247 : vector<16xi32>
      %gather3A = tpu.vector_load_idx %arg4[%shift_right_arithmetic3A_246, %and3A_248] : memref<64x128xi32, #tpu.memory_space<vmem>>[vector<16xi32>, vector<16xi32>], vector<16xi32>,
      %le3A = arith.constant 2048 : i32
      %le3A_249 = vector.broadcast %le3A : i32 to vector<16xi32>
      %le3A_250 = arith.cmpi sle, %add3A_244, %le3A_249 : vector<16xi32>
      %convert_element_type3A = arith.extui %le3A_250 : vector<16xi1> to vector<16xi32>
      %and3A_251 = arith.constant 255 : i32
      %and3A_252 = vector.broadcast %and3A_251 : i32 to vector<16xi32>
      %and3A_253 = arith.andi %gather3A, %and3A_252 : vector<16xi32>
      %shift_left3A = arith.constant 4 : i32
      %shift_left3A_254 = vector.broadcast %shift_left3A : i32 to vector<16xi32>
      %shift_left3A_255 = arith.shli %and3A_253, %shift_left3A_254 : vector<16xi32>
      %or3A = arith.ori %shift_left3A_255, %iota3A : vector<16xi32>
      %gather3A_256 = tpu.vector_load_idx %arg10[%or3A] : memref<4096xi32, #tpu.memory_space<vmem>>[vector<16xi32>], vector<16xi32>,
      %add3A_257 = arith.constant 1 : i32
      %add3A_258 = vector.broadcast %add3A_257 : i32 to vector<16xi32>
      %add3A_259 = arith.addi %gather3A_256, %add3A_258 : vector<16xi32>
      tpu.vector_store_idx %arg10[%or3A], %add3A_259 : memref<4096xi32, #tpu.memory_space<vmem>>[vector<16xi32>], vector<16xi32>,
      %shift_right_arithmetic3A_260 = arith.constant 9 : i32
      %shift_right_arithmetic3A_261 = vector.broadcast %shift_right_arithmetic3A_260 : i32 to vector<16xi32>
      %shift_right_arithmetic3A_262 = arith.shrsi %gather3A_256, %shift_right_arithmetic3A_261 : vector<16xi32>
      %add3A_263 = arith.addi %gather3A_256, %shift_right_arithmetic3A_262 : vector<16xi32>
      tpu.vector_store_idx %arg5[%add3A_263], %gather3A : memref<8208xi32, #tpu.memory_space<vmem>>[vector<16xi32>], vector<16xi32>,
      tpu.vector_store_idx %arg7[%add3A_263], %convert_element_type3A : memref<8208xi32, #tpu.memory_space<vmem>>[vector<16xi32>], vector<16xi32>,
      %scan3A_264 = arith.constant 0 : i32
      %scan3A_265 = arith.constant 1 : i32
      %scan3A_266 = arith.addi %scan3A_241, %scan3A_265 : i32
      %add3A_267 = vector.broadcast %scan3A_266 : i32 to vector<16xi32>
      %add3A_268 = arith.addi %mul3A_3, %add3A_267 : vector<16xi32>
      %shift_right_arithmetic3A_269 = arith.constant 7 : i32
      %shift_right_arithmetic3A_270 = vector.broadcast %shift_right_arithmetic3A_269 : i32 to vector<16xi32>
      %shift_right_arithmetic3A_271 = arith.shrsi %add3A_268, %shift_right_arithmetic3A_270 : vector<16xi32>
      %and3A_272 = arith.constant 127 : i32
      %and3A_273 = vector.broadcast %and3A_272 : i32 to vector<16xi32>
      %and3A_274 = arith.andi %add3A_268, %and3A_273 : vector<16xi32>
      %gather3A_275 = tpu.vector_load_idx %arg4[%shift_right_arithmetic3A_271, %and3A_274] : memref<64x128xi32, #tpu.memory_space<vmem>>[vector<16xi32>, vector<16xi32>], vector<16xi32>,
      %le3A_276 = arith.constant 2048 : i32
      %le3A_277 = vector.broadcast %le3A_276 : i32 to vector<16xi32>
      %le3A_278 = arith.cmpi sle, %add3A_268, %le3A_277 : vector<16xi32>
      %convert_element_type3A_279 = arith.extui %le3A_278 : vector<16xi1> to vector<16xi32>
      %and3A_280 = arith.constant 255 : i32
      %and3A_281 = vector.broadcast %and3A_280 : i32 to vector<16xi32>
      %and3A_282 = arith.andi %gather3A_275, %and3A_281 : vector<16xi32>
      %shift_left3A_283 = arith.constant 4 : i32
      %shift_left3A_284 = vector.broadcast %shift_left3A_283 : i32 to vector<16xi32>
      %shift_left3A_285 = arith.shli %and3A_282, %shift_left3A_284 : vector<16xi32>
      %or3A_286 = arith.ori %shift_left3A_285, %iota3A : vector<16xi32>
      %gather3A_287 = tpu.vector_load_idx %arg10[%or3A_286] : memref<4096xi32, #tpu.memory_space<vmem>>[vector<16xi32>], vector<16xi32>,
      %add3A_288 = arith.constant 1 : i32
      %add3A_289 = vector.broadcast %add3A_288 : i32 to vector<16xi32>
      %add3A_290 = arith.addi %gather3A_287, %add3A_289 : vector<16xi32>
      tpu.vector_store_idx %arg10[%or3A_286], %add3A_290 : memref<4096xi32, #tpu.memory_space<vmem>>[vector<16xi32>], vector<16xi32>,
      %shift_right_arithmetic3A_291 = arith.constant 9 : i32
      %shift_right_arithmetic3A_292 = vector.broadcast %shift_right_arithmetic3A_291 : i32 to vector<16xi32>
      %shift_right_arithmetic3A_293 = arith.shrsi %gather3A_287, %shift_right_arithmetic3A_292 : vector<16xi32>
      %add3A_294 = arith.addi %gather3A_287, %shift_right_arithmetic3A_293 : vector<16xi32>
      tpu.vector_store_idx %arg5[%add3A_294], %gather3A_275 : memref<8208xi32, #tpu.memory_space<vmem>>[vector<16xi32>], vector<16xi32>,
      tpu.vector_store_idx %arg7[%add3A_294], %convert_element_type3A_279 : memref<8208xi32, #tpu.memory_space<vmem>>[vector<16xi32>], vector<16xi32>,
      %scan3A_295 = arith.constant 0 : i32
      scf.yield %scan3A_295 : i32
    }
    %scan3A_156 = arith.constant 512 : i32
    %scan3A_157 = arith.constant 0 : i32
    %scan3A_158 = arith.constant 0 : i32
    %scan3A_159 = arith.constant 256 : i32
    %scan3A_160 = arith.addi %scan3A_158, %scan3A_159 : i32
    %scan3A_161 = arith.constant 8 : i32
    %scan3A_162 = scf.for %scan3A_241 = %scan3A_158 to %scan3A_160 step %scan3A_161 iter_args(%scan3A_242 = %scan3A_157) -> (i32)  : i32 {
      %mul3A_243 = arith.constant 16 : i32
      %mul3A_244 = arith.muli %scan3A_241, %mul3A_243 : i32
      %swap3A = arith.index_cast %mul3A_244 : i32 to index
      %swap3A_245 = tpu.vector_load %arg10[%swap3A] {strides = array<i32>} : memref<4096xi32, #tpu.memory_space<vmem>>, vector<16xi32>,
      tpu.vector_store %arg10[%swap3A], %broadcast_in_dim3A_7 {strides = array<i32>} : memref<4096xi32, #tpu.memory_space<vmem>>, vector<16xi32>,
      %scan3A_246 = arith.constant 0 : i32
      %scan3A_247 = arith.constant 1 : i32
      %scan3A_248 = arith.addi %scan3A_241, %scan3A_247 : i32
      %mul3A_249 = arith.constant 16 : i32
      %mul3A_250 = arith.muli %scan3A_248, %mul3A_249 : i32
      %swap3A_251 = arith.index_cast %mul3A_250 : i32 to index
      %swap3A_252 = tpu.vector_load %arg10[%swap3A_251] {strides = array<i32>} : memref<4096xi32, #tpu.memory_space<vmem>>, vector<16xi32>,
      tpu.vector_store %arg10[%swap3A_251], %broadcast_in_dim3A_7 {strides = array<i32>} : memref<4096xi32, #tpu.memory_space<vmem>>, vector<16xi32>,
      %scan3A_253 = arith.constant 0 : i32
      %scan3A_254 = arith.constant 2 : i32
      %scan3A_255 = arith.addi %scan3A_241, %scan3A_254 : i32
      %mul3A_256 = arith.constant 16 : i32
      %mul3A_257 = arith.muli %scan3A_255, %mul3A_256 : i32
      %swap3A_258 = arith.index_cast %mul3A_257 : i32 to index
      %swap3A_259 = tpu.vector_load %arg10[%swap3A_258] {strides = array<i32>} : memref<4096xi32, #tpu.memory_space<vmem>>, vector<16xi32>,
      tpu.vector_store %arg10[%swap3A_258], %broadcast_in_dim3A_7 {strides = array<i32>} : memref<4096xi32, #tpu.memory_space<vmem>>, vector<16xi32>,
      %scan3A_260 = arith.constant 0 : i32
      %scan3A_261 = arith.constant 3 : i32
      %scan3A_262 = arith.addi %scan3A_241, %scan3A_261 : i32
      %mul3A_263 = arith.constant 16 : i32
      %mul3A_264 = arith.muli %scan3A_262, %mul3A_263 : i32
      %swap3A_265 = arith.index_cast %mul3A_264 : i32 to index
      %swap3A_266 = tpu.vector_load %arg10[%swap3A_265] {strides = array<i32>} : memref<4096xi32, #tpu.memory_space<vmem>>, vector<16xi32>,
      tpu.vector_store %arg10[%swap3A_265], %broadcast_in_dim3A_7 {strides = array<i32>} : memref<4096xi32, #tpu.memory_space<vmem>>, vector<16xi32>,
      %scan3A_267 = arith.constant 0 : i32
      %scan3A_268 = arith.constant 4 : i32
      %scan3A_269 = arith.addi %scan3A_241, %scan3A_268 : i32
      %mul3A_270 = arith.constant 16 : i32
      %mul3A_271 = arith.muli %scan3A_269, %mul3A_270 : i32
      %swap3A_272 = arith.index_cast %mul3A_271 : i32 to index
      %swap3A_273 = tpu.vector_load %arg10[%swap3A_272] {strides = array<i32>} : memref<4096xi32, #tpu.memory_space<vmem>>, vector<16xi32>,
      tpu.vector_store %arg10[%swap3A_272], %broadcast_in_dim3A_7 {strides = array<i32>} : memref<4096xi32, #tpu.memory_space<vmem>>, vector<16xi32>,
      %scan3A_274 = arith.constant 0 : i32
      %scan3A_275 = arith.constant 5 : i32
      %scan3A_276 = arith.addi %scan3A_241, %scan3A_275 : i32
      %mul3A_277 = arith.constant 16 : i32
      %mul3A_278 = arith.muli %scan3A_276, %mul3A_277 : i32
      %swap3A_279 = arith.index_cast %mul3A_278 : i32 to index
      %swap3A_280 = tpu.vector_load %arg10[%swap3A_279] {strides = array<i32>} : memref<4096xi32, #tpu.memory_space<vmem>>, vector<16xi32>,
      tpu.vector_store %arg10[%swap3A_279], %broadcast_in_dim3A_7 {strides = array<i32>} : memref<4096xi32, #tpu.memory_space<vmem>>, vector<16xi32>,
      %scan3A_281 = arith.constant 0 : i32
      %scan3A_282 = arith.constant 6 : i32
      %scan3A_283 = arith.addi %scan3A_241, %scan3A_282 : i32
      %mul3A_284 = arith.constant 16 : i32
      %mul3A_285 = arith.muli %scan3A_283, %mul3A_284 : i32
      %swap3A_286 = arith.index_cast %mul3A_285 : i32 to index
      %swap3A_287 = tpu.vector_load %arg10[%swap3A_286] {strides = array<i32>} : memref<4096xi32, #tpu.memory_space<vmem>>, vector<16xi32>,
      tpu.vector_store %arg10[%swap3A_286], %broadcast_in_dim3A_7 {strides = array<i32>} : memref<4096xi32, #tpu.memory_space<vmem>>, vector<16xi32>,
      %scan3A_288 = arith.constant 0 : i32
      %scan3A_289 = arith.constant 7 : i32
      %scan3A_290 = arith.addi %scan3A_241, %scan3A_289 : i32
      %mul3A_291 = arith.constant 16 : i32
      %mul3A_292 = arith.muli %scan3A_290, %mul3A_291 : i32
      %swap3A_293 = arith.index_cast %mul3A_292 : i32 to index
      %swap3A_294 = tpu.vector_load %arg10[%swap3A_293] {strides = array<i32>} : memref<4096xi32, #tpu.memory_space<vmem>>, vector<16xi32>,
      tpu.vector_store %arg10[%swap3A_293], %broadcast_in_dim3A_7 {strides = array<i32>} : memref<4096xi32, #tpu.memory_space<vmem>>, vector<16xi32>,
      %scan3A_295 = arith.constant 0 : i32
      scf.yield %scan3A_295 : i32
    }
    %scan3A_163 = arith.constant 256 : i32
    %scan3A_164 = arith.constant 0 : i32
    %scan3A_165 = arith.constant 0 : i32
    %scan3A_166 = arith.constant 512 : i32
    %scan3A_167 = arith.addi %scan3A_165, %scan3A_166 : i32
    %scan3A_168 = arith.constant 4 : i32
    %scan3A_169 = scf.for %scan3A_241 = %scan3A_165 to %scan3A_167 step %scan3A_168 iter_args(%scan3A_242 = %scan3A_164) -> (i32)  : i32 {
      %add3A_243 = vector.broadcast %scan3A_241 : i32 to vector<16xi32>
      %add3A_244 = arith.addi %mul3A_6, %add3A_243 : vector<16xi32>
      %gather3A = tpu.vector_load_idx %arg5[%add3A_244] : memref<8208xi32, #tpu.memory_space<vmem>>[vector<16xi32>], vector<16xi32>,
      %shift_right_arithmetic3A = arith.constant 8 : i32
      %shift_right_arithmetic3A_245 = vector.broadcast %shift_right_arithmetic3A : i32 to vector<16xi32>
      %shift_right_arithmetic3A_246 = arith.shrsi %gather3A, %shift_right_arithmetic3A_245 : vector<16xi32>
      %and3A = arith.constant 255 : i32
      %and3A_247 = vector.broadcast %and3A : i32 to vector<16xi32>
      %and3A_248 = arith.andi %shift_right_arithmetic3A_246, %and3A_247 : vector<16xi32>
      %shift_left3A = arith.constant 4 : i32
      %shift_left3A_249 = vector.broadcast %shift_left3A : i32 to vector<16xi32>
      %shift_left3A_250 = arith.shli %and3A_248, %shift_left3A_249 : vector<16xi32>
      %or3A = arith.ori %shift_left3A_250, %iota3A : vector<16xi32>
      tpu.vector_store_idx %arg10[%or3A], %broadcast_in_dim3A_9 {add = true} : memref<4096xi32, #tpu.memory_space<vmem>>[vector<16xi32>], vector<16xi32>,
      %scan3A_251 = arith.constant 0 : i32
      %scan3A_252 = arith.constant 1 : i32
      %scan3A_253 = arith.addi %scan3A_241, %scan3A_252 : i32
      %add3A_254 = vector.broadcast %scan3A_253 : i32 to vector<16xi32>
      %add3A_255 = arith.addi %mul3A_6, %add3A_254 : vector<16xi32>
      %gather3A_256 = tpu.vector_load_idx %arg5[%add3A_255] : memref<8208xi32, #tpu.memory_space<vmem>>[vector<16xi32>], vector<16xi32>,
      %shift_right_arithmetic3A_257 = arith.constant 8 : i32
      %shift_right_arithmetic3A_258 = vector.broadcast %shift_right_arithmetic3A_257 : i32 to vector<16xi32>
      %shift_right_arithmetic3A_259 = arith.shrsi %gather3A_256, %shift_right_arithmetic3A_258 : vector<16xi32>
      %and3A_260 = arith.constant 255 : i32
      %and3A_261 = vector.broadcast %and3A_260 : i32 to vector<16xi32>
      %and3A_262 = arith.andi %shift_right_arithmetic3A_259, %and3A_261 : vector<16xi32>
      %shift_left3A_263 = arith.constant 4 : i32
      %shift_left3A_264 = vector.broadcast %shift_left3A_263 : i32 to vector<16xi32>
      %shift_left3A_265 = arith.shli %and3A_262, %shift_left3A_264 : vector<16xi32>
      %or3A_266 = arith.ori %shift_left3A_265, %iota3A : vector<16xi32>
      tpu.vector_store_idx %arg10[%or3A_266], %broadcast_in_dim3A_9 {add = true} : memref<4096xi32, #tpu.memory_space<vmem>>[vector<16xi32>], vector<16xi32>,
      %scan3A_267 = arith.constant 0 : i32
      %scan3A_268 = arith.constant 2 : i32
      %scan3A_269 = arith.addi %scan3A_241, %scan3A_268 : i32
      %add3A_270 = vector.broadcast %scan3A_269 : i32 to vector<16xi32>
      %add3A_271 = arith.addi %mul3A_6, %add3A_270 : vector<16xi32>
      %gather3A_272 = tpu.vector_load_idx %arg5[%add3A_271] : memref<8208xi32, #tpu.memory_space<vmem>>[vector<16xi32>], vector<16xi32>,
      %shift_right_arithmetic3A_273 = arith.constant 8 : i32
      %shift_right_arithmetic3A_274 = vector.broadcast %shift_right_arithmetic3A_273 : i32 to vector<16xi32>
      %shift_right_arithmetic3A_275 = arith.shrsi %gather3A_272, %shift_right_arithmetic3A_274 : vector<16xi32>
      %and3A_276 = arith.constant 255 : i32
      %and3A_277 = vector.broadcast %and3A_276 : i32 to vector<16xi32>
      %and3A_278 = arith.andi %shift_right_arithmetic3A_275, %and3A_277 : vector<16xi32>
      %shift_left3A_279 = arith.constant 4 : i32
      %shift_left3A_280 = vector.broadcast %shift_left3A_279 : i32 to vector<16xi32>
      %shift_left3A_281 = arith.shli %and3A_278, %shift_left3A_280 : vector<16xi32>
      %or3A_282 = arith.ori %shift_left3A_281, %iota3A : vector<16xi32>
      tpu.vector_store_idx %arg10[%or3A_282], %broadcast_in_dim3A_9 {add = true} : memref<4096xi32, #tpu.memory_space<vmem>>[vector<16xi32>], vector<16xi32>,
      %scan3A_283 = arith.constant 0 : i32
      %scan3A_284 = arith.constant 3 : i32
      %scan3A_285 = arith.addi %scan3A_241, %scan3A_284 : i32
      %add3A_286 = vector.broadcast %scan3A_285 : i32 to vector<16xi32>
      %add3A_287 = arith.addi %mul3A_6, %add3A_286 : vector<16xi32>
      %gather3A_288 = tpu.vector_load_idx %arg5[%add3A_287] : memref<8208xi32, #tpu.memory_space<vmem>>[vector<16xi32>], vector<16xi32>,
      %shift_right_arithmetic3A_289 = arith.constant 8 : i32
      %shift_right_arithmetic3A_290 = vector.broadcast %shift_right_arithmetic3A_289 : i32 to vector<16xi32>
      %shift_right_arithmetic3A_291 = arith.shrsi %gather3A_288, %shift_right_arithmetic3A_290 : vector<16xi32>
      %and3A_292 = arith.constant 255 : i32
      %and3A_293 = vector.broadcast %and3A_292 : i32 to vector<16xi32>
      %and3A_294 = arith.andi %shift_right_arithmetic3A_291, %and3A_293 : vector<16xi32>
      %shift_left3A_295 = arith.constant 4 : i32
      %shift_left3A_296 = vector.broadcast %shift_left3A_295 : i32 to vector<16xi32>
      %shift_left3A_297 = arith.shli %and3A_294, %shift_left3A_296 : vector<16xi32>
      %or3A_298 = arith.ori %shift_left3A_297, %iota3A : vector<16xi32>
      tpu.vector_store_idx %arg10[%or3A_298], %broadcast_in_dim3A_9 {add = true} : memref<4096xi32, #tpu.memory_space<vmem>>[vector<16xi32>], vector<16xi32>,
      %scan3A_299 = arith.constant 0 : i32
      scf.yield %scan3A_299 : i32
    }
    %scan3A_170 = arith.constant 512 : i32
    %scan3A_171 = arith.constant 0 : i32
    %scan3A_172 = arith.constant 0 : i32
    %scan3A_173 = arith.constant 256 : i32
    %scan3A_174 = arith.addi %scan3A_172, %scan3A_173 : i32
    %scan3A_175 = arith.constant 2 : i32
    %scan3A_176 = scf.for %scan3A_241 = %scan3A_172 to %scan3A_174 step %scan3A_175 iter_args(%scan3A_242 = %scan3A_171) -> (i32)  : i32 {
      %mul3A_243 = arith.constant 16 : i32
      %mul3A_244 = arith.muli %scan3A_241, %mul3A_243 : i32
      %get3A = arith.index_cast %mul3A_244 : i32 to index
      %get3A_245 = tpu.vector_load %arg10[%get3A] {strides = array<i32>} : memref<4096xi32, #tpu.memory_space<vmem>>, vector<16xi32>,
      %broadcast_in_dim3A_246 = arith.constant true
      %broadcast_in_dim3A_247 = vector.broadcast %broadcast_in_dim3A_246 : i1 to vector<16xi1>
      %masked_cumsum3A = tpu.scan <sum>, %get3A_245 masked %broadcast_in_dim3A_247 : vector<16xi32>, vector<16xi1> -> vector<16xi32>
      %sub3A = arith.subi %masked_cumsum3A, %get3A_245 : vector<16xi32>
      %add3A_248 = vector.broadcast %scan3A_242 : i32 to vector<16xi32>
      %add3A_249 = arith.addi %sub3A, %add3A_248 : vector<16xi32>
      %mul3A_250 = arith.constant 16 : i32
      %mul3A_251 = arith.muli %scan3A_241, %mul3A_250 : i32
      %swap3A = arith.index_cast %mul3A_251 : i32 to index
      %swap3A_252 = tpu.vector_load %arg10[%swap3A] {strides = array<i32>} : memref<4096xi32, #tpu.memory_space<vmem>>, vector<16xi32>,
      tpu.vector_store %arg10[%swap3A], %add3A_249 {strides = array<i32>} : memref<4096xi32, #tpu.memory_space<vmem>>, vector<16xi32>,
      %reduce_max3A = arith.constant true
      %reduce_max3A_253 = vector.broadcast %reduce_max3A : i1 to vector<16xi1>
      %reduce_max3A_254 = arith.constant -2147483648 : i32
      %reduce_max3A_255 = vector.broadcast %reduce_max3A_254 : i32 to vector<16xi32>
      %reduce_max3A_256 = arith.xori %masked_cumsum3A, %reduce_max3A_255 : vector<16xi32>
      %reduce_max3A_257 = tpu.scan <max>, %reduce_max3A_256 masked %reduce_max3A_253 : vector<16xi32>, vector<16xi1> -> vector<16xi32>
      %reduce_max3A_258 = arith.xori %reduce_max3A_257, %reduce_max3A_255 : vector<16xi32>
      %reduce_max3A_259 = vector.extract %reduce_max3A_258[15] : i32 from vector<16xi32>
      %add3A_260 = arith.addi %scan3A_242, %reduce_max3A_259 : i32
      %scan3A_261 = arith.constant 1 : i32
      %scan3A_262 = arith.addi %scan3A_241, %scan3A_261 : i32
      %mul3A_263 = arith.constant 16 : i32
      %mul3A_264 = arith.muli %scan3A_262, %mul3A_263 : i32
      %get3A_265 = arith.index_cast %mul3A_264 : i32 to index
      %get3A_266 = tpu.vector_load %arg10[%get3A_265] {strides = array<i32>} : memref<4096xi32, #tpu.memory_space<vmem>>, vector<16xi32>,
      %broadcast_in_dim3A_267 = arith.constant true
      %broadcast_in_dim3A_268 = vector.broadcast %broadcast_in_dim3A_267 : i1 to vector<16xi1>
      %masked_cumsum3A_269 = tpu.scan <sum>, %get3A_266 masked %broadcast_in_dim3A_268 : vector<16xi32>, vector<16xi1> -> vector<16xi32>
      %sub3A_270 = arith.subi %masked_cumsum3A_269, %get3A_266 : vector<16xi32>
      %add3A_271 = vector.broadcast %add3A_260 : i32 to vector<16xi32>
      %add3A_272 = arith.addi %sub3A_270, %add3A_271 : vector<16xi32>
      %mul3A_273 = arith.constant 16 : i32
      %mul3A_274 = arith.muli %scan3A_262, %mul3A_273 : i32
      %swap3A_275 = arith.index_cast %mul3A_274 : i32 to index
      %swap3A_276 = tpu.vector_load %arg10[%swap3A_275] {strides = array<i32>} : memref<4096xi32, #tpu.memory_space<vmem>>, vector<16xi32>,
      tpu.vector_store %arg10[%swap3A_275], %add3A_272 {strides = array<i32>} : memref<4096xi32, #tpu.memory_space<vmem>>, vector<16xi32>,
      %reduce_max3A_277 = arith.constant true
      %reduce_max3A_278 = vector.broadcast %reduce_max3A_277 : i1 to vector<16xi1>
      %reduce_max3A_279 = arith.constant -2147483648 : i32
      %reduce_max3A_280 = vector.broadcast %reduce_max3A_279 : i32 to vector<16xi32>
      %reduce_max3A_281 = arith.xori %masked_cumsum3A_269, %reduce_max3A_280 : vector<16xi32>
      %reduce_max3A_282 = tpu.scan <max>, %reduce_max3A_281 masked %reduce_max3A_278 : vector<16xi32>, vector<16xi1> -> vector<16xi32>
      %reduce_max3A_283 = arith.xori %reduce_max3A_282, %reduce_max3A_280 : vector<16xi32>
      %reduce_max3A_284 = vector.extract %reduce_max3A_283[15] : i32 from vector<16xi32>
      %add3A_285 = arith.addi %add3A_260, %reduce_max3A_284 : i32
      scf.yield %add3A_285 : i32
    }
    %scan3A_177 = arith.constant 256 : i32
    %scan3A_178 = arith.constant 0 : i32
    %scan3A_179 = arith.constant 0 : i32
    %scan3A_180 = arith.constant 512 : i32
    %scan3A_181 = arith.addi %scan3A_179, %scan3A_180 : i32
    %scan3A_182 = arith.constant 2 : i32
    %scan3A_183 = scf.for %scan3A_241 = %scan3A_179 to %scan3A_181 step %scan3A_182 iter_args(%scan3A_242 = %scan3A_178) -> (i32)  : i32 {
      %add3A_243 = vector.broadcast %scan3A_241 : i32 to vector<16xi32>
      %add3A_244 = arith.addi %mul3A_6, %add3A_243 : vector<16xi32>
      %gather3A = tpu.vector_load_idx %arg5[%add3A_244] : memref<8208xi32, #tpu.memory_space<vmem>>[vector<16xi32>], vector<16xi32>,
      %gather3A_245 = tpu.vector_load_idx %arg7[%add3A_244] : memref<8208xi32, #tpu.memory_space<vmem>>[vector<16xi32>], vector<16xi32>,
      %shift_right_arithmetic3A = arith.constant 8 : i32
      %shift_right_arithmetic3A_246 = vector.broadcast %shift_right_arithmetic3A : i32 to vector<16xi32>
      %shift_right_arithmetic3A_247 = arith.shrsi %gather3A, %shift_right_arithmetic3A_246 : vector<16xi32>
      %and3A = arith.constant 255 : i32
      %and3A_248 = vector.broadcast %and3A : i32 to vector<16xi32>
      %and3A_249 = arith.andi %shift_right_arithmetic3A_247, %and3A_248 : vector<16xi32>
      %shift_left3A = arith.constant 4 : i32
      %shift_left3A_250 = vector.broadcast %shift_left3A : i32 to vector<16xi32>
      %shift_left3A_251 = arith.shli %and3A_249, %shift_left3A_250 : vector<16xi32>
      %or3A = arith.ori %shift_left3A_251, %iota3A : vector<16xi32>
      %gather3A_252 = tpu.vector_load_idx %arg10[%or3A] : memref<4096xi32, #tpu.memory_space<vmem>>[vector<16xi32>], vector<16xi32>,
      %add3A_253 = arith.constant 1 : i32
      %add3A_254 = vector.broadcast %add3A_253 : i32 to vector<16xi32>
      %add3A_255 = arith.addi %gather3A_252, %add3A_254 : vector<16xi32>
      tpu.vector_store_idx %arg10[%or3A], %add3A_255 : memref<4096xi32, #tpu.memory_space<vmem>>[vector<16xi32>], vector<16xi32>,
      %shift_right_arithmetic3A_256 = arith.constant 9 : i32
      %shift_right_arithmetic3A_257 = vector.broadcast %shift_right_arithmetic3A_256 : i32 to vector<16xi32>
      %shift_right_arithmetic3A_258 = arith.shrsi %gather3A_252, %shift_right_arithmetic3A_257 : vector<16xi32>
      %add3A_259 = arith.addi %gather3A_252, %shift_right_arithmetic3A_258 : vector<16xi32>
      tpu.vector_store_idx %arg6[%add3A_259], %gather3A : memref<8208xi32, #tpu.memory_space<vmem>>[vector<16xi32>], vector<16xi32>,
      tpu.vector_store_idx %arg8[%add3A_259], %gather3A_245 : memref<8208xi32, #tpu.memory_space<vmem>>[vector<16xi32>], vector<16xi32>,
      %scan3A_260 = arith.constant 0 : i32
      %scan3A_261 = arith.constant 1 : i32
      %scan3A_262 = arith.addi %scan3A_241, %scan3A_261 : i32
      %add3A_263 = vector.broadcast %scan3A_262 : i32 to vector<16xi32>
      %add3A_264 = arith.addi %mul3A_6, %add3A_263 : vector<16xi32>
      %gather3A_265 = tpu.vector_load_idx %arg5[%add3A_264] : memref<8208xi32, #tpu.memory_space<vmem>>[vector<16xi32>], vector<16xi32>,
      %gather3A_266 = tpu.vector_load_idx %arg7[%add3A_264] : memref<8208xi32, #tpu.memory_space<vmem>>[vector<16xi32>], vector<16xi32>,
      %shift_right_arithmetic3A_267 = arith.constant 8 : i32
      %shift_right_arithmetic3A_268 = vector.broadcast %shift_right_arithmetic3A_267 : i32 to vector<16xi32>
      %shift_right_arithmetic3A_269 = arith.shrsi %gather3A_265, %shift_right_arithmetic3A_268 : vector<16xi32>
      %and3A_270 = arith.constant 255 : i32
      %and3A_271 = vector.broadcast %and3A_270 : i32 to vector<16xi32>
      %and3A_272 = arith.andi %shift_right_arithmetic3A_269, %and3A_271 : vector<16xi32>
      %shift_left3A_273 = arith.constant 4 : i32
      %shift_left3A_274 = vector.broadcast %shift_left3A_273 : i32 to vector<16xi32>
      %shift_left3A_275 = arith.shli %and3A_272, %shift_left3A_274 : vector<16xi32>
      %or3A_276 = arith.ori %shift_left3A_275, %iota3A : vector<16xi32>
      %gather3A_277 = tpu.vector_load_idx %arg10[%or3A_276] : memref<4096xi32, #tpu.memory_space<vmem>>[vector<16xi32>], vector<16xi32>,
      %add3A_278 = arith.constant 1 : i32
      %add3A_279 = vector.broadcast %add3A_278 : i32 to vector<16xi32>
      %add3A_280 = arith.addi %gather3A_277, %add3A_279 : vector<16xi32>
      tpu.vector_store_idx %arg10[%or3A_276], %add3A_280 : memref<4096xi32, #tpu.memory_space<vmem>>[vector<16xi32>], vector<16xi32>,
      %shift_right_arithmetic3A_281 = arith.constant 9 : i32
      %shift_right_arithmetic3A_282 = vector.broadcast %shift_right_arithmetic3A_281 : i32 to vector<16xi32>
      %shift_right_arithmetic3A_283 = arith.shrsi %gather3A_277, %shift_right_arithmetic3A_282 : vector<16xi32>
      %add3A_284 = arith.addi %gather3A_277, %shift_right_arithmetic3A_283 : vector<16xi32>
      tpu.vector_store_idx %arg6[%add3A_284], %gather3A_265 : memref<8208xi32, #tpu.memory_space<vmem>>[vector<16xi32>], vector<16xi32>,
      tpu.vector_store_idx %arg8[%add3A_284], %gather3A_266 : memref<8208xi32, #tpu.memory_space<vmem>>[vector<16xi32>], vector<16xi32>,
      %scan3A_285 = arith.constant 0 : i32
      scf.yield %scan3A_285 : i32
    }
    %scan3A_184 = arith.constant 512 : i32
    %scan3A_185 = arith.constant 0 : i32
    %scan3A_186 = arith.constant 0 : i32
    %scan3A_187 = arith.constant 256 : i32
    %scan3A_188 = arith.addi %scan3A_186, %scan3A_187 : i32
    %scan3A_189 = arith.constant 8 : i32
    %scan3A_190 = scf.for %scan3A_241 = %scan3A_186 to %scan3A_188 step %scan3A_189 iter_args(%scan3A_242 = %scan3A_185) -> (i32)  : i32 {
      %mul3A_243 = arith.constant 16 : i32
      %mul3A_244 = arith.muli %scan3A_241, %mul3A_243 : i32
      %swap3A = arith.index_cast %mul3A_244 : i32 to index
      %swap3A_245 = tpu.vector_load %arg10[%swap3A] {strides = array<i32>} : memref<4096xi32, #tpu.memory_space<vmem>>, vector<16xi32>,
      tpu.vector_store %arg10[%swap3A], %broadcast_in_dim3A_7 {strides = array<i32>} : memref<4096xi32, #tpu.memory_space<vmem>>, vector<16xi32>,
      %scan3A_246 = arith.constant 0 : i32
      %scan3A_247 = arith.constant 1 : i32
      %scan3A_248 = arith.addi %scan3A_241, %scan3A_247 : i32
      %mul3A_249 = arith.constant 16 : i32
      %mul3A_250 = arith.muli %scan3A_248, %mul3A_249 : i32
      %swap3A_251 = arith.index_cast %mul3A_250 : i32 to index
      %swap3A_252 = tpu.vector_load %arg10[%swap3A_251] {strides = array<i32>} : memref<4096xi32, #tpu.memory_space<vmem>>, vector<16xi32>,
      tpu.vector_store %arg10[%swap3A_251], %broadcast_in_dim3A_7 {strides = array<i32>} : memref<4096xi32, #tpu.memory_space<vmem>>, vector<16xi32>,
      %scan3A_253 = arith.constant 0 : i32
      %scan3A_254 = arith.constant 2 : i32
      %scan3A_255 = arith.addi %scan3A_241, %scan3A_254 : i32
      %mul3A_256 = arith.constant 16 : i32
      %mul3A_257 = arith.muli %scan3A_255, %mul3A_256 : i32
      %swap3A_258 = arith.index_cast %mul3A_257 : i32 to index
      %swap3A_259 = tpu.vector_load %arg10[%swap3A_258] {strides = array<i32>} : memref<4096xi32, #tpu.memory_space<vmem>>, vector<16xi32>,
      tpu.vector_store %arg10[%swap3A_258], %broadcast_in_dim3A_7 {strides = array<i32>} : memref<4096xi32, #tpu.memory_space<vmem>>, vector<16xi32>,
      %scan3A_260 = arith.constant 0 : i32
      %scan3A_261 = arith.constant 3 : i32
      %scan3A_262 = arith.addi %scan3A_241, %scan3A_261 : i32
      %mul3A_263 = arith.constant 16 : i32
      %mul3A_264 = arith.muli %scan3A_262, %mul3A_263 : i32
      %swap3A_265 = arith.index_cast %mul3A_264 : i32 to index
      %swap3A_266 = tpu.vector_load %arg10[%swap3A_265] {strides = array<i32>} : memref<4096xi32, #tpu.memory_space<vmem>>, vector<16xi32>,
      tpu.vector_store %arg10[%swap3A_265], %broadcast_in_dim3A_7 {strides = array<i32>} : memref<4096xi32, #tpu.memory_space<vmem>>, vector<16xi32>,
      %scan3A_267 = arith.constant 0 : i32
      %scan3A_268 = arith.constant 4 : i32
      %scan3A_269 = arith.addi %scan3A_241, %scan3A_268 : i32
      %mul3A_270 = arith.constant 16 : i32
      %mul3A_271 = arith.muli %scan3A_269, %mul3A_270 : i32
      %swap3A_272 = arith.index_cast %mul3A_271 : i32 to index
      %swap3A_273 = tpu.vector_load %arg10[%swap3A_272] {strides = array<i32>} : memref<4096xi32, #tpu.memory_space<vmem>>, vector<16xi32>,
      tpu.vector_store %arg10[%swap3A_272], %broadcast_in_dim3A_7 {strides = array<i32>} : memref<4096xi32, #tpu.memory_space<vmem>>, vector<16xi32>,
      %scan3A_274 = arith.constant 0 : i32
      %scan3A_275 = arith.constant 5 : i32
      %scan3A_276 = arith.addi %scan3A_241, %scan3A_275 : i32
      %mul3A_277 = arith.constant 16 : i32
      %mul3A_278 = arith.muli %scan3A_276, %mul3A_277 : i32
      %swap3A_279 = arith.index_cast %mul3A_278 : i32 to index
      %swap3A_280 = tpu.vector_load %arg10[%swap3A_279] {strides = array<i32>} : memref<4096xi32, #tpu.memory_space<vmem>>, vector<16xi32>,
      tpu.vector_store %arg10[%swap3A_279], %broadcast_in_dim3A_7 {strides = array<i32>} : memref<4096xi32, #tpu.memory_space<vmem>>, vector<16xi32>,
      %scan3A_281 = arith.constant 0 : i32
      %scan3A_282 = arith.constant 6 : i32
      %scan3A_283 = arith.addi %scan3A_241, %scan3A_282 : i32
      %mul3A_284 = arith.constant 16 : i32
      %mul3A_285 = arith.muli %scan3A_283, %mul3A_284 : i32
      %swap3A_286 = arith.index_cast %mul3A_285 : i32 to index
      %swap3A_287 = tpu.vector_load %arg10[%swap3A_286] {strides = array<i32>} : memref<4096xi32, #tpu.memory_space<vmem>>, vector<16xi32>,
      tpu.vector_store %arg10[%swap3A_286], %broadcast_in_dim3A_7 {strides = array<i32>} : memref<4096xi32, #tpu.memory_space<vmem>>, vector<16xi32>,
      %scan3A_288 = arith.constant 0 : i32
      %scan3A_289 = arith.constant 7 : i32
      %scan3A_290 = arith.addi %scan3A_241, %scan3A_289 : i32
      %mul3A_291 = arith.constant 16 : i32
      %mul3A_292 = arith.muli %scan3A_290, %mul3A_291 : i32
      %swap3A_293 = arith.index_cast %mul3A_292 : i32 to index
      %swap3A_294 = tpu.vector_load %arg10[%swap3A_293] {strides = array<i32>} : memref<4096xi32, #tpu.memory_space<vmem>>, vector<16xi32>,
      tpu.vector_store %arg10[%swap3A_293], %broadcast_in_dim3A_7 {strides = array<i32>} : memref<4096xi32, #tpu.memory_space<vmem>>, vector<16xi32>,
      %scan3A_295 = arith.constant 0 : i32
      scf.yield %scan3A_295 : i32
    }
    %scan3A_191 = arith.constant 256 : i32
    %scan3A_192 = arith.constant 0 : i32
    %scan3A_193 = arith.constant 0 : i32
    %scan3A_194 = arith.constant 512 : i32
    %scan3A_195 = arith.addi %scan3A_193, %scan3A_194 : i32
    %scan3A_196 = arith.constant 4 : i32
    %scan3A_197 = scf.for %scan3A_241 = %scan3A_193 to %scan3A_195 step %scan3A_196 iter_args(%scan3A_242 = %scan3A_192) -> (i32)  : i32 {
      %add3A_243 = vector.broadcast %scan3A_241 : i32 to vector<16xi32>
      %add3A_244 = arith.addi %mul3A_6, %add3A_243 : vector<16xi32>
      %gather3A = tpu.vector_load_idx %arg6[%add3A_244] : memref<8208xi32, #tpu.memory_space<vmem>>[vector<16xi32>], vector<16xi32>,
      %shift_right_arithmetic3A = arith.constant 16 : i32
      %shift_right_arithmetic3A_245 = vector.broadcast %shift_right_arithmetic3A : i32 to vector<16xi32>
      %shift_right_arithmetic3A_246 = arith.shrsi %gather3A, %shift_right_arithmetic3A_245 : vector<16xi32>
      %and3A = arith.constant 255 : i32
      %and3A_247 = vector.broadcast %and3A : i32 to vector<16xi32>
      %and3A_248 = arith.andi %shift_right_arithmetic3A_246, %and3A_247 : vector<16xi32>
      %shift_left3A = arith.constant 4 : i32
      %shift_left3A_249 = vector.broadcast %shift_left3A : i32 to vector<16xi32>
      %shift_left3A_250 = arith.shli %and3A_248, %shift_left3A_249 : vector<16xi32>
      %or3A = arith.ori %shift_left3A_250, %iota3A : vector<16xi32>
      tpu.vector_store_idx %arg10[%or3A], %broadcast_in_dim3A_9 {add = true} : memref<4096xi32, #tpu.memory_space<vmem>>[vector<16xi32>], vector<16xi32>,
      %scan3A_251 = arith.constant 0 : i32
      %scan3A_252 = arith.constant 1 : i32
      %scan3A_253 = arith.addi %scan3A_241, %scan3A_252 : i32
      %add3A_254 = vector.broadcast %scan3A_253 : i32 to vector<16xi32>
      %add3A_255 = arith.addi %mul3A_6, %add3A_254 : vector<16xi32>
      %gather3A_256 = tpu.vector_load_idx %arg6[%add3A_255] : memref<8208xi32, #tpu.memory_space<vmem>>[vector<16xi32>], vector<16xi32>,
      %shift_right_arithmetic3A_257 = arith.constant 16 : i32
      %shift_right_arithmetic3A_258 = vector.broadcast %shift_right_arithmetic3A_257 : i32 to vector<16xi32>
      %shift_right_arithmetic3A_259 = arith.shrsi %gather3A_256, %shift_right_arithmetic3A_258 : vector<16xi32>
      %and3A_260 = arith.constant 255 : i32
      %and3A_261 = vector.broadcast %and3A_260 : i32 to vector<16xi32>
      %and3A_262 = arith.andi %shift_right_arithmetic3A_259, %and3A_261 : vector<16xi32>
      %shift_left3A_263 = arith.constant 4 : i32
      %shift_left3A_264 = vector.broadcast %shift_left3A_263 : i32 to vector<16xi32>
      %shift_left3A_265 = arith.shli %and3A_262, %shift_left3A_264 : vector<16xi32>
      %or3A_266 = arith.ori %shift_left3A_265, %iota3A : vector<16xi32>
      tpu.vector_store_idx %arg10[%or3A_266], %broadcast_in_dim3A_9 {add = true} : memref<4096xi32, #tpu.memory_space<vmem>>[vector<16xi32>], vector<16xi32>,
      %scan3A_267 = arith.constant 0 : i32
      %scan3A_268 = arith.constant 2 : i32
      %scan3A_269 = arith.addi %scan3A_241, %scan3A_268 : i32
      %add3A_270 = vector.broadcast %scan3A_269 : i32 to vector<16xi32>
      %add3A_271 = arith.addi %mul3A_6, %add3A_270 : vector<16xi32>
      %gather3A_272 = tpu.vector_load_idx %arg6[%add3A_271] : memref<8208xi32, #tpu.memory_space<vmem>>[vector<16xi32>], vector<16xi32>,
      %shift_right_arithmetic3A_273 = arith.constant 16 : i32
      %shift_right_arithmetic3A_274 = vector.broadcast %shift_right_arithmetic3A_273 : i32 to vector<16xi32>
      %shift_right_arithmetic3A_275 = arith.shrsi %gather3A_272, %shift_right_arithmetic3A_274 : vector<16xi32>
      %and3A_276 = arith.constant 255 : i32
      %and3A_277 = vector.broadcast %and3A_276 : i32 to vector<16xi32>
      %and3A_278 = arith.andi %shift_right_arithmetic3A_275, %and3A_277 : vector<16xi32>
      %shift_left3A_279 = arith.constant 4 : i32
      %shift_left3A_280 = vector.broadcast %shift_left3A_279 : i32 to vector<16xi32>
      %shift_left3A_281 = arith.shli %and3A_278, %shift_left3A_280 : vector<16xi32>
      %or3A_282 = arith.ori %shift_left3A_281, %iota3A : vector<16xi32>
      tpu.vector_store_idx %arg10[%or3A_282], %broadcast_in_dim3A_9 {add = true} : memref<4096xi32, #tpu.memory_space<vmem>>[vector<16xi32>], vector<16xi32>,
      %scan3A_283 = arith.constant 0 : i32
      %scan3A_284 = arith.constant 3 : i32
      %scan3A_285 = arith.addi %scan3A_241, %scan3A_284 : i32
      %add3A_286 = vector.broadcast %scan3A_285 : i32 to vector<16xi32>
      %add3A_287 = arith.addi %mul3A_6, %add3A_286 : vector<16xi32>
      %gather3A_288 = tpu.vector_load_idx %arg6[%add3A_287] : memref<8208xi32, #tpu.memory_space<vmem>>[vector<16xi32>], vector<16xi32>,
      %shift_right_arithmetic3A_289 = arith.constant 16 : i32
      %shift_right_arithmetic3A_290 = vector.broadcast %shift_right_arithmetic3A_289 : i32 to vector<16xi32>
      %shift_right_arithmetic3A_291 = arith.shrsi %gather3A_288, %shift_right_arithmetic3A_290 : vector<16xi32>
      %and3A_292 = arith.constant 255 : i32
      %and3A_293 = vector.broadcast %and3A_292 : i32 to vector<16xi32>
      %and3A_294 = arith.andi %shift_right_arithmetic3A_291, %and3A_293 : vector<16xi32>
      %shift_left3A_295 = arith.constant 4 : i32
      %shift_left3A_296 = vector.broadcast %shift_left3A_295 : i32 to vector<16xi32>
      %shift_left3A_297 = arith.shli %and3A_294, %shift_left3A_296 : vector<16xi32>
      %or3A_298 = arith.ori %shift_left3A_297, %iota3A : vector<16xi32>
      tpu.vector_store_idx %arg10[%or3A_298], %broadcast_in_dim3A_9 {add = true} : memref<4096xi32, #tpu.memory_space<vmem>>[vector<16xi32>], vector<16xi32>,
      %scan3A_299 = arith.constant 0 : i32
      scf.yield %scan3A_299 : i32
    }
    %scan3A_198 = arith.constant 512 : i32
    %scan3A_199 = arith.constant 0 : i32
    %scan3A_200 = arith.constant 0 : i32
    %scan3A_201 = arith.constant 256 : i32
    %scan3A_202 = arith.addi %scan3A_200, %scan3A_201 : i32
    %scan3A_203 = arith.constant 2 : i32
    %scan3A_204 = scf.for %scan3A_241 = %scan3A_200 to %scan3A_202 step %scan3A_203 iter_args(%scan3A_242 = %scan3A_199) -> (i32)  : i32 {
      %mul3A_243 = arith.constant 16 : i32
      %mul3A_244 = arith.muli %scan3A_241, %mul3A_243 : i32
      %get3A = arith.index_cast %mul3A_244 : i32 to index
      %get3A_245 = tpu.vector_load %arg10[%get3A] {strides = array<i32>} : memref<4096xi32, #tpu.memory_space<vmem>>, vector<16xi32>,
      %broadcast_in_dim3A_246 = arith.constant true
      %broadcast_in_dim3A_247 = vector.broadcast %broadcast_in_dim3A_246 : i1 to vector<16xi1>
      %masked_cumsum3A = tpu.scan <sum>, %get3A_245 masked %broadcast_in_dim3A_247 : vector<16xi32>, vector<16xi1> -> vector<16xi32>
      %sub3A = arith.subi %masked_cumsum3A, %get3A_245 : vector<16xi32>
      %add3A_248 = vector.broadcast %scan3A_242 : i32 to vector<16xi32>
      %add3A_249 = arith.addi %sub3A, %add3A_248 : vector<16xi32>
      %mul3A_250 = arith.constant 16 : i32
      %mul3A_251 = arith.muli %scan3A_241, %mul3A_250 : i32
      %swap3A = arith.index_cast %mul3A_251 : i32 to index
      %swap3A_252 = tpu.vector_load %arg10[%swap3A] {strides = array<i32>} : memref<4096xi32, #tpu.memory_space<vmem>>, vector<16xi32>,
      tpu.vector_store %arg10[%swap3A], %add3A_249 {strides = array<i32>} : memref<4096xi32, #tpu.memory_space<vmem>>, vector<16xi32>,
      %reduce_max3A = arith.constant true
      %reduce_max3A_253 = vector.broadcast %reduce_max3A : i1 to vector<16xi1>
      %reduce_max3A_254 = arith.constant -2147483648 : i32
      %reduce_max3A_255 = vector.broadcast %reduce_max3A_254 : i32 to vector<16xi32>
      %reduce_max3A_256 = arith.xori %masked_cumsum3A, %reduce_max3A_255 : vector<16xi32>
      %reduce_max3A_257 = tpu.scan <max>, %reduce_max3A_256 masked %reduce_max3A_253 : vector<16xi32>, vector<16xi1> -> vector<16xi32>
      %reduce_max3A_258 = arith.xori %reduce_max3A_257, %reduce_max3A_255 : vector<16xi32>
      %reduce_max3A_259 = vector.extract %reduce_max3A_258[15] : i32 from vector<16xi32>
      %add3A_260 = arith.addi %scan3A_242, %reduce_max3A_259 : i32
      %scan3A_261 = arith.constant 1 : i32
      %scan3A_262 = arith.addi %scan3A_241, %scan3A_261 : i32
      %mul3A_263 = arith.constant 16 : i32
      %mul3A_264 = arith.muli %scan3A_262, %mul3A_263 : i32
      %get3A_265 = arith.index_cast %mul3A_264 : i32 to index
      %get3A_266 = tpu.vector_load %arg10[%get3A_265] {strides = array<i32>} : memref<4096xi32, #tpu.memory_space<vmem>>, vector<16xi32>,
      %broadcast_in_dim3A_267 = arith.constant true
      %broadcast_in_dim3A_268 = vector.broadcast %broadcast_in_dim3A_267 : i1 to vector<16xi1>
      %masked_cumsum3A_269 = tpu.scan <sum>, %get3A_266 masked %broadcast_in_dim3A_268 : vector<16xi32>, vector<16xi1> -> vector<16xi32>
      %sub3A_270 = arith.subi %masked_cumsum3A_269, %get3A_266 : vector<16xi32>
      %add3A_271 = vector.broadcast %add3A_260 : i32 to vector<16xi32>
      %add3A_272 = arith.addi %sub3A_270, %add3A_271 : vector<16xi32>
      %mul3A_273 = arith.constant 16 : i32
      %mul3A_274 = arith.muli %scan3A_262, %mul3A_273 : i32
      %swap3A_275 = arith.index_cast %mul3A_274 : i32 to index
      %swap3A_276 = tpu.vector_load %arg10[%swap3A_275] {strides = array<i32>} : memref<4096xi32, #tpu.memory_space<vmem>>, vector<16xi32>,
      tpu.vector_store %arg10[%swap3A_275], %add3A_272 {strides = array<i32>} : memref<4096xi32, #tpu.memory_space<vmem>>, vector<16xi32>,
      %reduce_max3A_277 = arith.constant true
      %reduce_max3A_278 = vector.broadcast %reduce_max3A_277 : i1 to vector<16xi1>
      %reduce_max3A_279 = arith.constant -2147483648 : i32
      %reduce_max3A_280 = vector.broadcast %reduce_max3A_279 : i32 to vector<16xi32>
      %reduce_max3A_281 = arith.xori %masked_cumsum3A_269, %reduce_max3A_280 : vector<16xi32>
      %reduce_max3A_282 = tpu.scan <max>, %reduce_max3A_281 masked %reduce_max3A_278 : vector<16xi32>, vector<16xi1> -> vector<16xi32>
      %reduce_max3A_283 = arith.xori %reduce_max3A_282, %reduce_max3A_280 : vector<16xi32>
      %reduce_max3A_284 = vector.extract %reduce_max3A_283[15] : i32 from vector<16xi32>
      %add3A_285 = arith.addi %add3A_260, %reduce_max3A_284 : i32
      scf.yield %add3A_285 : i32
    }
    %scan3A_205 = arith.constant 256 : i32
    %scan3A_206 = arith.constant 0 : i32
    %scan3A_207 = arith.constant 0 : i32
    %scan3A_208 = arith.constant 512 : i32
    %scan3A_209 = arith.addi %scan3A_207, %scan3A_208 : i32
    %scan3A_210 = arith.constant 2 : i32
    %scan3A_211 = scf.for %scan3A_241 = %scan3A_207 to %scan3A_209 step %scan3A_210 iter_args(%scan3A_242 = %scan3A_206) -> (i32)  : i32 {
      %add3A_243 = vector.broadcast %scan3A_241 : i32 to vector<16xi32>
      %add3A_244 = arith.addi %mul3A_6, %add3A_243 : vector<16xi32>
      %gather3A = tpu.vector_load_idx %arg6[%add3A_244] : memref<8208xi32, #tpu.memory_space<vmem>>[vector<16xi32>], vector<16xi32>,
      %gather3A_245 = tpu.vector_load_idx %arg8[%add3A_244] : memref<8208xi32, #tpu.memory_space<vmem>>[vector<16xi32>], vector<16xi32>,
      %shift_right_arithmetic3A = arith.constant 16 : i32
      %shift_right_arithmetic3A_246 = vector.broadcast %shift_right_arithmetic3A : i32 to vector<16xi32>
      %shift_right_arithmetic3A_247 = arith.shrsi %gather3A, %shift_right_arithmetic3A_246 : vector<16xi32>
      %and3A = arith.constant 255 : i32
      %and3A_248 = vector.broadcast %and3A : i32 to vector<16xi32>
      %and3A_249 = arith.andi %shift_right_arithmetic3A_247, %and3A_248 : vector<16xi32>
      %shift_left3A = arith.constant 4 : i32
      %shift_left3A_250 = vector.broadcast %shift_left3A : i32 to vector<16xi32>
      %shift_left3A_251 = arith.shli %and3A_249, %shift_left3A_250 : vector<16xi32>
      %or3A = arith.ori %shift_left3A_251, %iota3A : vector<16xi32>
      %gather3A_252 = tpu.vector_load_idx %arg10[%or3A] : memref<4096xi32, #tpu.memory_space<vmem>>[vector<16xi32>], vector<16xi32>,
      %add3A_253 = arith.constant 1 : i32
      %add3A_254 = vector.broadcast %add3A_253 : i32 to vector<16xi32>
      %add3A_255 = arith.addi %gather3A_252, %add3A_254 : vector<16xi32>
      tpu.vector_store_idx %arg10[%or3A], %add3A_255 : memref<4096xi32, #tpu.memory_space<vmem>>[vector<16xi32>], vector<16xi32>,
      %shift_right_arithmetic3A_256 = arith.constant 9 : i32
      %shift_right_arithmetic3A_257 = vector.broadcast %shift_right_arithmetic3A_256 : i32 to vector<16xi32>
      %shift_right_arithmetic3A_258 = arith.shrsi %gather3A_252, %shift_right_arithmetic3A_257 : vector<16xi32>
      %add3A_259 = arith.addi %gather3A_252, %shift_right_arithmetic3A_258 : vector<16xi32>
      tpu.vector_store_idx %arg5[%add3A_259], %gather3A : memref<8208xi32, #tpu.memory_space<vmem>>[vector<16xi32>], vector<16xi32>,
      tpu.vector_store_idx %arg7[%add3A_259], %gather3A_245 : memref<8208xi32, #tpu.memory_space<vmem>>[vector<16xi32>], vector<16xi32>,
      %scan3A_260 = arith.constant 0 : i32
      %scan3A_261 = arith.constant 1 : i32
      %scan3A_262 = arith.addi %scan3A_241, %scan3A_261 : i32
      %add3A_263 = vector.broadcast %scan3A_262 : i32 to vector<16xi32>
      %add3A_264 = arith.addi %mul3A_6, %add3A_263 : vector<16xi32>
      %gather3A_265 = tpu.vector_load_idx %arg6[%add3A_264] : memref<8208xi32, #tpu.memory_space<vmem>>[vector<16xi32>], vector<16xi32>,
      %gather3A_266 = tpu.vector_load_idx %arg8[%add3A_264] : memref<8208xi32, #tpu.memory_space<vmem>>[vector<16xi32>], vector<16xi32>,
      %shift_right_arithmetic3A_267 = arith.constant 16 : i32
      %shift_right_arithmetic3A_268 = vector.broadcast %shift_right_arithmetic3A_267 : i32 to vector<16xi32>
      %shift_right_arithmetic3A_269 = arith.shrsi %gather3A_265, %shift_right_arithmetic3A_268 : vector<16xi32>
      %and3A_270 = arith.constant 255 : i32
      %and3A_271 = vector.broadcast %and3A_270 : i32 to vector<16xi32>
      %and3A_272 = arith.andi %shift_right_arithmetic3A_269, %and3A_271 : vector<16xi32>
      %shift_left3A_273 = arith.constant 4 : i32
      %shift_left3A_274 = vector.broadcast %shift_left3A_273 : i32 to vector<16xi32>
      %shift_left3A_275 = arith.shli %and3A_272, %shift_left3A_274 : vector<16xi32>
      %or3A_276 = arith.ori %shift_left3A_275, %iota3A : vector<16xi32>
      %gather3A_277 = tpu.vector_load_idx %arg10[%or3A_276] : memref<4096xi32, #tpu.memory_space<vmem>>[vector<16xi32>], vector<16xi32>,
      %add3A_278 = arith.constant 1 : i32
      %add3A_279 = vector.broadcast %add3A_278 : i32 to vector<16xi32>
      %add3A_280 = arith.addi %gather3A_277, %add3A_279 : vector<16xi32>
      tpu.vector_store_idx %arg10[%or3A_276], %add3A_280 : memref<4096xi32, #tpu.memory_space<vmem>>[vector<16xi32>], vector<16xi32>,
      %shift_right_arithmetic3A_281 = arith.constant 9 : i32
      %shift_right_arithmetic3A_282 = vector.broadcast %shift_right_arithmetic3A_281 : i32 to vector<16xi32>
      %shift_right_arithmetic3A_283 = arith.shrsi %gather3A_277, %shift_right_arithmetic3A_282 : vector<16xi32>
      %add3A_284 = arith.addi %gather3A_277, %shift_right_arithmetic3A_283 : vector<16xi32>
      tpu.vector_store_idx %arg5[%add3A_284], %gather3A_265 : memref<8208xi32, #tpu.memory_space<vmem>>[vector<16xi32>], vector<16xi32>,
      tpu.vector_store_idx %arg7[%add3A_284], %gather3A_266 : memref<8208xi32, #tpu.memory_space<vmem>>[vector<16xi32>], vector<16xi32>,
      %scan3A_285 = arith.constant 0 : i32
      scf.yield %scan3A_285 : i32
    }
    %scan3A_212 = arith.constant 512 : i32
    %scan3A_213 = arith.constant 0 : i32
    %scan3A_214 = arith.constant 0 : i32
    %scan3A_215 = arith.constant 256 : i32
    %scan3A_216 = arith.addi %scan3A_214, %scan3A_215 : i32
    %scan3A_217 = arith.constant 8 : i32
    %scan3A_218 = scf.for %scan3A_241 = %scan3A_214 to %scan3A_216 step %scan3A_217 iter_args(%scan3A_242 = %scan3A_213) -> (i32)  : i32 {
      %mul3A_243 = arith.constant 16 : i32
      %mul3A_244 = arith.muli %scan3A_241, %mul3A_243 : i32
      %swap3A = arith.index_cast %mul3A_244 : i32 to index
      %swap3A_245 = tpu.vector_load %arg10[%swap3A] {strides = array<i32>} : memref<4096xi32, #tpu.memory_space<vmem>>, vector<16xi32>,
      tpu.vector_store %arg10[%swap3A], %broadcast_in_dim3A_7 {strides = array<i32>} : memref<4096xi32, #tpu.memory_space<vmem>>, vector<16xi32>,
      %scan3A_246 = arith.constant 0 : i32
      %scan3A_247 = arith.constant 1 : i32
      %scan3A_248 = arith.addi %scan3A_241, %scan3A_247 : i32
      %mul3A_249 = arith.constant 16 : i32
      %mul3A_250 = arith.muli %scan3A_248, %mul3A_249 : i32
      %swap3A_251 = arith.index_cast %mul3A_250 : i32 to index
      %swap3A_252 = tpu.vector_load %arg10[%swap3A_251] {strides = array<i32>} : memref<4096xi32, #tpu.memory_space<vmem>>, vector<16xi32>,
      tpu.vector_store %arg10[%swap3A_251], %broadcast_in_dim3A_7 {strides = array<i32>} : memref<4096xi32, #tpu.memory_space<vmem>>, vector<16xi32>,
      %scan3A_253 = arith.constant 0 : i32
      %scan3A_254 = arith.constant 2 : i32
      %scan3A_255 = arith.addi %scan3A_241, %scan3A_254 : i32
      %mul3A_256 = arith.constant 16 : i32
      %mul3A_257 = arith.muli %scan3A_255, %mul3A_256 : i32
      %swap3A_258 = arith.index_cast %mul3A_257 : i32 to index
      %swap3A_259 = tpu.vector_load %arg10[%swap3A_258] {strides = array<i32>} : memref<4096xi32, #tpu.memory_space<vmem>>, vector<16xi32>,
      tpu.vector_store %arg10[%swap3A_258], %broadcast_in_dim3A_7 {strides = array<i32>} : memref<4096xi32, #tpu.memory_space<vmem>>, vector<16xi32>,
      %scan3A_260 = arith.constant 0 : i32
      %scan3A_261 = arith.constant 3 : i32
      %scan3A_262 = arith.addi %scan3A_241, %scan3A_261 : i32
      %mul3A_263 = arith.constant 16 : i32
      %mul3A_264 = arith.muli %scan3A_262, %mul3A_263 : i32
      %swap3A_265 = arith.index_cast %mul3A_264 : i32 to index
      %swap3A_266 = tpu.vector_load %arg10[%swap3A_265] {strides = array<i32>} : memref<4096xi32, #tpu.memory_space<vmem>>, vector<16xi32>,
      tpu.vector_store %arg10[%swap3A_265], %broadcast_in_dim3A_7 {strides = array<i32>} : memref<4096xi32, #tpu.memory_space<vmem>>, vector<16xi32>,
      %scan3A_267 = arith.constant 0 : i32
      %scan3A_268 = arith.constant 4 : i32
      %scan3A_269 = arith.addi %scan3A_241, %scan3A_268 : i32
      %mul3A_270 = arith.constant 16 : i32
      %mul3A_271 = arith.muli %scan3A_269, %mul3A_270 : i32
      %swap3A_272 = arith.index_cast %mul3A_271 : i32 to index
      %swap3A_273 = tpu.vector_load %arg10[%swap3A_272] {strides = array<i32>} : memref<4096xi32, #tpu.memory_space<vmem>>, vector<16xi32>,
      tpu.vector_store %arg10[%swap3A_272], %broadcast_in_dim3A_7 {strides = array<i32>} : memref<4096xi32, #tpu.memory_space<vmem>>, vector<16xi32>,
      %scan3A_274 = arith.constant 0 : i32
      %scan3A_275 = arith.constant 5 : i32
      %scan3A_276 = arith.addi %scan3A_241, %scan3A_275 : i32
      %mul3A_277 = arith.constant 16 : i32
      %mul3A_278 = arith.muli %scan3A_276, %mul3A_277 : i32
      %swap3A_279 = arith.index_cast %mul3A_278 : i32 to index
      %swap3A_280 = tpu.vector_load %arg10[%swap3A_279] {strides = array<i32>} : memref<4096xi32, #tpu.memory_space<vmem>>, vector<16xi32>,
      tpu.vector_store %arg10[%swap3A_279], %broadcast_in_dim3A_7 {strides = array<i32>} : memref<4096xi32, #tpu.memory_space<vmem>>, vector<16xi32>,
      %scan3A_281 = arith.constant 0 : i32
      %scan3A_282 = arith.constant 6 : i32
      %scan3A_283 = arith.addi %scan3A_241, %scan3A_282 : i32
      %mul3A_284 = arith.constant 16 : i32
      %mul3A_285 = arith.muli %scan3A_283, %mul3A_284 : i32
      %swap3A_286 = arith.index_cast %mul3A_285 : i32 to index
      %swap3A_287 = tpu.vector_load %arg10[%swap3A_286] {strides = array<i32>} : memref<4096xi32, #tpu.memory_space<vmem>>, vector<16xi32>,
      tpu.vector_store %arg10[%swap3A_286], %broadcast_in_dim3A_7 {strides = array<i32>} : memref<4096xi32, #tpu.memory_space<vmem>>, vector<16xi32>,
      %scan3A_288 = arith.constant 0 : i32
      %scan3A_289 = arith.constant 7 : i32
      %scan3A_290 = arith.addi %scan3A_241, %scan3A_289 : i32
      %mul3A_291 = arith.constant 16 : i32
      %mul3A_292 = arith.muli %scan3A_290, %mul3A_291 : i32
      %swap3A_293 = arith.index_cast %mul3A_292 : i32 to index
      %swap3A_294 = tpu.vector_load %arg10[%swap3A_293] {strides = array<i32>} : memref<4096xi32, #tpu.memory_space<vmem>>, vector<16xi32>,
      tpu.vector_store %arg10[%swap3A_293], %broadcast_in_dim3A_7 {strides = array<i32>} : memref<4096xi32, #tpu.memory_space<vmem>>, vector<16xi32>,
      %scan3A_295 = arith.constant 0 : i32
      scf.yield %scan3A_295 : i32
    }
    %scan3A_219 = arith.constant 256 : i32
    %scan3A_220 = arith.constant 0 : i32
    %scan3A_221 = arith.constant 0 : i32
    %scan3A_222 = arith.constant 512 : i32
    %scan3A_223 = arith.addi %scan3A_221, %scan3A_222 : i32
    %scan3A_224 = arith.constant 4 : i32
    %scan3A_225 = scf.for %scan3A_241 = %scan3A_221 to %scan3A_223 step %scan3A_224 iter_args(%scan3A_242 = %scan3A_220) -> (i32)  : i32 {
      %add3A_243 = vector.broadcast %scan3A_241 : i32 to vector<16xi32>
      %add3A_244 = arith.addi %mul3A_6, %add3A_243 : vector<16xi32>
      %gather3A = tpu.vector_load_idx %arg5[%add3A_244] : memref<8208xi32, #tpu.memory_space<vmem>>[vector<16xi32>], vector<16xi32>,
      %shift_right_arithmetic3A = arith.constant 24 : i32
      %shift_right_arithmetic3A_245 = vector.broadcast %shift_right_arithmetic3A : i32 to vector<16xi32>
      %shift_right_arithmetic3A_246 = arith.shrsi %gather3A, %shift_right_arithmetic3A_245 : vector<16xi32>
      %and3A = arith.constant 255 : i32
      %and3A_247 = vector.broadcast %and3A : i32 to vector<16xi32>
      %and3A_248 = arith.andi %shift_right_arithmetic3A_246, %and3A_247 : vector<16xi32>
      %shift_left3A = arith.constant 4 : i32
      %shift_left3A_249 = vector.broadcast %shift_left3A : i32 to vector<16xi32>
      %shift_left3A_250 = arith.shli %and3A_248, %shift_left3A_249 : vector<16xi32>
      %or3A = arith.ori %shift_left3A_250, %iota3A : vector<16xi32>
      tpu.vector_store_idx %arg10[%or3A], %broadcast_in_dim3A_9 {add = true} : memref<4096xi32, #tpu.memory_space<vmem>>[vector<16xi32>], vector<16xi32>,
      %scan3A_251 = arith.constant 0 : i32
      %scan3A_252 = arith.constant 1 : i32
      %scan3A_253 = arith.addi %scan3A_241, %scan3A_252 : i32
      %add3A_254 = vector.broadcast %scan3A_253 : i32 to vector<16xi32>
      %add3A_255 = arith.addi %mul3A_6, %add3A_254 : vector<16xi32>
      %gather3A_256 = tpu.vector_load_idx %arg5[%add3A_255] : memref<8208xi32, #tpu.memory_space<vmem>>[vector<16xi32>], vector<16xi32>,
      %shift_right_arithmetic3A_257 = arith.constant 24 : i32
      %shift_right_arithmetic3A_258 = vector.broadcast %shift_right_arithmetic3A_257 : i32 to vector<16xi32>
      %shift_right_arithmetic3A_259 = arith.shrsi %gather3A_256, %shift_right_arithmetic3A_258 : vector<16xi32>
      %and3A_260 = arith.constant 255 : i32
      %and3A_261 = vector.broadcast %and3A_260 : i32 to vector<16xi32>
      %and3A_262 = arith.andi %shift_right_arithmetic3A_259, %and3A_261 : vector<16xi32>
      %shift_left3A_263 = arith.constant 4 : i32
      %shift_left3A_264 = vector.broadcast %shift_left3A_263 : i32 to vector<16xi32>
      %shift_left3A_265 = arith.shli %and3A_262, %shift_left3A_264 : vector<16xi32>
      %or3A_266 = arith.ori %shift_left3A_265, %iota3A : vector<16xi32>
      tpu.vector_store_idx %arg10[%or3A_266], %broadcast_in_dim3A_9 {add = true} : memref<4096xi32, #tpu.memory_space<vmem>>[vector<16xi32>], vector<16xi32>,
      %scan3A_267 = arith.constant 0 : i32
      %scan3A_268 = arith.constant 2 : i32
      %scan3A_269 = arith.addi %scan3A_241, %scan3A_268 : i32
      %add3A_270 = vector.broadcast %scan3A_269 : i32 to vector<16xi32>
      %add3A_271 = arith.addi %mul3A_6, %add3A_270 : vector<16xi32>
      %gather3A_272 = tpu.vector_load_idx %arg5[%add3A_271] : memref<8208xi32, #tpu.memory_space<vmem>>[vector<16xi32>], vector<16xi32>,
      %shift_right_arithmetic3A_273 = arith.constant 24 : i32
      %shift_right_arithmetic3A_274 = vector.broadcast %shift_right_arithmetic3A_273 : i32 to vector<16xi32>
      %shift_right_arithmetic3A_275 = arith.shrsi %gather3A_272, %shift_right_arithmetic3A_274 : vector<16xi32>
      %and3A_276 = arith.constant 255 : i32
      %and3A_277 = vector.broadcast %and3A_276 : i32 to vector<16xi32>
      %and3A_278 = arith.andi %shift_right_arithmetic3A_275, %and3A_277 : vector<16xi32>
      %shift_left3A_279 = arith.constant 4 : i32
      %shift_left3A_280 = vector.broadcast %shift_left3A_279 : i32 to vector<16xi32>
      %shift_left3A_281 = arith.shli %and3A_278, %shift_left3A_280 : vector<16xi32>
      %or3A_282 = arith.ori %shift_left3A_281, %iota3A : vector<16xi32>
      tpu.vector_store_idx %arg10[%or3A_282], %broadcast_in_dim3A_9 {add = true} : memref<4096xi32, #tpu.memory_space<vmem>>[vector<16xi32>], vector<16xi32>,
      %scan3A_283 = arith.constant 0 : i32
      %scan3A_284 = arith.constant 3 : i32
      %scan3A_285 = arith.addi %scan3A_241, %scan3A_284 : i32
      %add3A_286 = vector.broadcast %scan3A_285 : i32 to vector<16xi32>
      %add3A_287 = arith.addi %mul3A_6, %add3A_286 : vector<16xi32>
      %gather3A_288 = tpu.vector_load_idx %arg5[%add3A_287] : memref<8208xi32, #tpu.memory_space<vmem>>[vector<16xi32>], vector<16xi32>,
      %shift_right_arithmetic3A_289 = arith.constant 24 : i32
      %shift_right_arithmetic3A_290 = vector.broadcast %shift_right_arithmetic3A_289 : i32 to vector<16xi32>
      %shift_right_arithmetic3A_291 = arith.shrsi %gather3A_288, %shift_right_arithmetic3A_290 : vector<16xi32>
      %and3A_292 = arith.constant 255 : i32
      %and3A_293 = vector.broadcast %and3A_292 : i32 to vector<16xi32>
      %and3A_294 = arith.andi %shift_right_arithmetic3A_291, %and3A_293 : vector<16xi32>
      %shift_left3A_295 = arith.constant 4 : i32
      %shift_left3A_296 = vector.broadcast %shift_left3A_295 : i32 to vector<16xi32>
      %shift_left3A_297 = arith.shli %and3A_294, %shift_left3A_296 : vector<16xi32>
      %or3A_298 = arith.ori %shift_left3A_297, %iota3A : vector<16xi32>
      tpu.vector_store_idx %arg10[%or3A_298], %broadcast_in_dim3A_9 {add = true} : memref<4096xi32, #tpu.memory_space<vmem>>[vector<16xi32>], vector<16xi32>,
      %scan3A_299 = arith.constant 0 : i32
      scf.yield %scan3A_299 : i32
    }
    %scan3A_226 = arith.constant 512 : i32
    %scan3A_227 = arith.constant 0 : i32
    %scan3A_228 = arith.constant 0 : i32
    %scan3A_229 = arith.constant 256 : i32
    %scan3A_230 = arith.addi %scan3A_228, %scan3A_229 : i32
    %scan3A_231 = arith.constant 2 : i32
    %scan3A_232 = scf.for %scan3A_241 = %scan3A_228 to %scan3A_230 step %scan3A_231 iter_args(%scan3A_242 = %scan3A_227) -> (i32)  : i32 {
      %mul3A_243 = arith.constant 16 : i32
      %mul3A_244 = arith.muli %scan3A_241, %mul3A_243 : i32
      %get3A = arith.index_cast %mul3A_244 : i32 to index
      %get3A_245 = tpu.vector_load %arg10[%get3A] {strides = array<i32>} : memref<4096xi32, #tpu.memory_space<vmem>>, vector<16xi32>,
      %broadcast_in_dim3A_246 = arith.constant true
      %broadcast_in_dim3A_247 = vector.broadcast %broadcast_in_dim3A_246 : i1 to vector<16xi1>
      %masked_cumsum3A = tpu.scan <sum>, %get3A_245 masked %broadcast_in_dim3A_247 : vector<16xi32>, vector<16xi1> -> vector<16xi32>
      %sub3A = arith.subi %masked_cumsum3A, %get3A_245 : vector<16xi32>
      %add3A_248 = vector.broadcast %scan3A_242 : i32 to vector<16xi32>
      %add3A_249 = arith.addi %sub3A, %add3A_248 : vector<16xi32>
      %mul3A_250 = arith.constant 16 : i32
      %mul3A_251 = arith.muli %scan3A_241, %mul3A_250 : i32
      %swap3A = arith.index_cast %mul3A_251 : i32 to index
      %swap3A_252 = tpu.vector_load %arg10[%swap3A] {strides = array<i32>} : memref<4096xi32, #tpu.memory_space<vmem>>, vector<16xi32>,
      tpu.vector_store %arg10[%swap3A], %add3A_249 {strides = array<i32>} : memref<4096xi32, #tpu.memory_space<vmem>>, vector<16xi32>,
      %reduce_max3A = arith.constant true
      %reduce_max3A_253 = vector.broadcast %reduce_max3A : i1 to vector<16xi1>
      %reduce_max3A_254 = arith.constant -2147483648 : i32
      %reduce_max3A_255 = vector.broadcast %reduce_max3A_254 : i32 to vector<16xi32>
      %reduce_max3A_256 = arith.xori %masked_cumsum3A, %reduce_max3A_255 : vector<16xi32>
      %reduce_max3A_257 = tpu.scan <max>, %reduce_max3A_256 masked %reduce_max3A_253 : vector<16xi32>, vector<16xi1> -> vector<16xi32>
      %reduce_max3A_258 = arith.xori %reduce_max3A_257, %reduce_max3A_255 : vector<16xi32>
      %reduce_max3A_259 = vector.extract %reduce_max3A_258[15] : i32 from vector<16xi32>
      %add3A_260 = arith.addi %scan3A_242, %reduce_max3A_259 : i32
      %scan3A_261 = arith.constant 1 : i32
      %scan3A_262 = arith.addi %scan3A_241, %scan3A_261 : i32
      %mul3A_263 = arith.constant 16 : i32
      %mul3A_264 = arith.muli %scan3A_262, %mul3A_263 : i32
      %get3A_265 = arith.index_cast %mul3A_264 : i32 to index
      %get3A_266 = tpu.vector_load %arg10[%get3A_265] {strides = array<i32>} : memref<4096xi32, #tpu.memory_space<vmem>>, vector<16xi32>,
      %broadcast_in_dim3A_267 = arith.constant true
      %broadcast_in_dim3A_268 = vector.broadcast %broadcast_in_dim3A_267 : i1 to vector<16xi1>
      %masked_cumsum3A_269 = tpu.scan <sum>, %get3A_266 masked %broadcast_in_dim3A_268 : vector<16xi32>, vector<16xi1> -> vector<16xi32>
      %sub3A_270 = arith.subi %masked_cumsum3A_269, %get3A_266 : vector<16xi32>
      %add3A_271 = vector.broadcast %add3A_260 : i32 to vector<16xi32>
      %add3A_272 = arith.addi %sub3A_270, %add3A_271 : vector<16xi32>
      %mul3A_273 = arith.constant 16 : i32
      %mul3A_274 = arith.muli %scan3A_262, %mul3A_273 : i32
      %swap3A_275 = arith.index_cast %mul3A_274 : i32 to index
      %swap3A_276 = tpu.vector_load %arg10[%swap3A_275] {strides = array<i32>} : memref<4096xi32, #tpu.memory_space<vmem>>, vector<16xi32>,
      tpu.vector_store %arg10[%swap3A_275], %add3A_272 {strides = array<i32>} : memref<4096xi32, #tpu.memory_space<vmem>>, vector<16xi32>,
      %reduce_max3A_277 = arith.constant true
      %reduce_max3A_278 = vector.broadcast %reduce_max3A_277 : i1 to vector<16xi1>
      %reduce_max3A_279 = arith.constant -2147483648 : i32
      %reduce_max3A_280 = vector.broadcast %reduce_max3A_279 : i32 to vector<16xi32>
      %reduce_max3A_281 = arith.xori %masked_cumsum3A_269, %reduce_max3A_280 : vector<16xi32>
      %reduce_max3A_282 = tpu.scan <max>, %reduce_max3A_281 masked %reduce_max3A_278 : vector<16xi32>, vector<16xi1> -> vector<16xi32>
      %reduce_max3A_283 = arith.xori %reduce_max3A_282, %reduce_max3A_280 : vector<16xi32>
      %reduce_max3A_284 = vector.extract %reduce_max3A_283[15] : i32 from vector<16xi32>
      %add3A_285 = arith.addi %add3A_260, %reduce_max3A_284 : i32
      scf.yield %add3A_285 : i32
    }
    %scan3A_233 = arith.constant 256 : i32
    %scan3A_234 = arith.constant 0 : i32
    %scan3A_235 = arith.constant 0 : i32
    %scan3A_236 = arith.constant 512 : i32
    %scan3A_237 = arith.addi %scan3A_235, %scan3A_236 : i32
    %scan3A_238 = arith.constant 2 : i32
    %scan3A_239 = scf.for %scan3A_241 = %scan3A_235 to %scan3A_237 step %scan3A_238 iter_args(%scan3A_242 = %scan3A_234) -> (i32)  : i32 {
      %add3A_243 = vector.broadcast %scan3A_241 : i32 to vector<16xi32>
      %add3A_244 = arith.addi %mul3A_6, %add3A_243 : vector<16xi32>
      %gather3A = tpu.vector_load_idx %arg5[%add3A_244] : memref<8208xi32, #tpu.memory_space<vmem>>[vector<16xi32>], vector<16xi32>,
      %gather3A_245 = tpu.vector_load_idx %arg7[%add3A_244] : memref<8208xi32, #tpu.memory_space<vmem>>[vector<16xi32>], vector<16xi32>,
      %shift_right_arithmetic3A = arith.constant 24 : i32
      %shift_right_arithmetic3A_246 = vector.broadcast %shift_right_arithmetic3A : i32 to vector<16xi32>
      %shift_right_arithmetic3A_247 = arith.shrsi %gather3A, %shift_right_arithmetic3A_246 : vector<16xi32>
      %and3A = arith.constant 255 : i32
      %and3A_248 = vector.broadcast %and3A : i32 to vector<16xi32>
      %and3A_249 = arith.andi %shift_right_arithmetic3A_247, %and3A_248 : vector<16xi32>
      %shift_left3A = arith.constant 4 : i32
      %shift_left3A_250 = vector.broadcast %shift_left3A : i32 to vector<16xi32>
      %shift_left3A_251 = arith.shli %and3A_249, %shift_left3A_250 : vector<16xi32>
      %or3A = arith.ori %shift_left3A_251, %iota3A : vector<16xi32>
      %gather3A_252 = tpu.vector_load_idx %arg10[%or3A] : memref<4096xi32, #tpu.memory_space<vmem>>[vector<16xi32>], vector<16xi32>,
      %add3A_253 = arith.constant 1 : i32
      %add3A_254 = vector.broadcast %add3A_253 : i32 to vector<16xi32>
      %add3A_255 = arith.addi %gather3A_252, %add3A_254 : vector<16xi32>
      tpu.vector_store_idx %arg10[%or3A], %add3A_255 : memref<4096xi32, #tpu.memory_space<vmem>>[vector<16xi32>], vector<16xi32>,
      %add3A_256 = arith.constant 1 : i32
      %add3A_257 = vector.broadcast %add3A_256 : i32 to vector<16xi32>
      %add3A_258 = arith.addi %gather3A_252, %add3A_257 : vector<16xi32>
      %and3A_259 = arith.constant 8191 : i32
      %and3A_260 = vector.broadcast %and3A_259 : i32 to vector<16xi32>
      %and3A_261 = arith.andi %add3A_258, %and3A_260 : vector<16xi32>
      %shift_right_arithmetic3A_262 = arith.constant 7 : i32
      %shift_right_arithmetic3A_263 = vector.broadcast %shift_right_arithmetic3A_262 : i32 to vector<16xi32>
      %shift_right_arithmetic3A_264 = arith.shrsi %and3A_261, %shift_right_arithmetic3A_263 : vector<16xi32>
      %and3A_265 = arith.constant 127 : i32
      %and3A_266 = vector.broadcast %and3A_265 : i32 to vector<16xi32>
      %and3A_267 = arith.andi %and3A_261, %and3A_266 : vector<16xi32>
      tpu.vector_store_idx %arg9[%shift_right_arithmetic3A_264, %and3A_267], %gather3A_245 : memref<64x128xi32, #tpu.memory_space<vmem>>[vector<16xi32>, vector<16xi32>], vector<16xi32>,
      %scan3A_268 = arith.constant 0 : i32
      %scan3A_269 = arith.constant 1 : i32
      %scan3A_270 = arith.addi %scan3A_241, %scan3A_269 : i32
      %add3A_271 = vector.broadcast %scan3A_270 : i32 to vector<16xi32>
      %add3A_272 = arith.addi %mul3A_6, %add3A_271 : vector<16xi32>
      %gather3A_273 = tpu.vector_load_idx %arg5[%add3A_272] : memref<8208xi32, #tpu.memory_space<vmem>>[vector<16xi32>], vector<16xi32>,
      %gather3A_274 = tpu.vector_load_idx %arg7[%add3A_272] : memref<8208xi32, #tpu.memory_space<vmem>>[vector<16xi32>], vector<16xi32>,
      %shift_right_arithmetic3A_275 = arith.constant 24 : i32
      %shift_right_arithmetic3A_276 = vector.broadcast %shift_right_arithmetic3A_275 : i32 to vector<16xi32>
      %shift_right_arithmetic3A_277 = arith.shrsi %gather3A_273, %shift_right_arithmetic3A_276 : vector<16xi32>
      %and3A_278 = arith.constant 255 : i32
      %and3A_279 = vector.broadcast %and3A_278 : i32 to vector<16xi32>
      %and3A_280 = arith.andi %shift_right_arithmetic3A_277, %and3A_279 : vector<16xi32>
      %shift_left3A_281 = arith.constant 4 : i32
      %shift_left3A_282 = vector.broadcast %shift_left3A_281 : i32 to vector<16xi32>
      %shift_left3A_283 = arith.shli %and3A_280, %shift_left3A_282 : vector<16xi32>
      %or3A_284 = arith.ori %shift_left3A_283, %iota3A : vector<16xi32>
      %gather3A_285 = tpu.vector_load_idx %arg10[%or3A_284] : memref<4096xi32, #tpu.memory_space<vmem>>[vector<16xi32>], vector<16xi32>,
      %add3A_286 = arith.constant 1 : i32
      %add3A_287 = vector.broadcast %add3A_286 : i32 to vector<16xi32>
      %add3A_288 = arith.addi %gather3A_285, %add3A_287 : vector<16xi32>
      tpu.vector_store_idx %arg10[%or3A_284], %add3A_288 : memref<4096xi32, #tpu.memory_space<vmem>>[vector<16xi32>], vector<16xi32>,
      %add3A_289 = arith.constant 1 : i32
      %add3A_290 = vector.broadcast %add3A_289 : i32 to vector<16xi32>
      %add3A_291 = arith.addi %gather3A_285, %add3A_290 : vector<16xi32>
      %and3A_292 = arith.constant 8191 : i32
      %and3A_293 = vector.broadcast %and3A_292 : i32 to vector<16xi32>
      %and3A_294 = arith.andi %add3A_291, %and3A_293 : vector<16xi32>
      %shift_right_arithmetic3A_295 = arith.constant 7 : i32
      %shift_right_arithmetic3A_296 = vector.broadcast %shift_right_arithmetic3A_295 : i32 to vector<16xi32>
      %shift_right_arithmetic3A_297 = arith.shrsi %and3A_294, %shift_right_arithmetic3A_296 : vector<16xi32>
      %and3A_298 = arith.constant 127 : i32
      %and3A_299 = vector.broadcast %and3A_298 : i32 to vector<16xi32>
      %and3A_300 = arith.andi %and3A_294, %and3A_299 : vector<16xi32>
      tpu.vector_store_idx %arg9[%shift_right_arithmetic3A_297, %and3A_300], %gather3A_274 : memref<64x128xi32, #tpu.memory_space<vmem>>[vector<16xi32>, vector<16xi32>], vector<16xi32>,
      %scan3A_301 = arith.constant 0 : i32
      scf.yield %scan3A_301 : i32
    }
    %scan3A_240 = arith.constant 512 : i32
    "tpu.region"() ({
      %run_scoped3A = tpu.sem_alloc : memref<!tpu.dma_semaphore, #tpu.memory_space<semaphore_mem>>
      %dma_start3A = arith.constant 0 : i32
      %dma_start3A_241 = arith.constant 0 : i32
      %dma_start3A_242 = tpu.memref_slice %arg3[%add3A_128, %dma_start3A, %dma_start3A_241] : memref<64x64x128xi32, #tpu.memory_space<hbm>> -> memref<1x64x128xi32, #tpu.memory_space<hbm>>
      %dma_start3A_243 = tpu.memref_squeeze %dma_start3A_242 : memref<1x64x128xi32, #tpu.memory_space<hbm>> -> memref<64x128xi32, #tpu.memory_space<hbm>>
      %dma_start3A_244 = arith.constant 0 : i32
      %dma_start3A_245 = arith.constant 0 : i32
      %dma_start3A_246 = tpu.memref_slice %arg3[%add3A_128, %dma_start3A_244, %dma_start3A_245] : memref<64x64x128xi32, #tpu.memory_space<hbm>> -> memref<1x64x128xi32, #tpu.memory_space<hbm>>
      %dma_start3A_247 = tpu.memref_squeeze %dma_start3A_246 : memref<1x64x128xi32, #tpu.memory_space<hbm>> -> memref<64x128xi32, #tpu.memory_space<hbm>>
      tpu.enqueue_dma source(%arg9 : memref<64x128xi32, #tpu.memory_space<vmem>>) target(%dma_start3A_247 : memref<64x128xi32, #tpu.memory_space<hbm>>) target_semaphore(%run_scoped3A : memref<!tpu.dma_semaphore, #tpu.memory_space<semaphore_mem>>)
      %dma_wait3A = arith.constant 0 : i32
      %dma_wait3A_248 = arith.constant 0 : i32
      %dma_wait3A_249 = tpu.memref_slice %arg3[%add3A_128, %dma_wait3A, %dma_wait3A_248] : memref<64x64x128xi32, #tpu.memory_space<hbm>> -> memref<1x64x128xi32, #tpu.memory_space<hbm>>
      %dma_wait3A_250 = tpu.memref_squeeze %dma_wait3A_249 : memref<1x64x128xi32, #tpu.memory_space<hbm>> -> memref<64x128xi32, #tpu.memory_space<hbm>>
      %dma_wait3A_251 = arith.constant 0 : i32
      %dma_wait3A_252 = arith.constant 0 : i32
      %dma_wait3A_253 = tpu.memref_slice %arg3[%add3A_128, %dma_wait3A_251, %dma_wait3A_252] : memref<64x64x128xi32, #tpu.memory_space<hbm>> -> memref<1x64x128xi32, #tpu.memory_space<hbm>>
      %dma_wait3A_254 = tpu.memref_squeeze %dma_wait3A_253 : memref<1x64x128xi32, #tpu.memory_space<hbm>> -> memref<64x128xi32, #tpu.memory_space<hbm>>
      tpu.wait_dma2 semaphore(%run_scoped3A : memref<!tpu.dma_semaphore, #tpu.memory_space<semaphore_mem>>) src(%arg9 : memref<64x128xi32, #tpu.memory_space<vmem>>) dst(%dma_wait3A_254 : memref<64x128xi32, #tpu.memory_space<hbm>>)
      tpu.yield
    }) : () -> ()
    return
  }
}

module attributes {stable_mosaic.version = 14 : i64} {
  func.func @body(%arg0: i32, %arg1: memref<1x2x64xf32, #tpu.memory_space<vmem>>, %arg2: memref<1x2x64x8192xf32, #tpu.memory_space<vmem>>, %arg3: memref<1x2x64x128xi32, #tpu.memory_space<vmem>>) attributes {dimension_semantics = [#tpu.dimension_semantics<arbitrary>], iteration_bounds = array<i64: 32>, scalar_prefetch = 0 : i64, scratch_operands = 0 : i64, tpu.core_type = #tpu.core_type<tc>, window_params = [{transform_indices = @transform_0, window_bounds = array<i64: 1, 2, 64>}, {transform_indices = @transform_1, window_bounds = array<i64: 1, 2, 64, 8192>}, {transform_indices = @transform_2, window_bounds = array<i64: 1, 2, 64, 128>}]} {
    %get3A = arith.constant 0 : index
    %get3A_0 = arith.constant 0 : index
    %get3A_1 = arith.constant 0 : index
    %get3A_2 = vector.load %arg1[%get3A, %get3A_0, %get3A_1] : memref<1x2x64xf32, #tpu.memory_space<vmem>>, vector<1x1x64xf32>
    %get3A_3 = vector.shape_cast %get3A_2 : vector<1x1x64xf32> to vector<1x64xf32>
    %get3A_4 = arith.constant 0 : index
    %get3A_5 = arith.constant 0 : index
    %get3A_6 = arith.constant 0 : index
    %get3A_7 = arith.constant 0 : index
    %get3A_8 = vector.load %arg2[%get3A_4, %get3A_5, %get3A_6, %get3A_7] : memref<1x2x64x8192xf32, #tpu.memory_space<vmem>>, vector<1x1x64x8192xf32>
    %get3A_9 = vector.shape_cast %get3A_8 : vector<1x1x64x8192xf32> to vector<64x8192xf32>
    %dot_general3A = arith.constant dense<0.000000e+00> : vector<1x8192xf32>
    %dot_general3A_10 = tpu.matmul %get3A_3, %get3A_9, %dot_general3A {dimension_numbers = #tpu.dot_dimension_numbers<[1], [0], [0], [1], [0, 0, 1, 1], [], []>, transpose_lhs_hint = false} : vector<1x64xf32>, vector<64x8192xf32>, vector<1x8192xf32> -> vector<1x8192xf32>
    %iota3A = tpu.iota {dimensions = array<i32: 1>} : vector<1x8192xi32>
    %eq3A = arith.constant 0 : i32
    %eq3A_11 = vector.broadcast %eq3A : i32 to vector<1x8192xi32>
    %eq3A_12 = arith.cmpi eq, %iota3A, %eq3A_11 : vector<1x8192xi32>
    %jit3A = arith.constant 0x7F800000 : f32
    %broadcast_in_dim3A = vector.broadcast %jit3A : f32 to vector<1x8192xf32>
    %select_n3A = arith.select %eq3A_12, %broadcast_in_dim3A, %dot_general3A_10 : vector<1x8192xi1>, vector<1x8192xf32>
    %bitcast_convert_type3A = tpu.bitcast %select_n3A : vector<1x8192xf32> -> vector<1x8192xi32>
    %shift_right_arithmetic3A = arith.constant 31 : i32
    %shift_right_arithmetic3A_13 = vector.broadcast %shift_right_arithmetic3A : i32 to vector<1x8192xi32>
    %shift_right_arithmetic3A_14 = arith.shrsi %bitcast_convert_type3A, %shift_right_arithmetic3A_13 : vector<1x8192xi32>
    %or3A = arith.constant -2147483648 : i32
    %or3A_15 = vector.broadcast %or3A : i32 to vector<1x8192xi32>
    %or3A_16 = arith.ori %shift_right_arithmetic3A_14, %or3A_15 : vector<1x8192xi32>
    %xor3A = arith.xori %bitcast_convert_type3A, %or3A_16 : vector<1x8192xi32>
    %reshape3A = vector.shape_cast %xor3A : vector<1x8192xi32> to vector<64x128xi32>
    %swap3A = arith.constant 0 : index
    %swap3A_17 = arith.constant 0 : index
    %swap3A_18 = arith.constant 0 : index
    %swap3A_19 = arith.constant 0 : index
    %swap3A_20 = vector.load %arg3[%swap3A, %swap3A_17, %swap3A_18, %swap3A_19] : memref<1x2x64x128xi32, #tpu.memory_space<vmem>>, vector<1x1x64x128xi32>
    %swap3A_21 = vector.shape_cast %swap3A_20 : vector<1x1x64x128xi32> to vector<64x128xi32>
    %swap3A_22 = vector.shape_cast %reshape3A : vector<64x128xi32> to vector<1x1x64x128xi32>
    tpu.vector_store %arg3[%swap3A, %swap3A_17, %swap3A_18, %swap3A_19], %swap3A_22 {strides = array<i32>} : memref<1x2x64x128xi32, #tpu.memory_space<vmem>>, vector<1x1x64x128xi32>,
    %get3A_23 = arith.constant 0 : index
    %get3A_24 = arith.constant 1 : index
    %get3A_25 = arith.constant 0 : index
    %get3A_26 = vector.load %arg1[%get3A_23, %get3A_24, %get3A_25] : memref<1x2x64xf32, #tpu.memory_space<vmem>>, vector<1x1x64xf32>
    %get3A_27 = vector.shape_cast %get3A_26 : vector<1x1x64xf32> to vector<1x64xf32>
    %get3A_28 = arith.constant 0 : index
    %get3A_29 = arith.constant 1 : index
    %get3A_30 = arith.constant 0 : index
    %get3A_31 = arith.constant 0 : index
    %get3A_32 = vector.load %arg2[%get3A_28, %get3A_29, %get3A_30, %get3A_31] : memref<1x2x64x8192xf32, #tpu.memory_space<vmem>>, vector<1x1x64x8192xf32>
    %get3A_33 = vector.shape_cast %get3A_32 : vector<1x1x64x8192xf32> to vector<64x8192xf32>
    %dot_general3A_34 = arith.constant dense<0.000000e+00> : vector<1x8192xf32>
    %dot_general3A_35 = tpu.matmul %get3A_27, %get3A_33, %dot_general3A_34 {dimension_numbers = #tpu.dot_dimension_numbers<[1], [0], [0], [1], [0, 0, 1, 1], [], []>, transpose_lhs_hint = false} : vector<1x64xf32>, vector<64x8192xf32>, vector<1x8192xf32> -> vector<1x8192xf32>
    %iota3A_36 = tpu.iota {dimensions = array<i32: 1>} : vector<1x8192xi32>
    %eq3A_37 = arith.constant 0 : i32
    %eq3A_38 = vector.broadcast %eq3A_37 : i32 to vector<1x8192xi32>
    %eq3A_39 = arith.cmpi eq, %iota3A_36, %eq3A_38 : vector<1x8192xi32>
    %jit3A_40 = arith.constant 0x7F800000 : f32
    %broadcast_in_dim3A_41 = vector.broadcast %jit3A_40 : f32 to vector<1x8192xf32>
    %select_n3A_42 = arith.select %eq3A_39, %broadcast_in_dim3A_41, %dot_general3A_35 : vector<1x8192xi1>, vector<1x8192xf32>
    %bitcast_convert_type3A_43 = tpu.bitcast %select_n3A_42 : vector<1x8192xf32> -> vector<1x8192xi32>
    %shift_right_arithmetic3A_44 = arith.constant 31 : i32
    %shift_right_arithmetic3A_45 = vector.broadcast %shift_right_arithmetic3A_44 : i32 to vector<1x8192xi32>
    %shift_right_arithmetic3A_46 = arith.shrsi %bitcast_convert_type3A_43, %shift_right_arithmetic3A_45 : vector<1x8192xi32>
    %or3A_47 = arith.constant -2147483648 : i32
    %or3A_48 = vector.broadcast %or3A_47 : i32 to vector<1x8192xi32>
    %or3A_49 = arith.ori %shift_right_arithmetic3A_46, %or3A_48 : vector<1x8192xi32>
    %xor3A_50 = arith.xori %bitcast_convert_type3A_43, %or3A_49 : vector<1x8192xi32>
    %reshape3A_51 = vector.shape_cast %xor3A_50 : vector<1x8192xi32> to vector<64x128xi32>
    %swap3A_52 = arith.constant 0 : index
    %swap3A_53 = arith.constant 1 : index
    %swap3A_54 = arith.constant 0 : index
    %swap3A_55 = arith.constant 0 : index
    %swap3A_56 = vector.load %arg3[%swap3A_52, %swap3A_53, %swap3A_54, %swap3A_55] : memref<1x2x64x128xi32, #tpu.memory_space<vmem>>, vector<1x1x64x128xi32>
    %swap3A_57 = vector.shape_cast %swap3A_56 : vector<1x1x64x128xi32> to vector<64x128xi32>
    %swap3A_58 = vector.shape_cast %reshape3A_51 : vector<64x128xi32> to vector<1x1x64x128xi32>
    tpu.vector_store %arg3[%swap3A_52, %swap3A_53, %swap3A_54, %swap3A_55], %swap3A_58 {strides = array<i32>} : memref<1x2x64x128xi32, #tpu.memory_space<vmem>>, vector<1x1x64x128xi32>,
    return
  }
  func.func @transform_0(%arg0: i32) -> (i32, i32, i32) {
    %c0_i32 = arith.constant 0 : i32
    %c0_i32_0 = arith.constant 0 : i32
    %c0_i32_1 = arith.constant 0 : i32
    return %arg0, %c0_i32, %c0_i32_0 : i32, i32, i32
  }
  func.func @transform_1(%arg0: i32) -> (i32, i32, i32, i32) {
    %c0_i32 = arith.constant 0 : i32
    %c0_i32_0 = arith.constant 0 : i32
    %c0_i32_1 = arith.constant 0 : i32
    %c0_i32_2 = arith.constant 0 : i32
    return %arg0, %c0_i32, %c0_i32_0, %c0_i32_1 : i32, i32, i32, i32
  }
  func.func @transform_2(%arg0: i32) -> (i32, i32, i32, i32) {
    %c0_i32 = arith.constant 0 : i32
    %c0_i32_0 = arith.constant 0 : i32
    %c0_i32_1 = arith.constant 0 : i32
    %c0_i32_2 = arith.constant 0 : i32
    return %arg0, %c0_i32, %c0_i32_0, %c0_i32_1 : i32, i32, i32, i32
  }
}

</mosaic_0001>

<sc_bundles>
// kernel: kernel.4.cloned.1.call-start
scs
__scs_entry_jumppad:
0x0: {  	(pc) =	sbr.rel $0x88, $3  }
0x1: {  	(tag) =	ssettag $0x0;
	lr =	simm.s32 $0x1  }
0x2: {  	[smem:$0x3F9F] =	sst lr;
	_ =	strace $0xD0000000  }
0x3: {  	_ = 	snop  }
0x4: {  	_ = 	snop  }
0x5: {  	_ = 	snop  }
0x6: {  	_ = 	snop  }
0x7: {  	_ = 	snop  }
__scs_overlays_trampoline_lowered:
0x8: {  	[smem:$0x3FAE] =	sst s0  }
0x9: {  	[smem:$0x3FAF] =	sst s1  }
0xa: {  	[smem:$0x3FB0] =	sst s2  }
0xb: {  	[smem:$0x3FB1] =	sst s3  }
0xc: {  	[smem:$0x3FB2] =	sst s4  }
0xd: {  	[smem:$0x3FB3] =	sst s5  }
0xe: {  	[smem:$0x3FB4] =	sst s6  }
0xf: {  	[smem:$0x3FB5] =	sst s7  }
0x10: {  	[smem:$0x3FB6] =	sst s8  }
0x11: {  	[smem:$0x3FB7] =	sst s9;
	s0 =	simm.s32 @!p0 $0x0  }
0x12: {  	s1 =	sld [smem:$0x3F9D];
	s0 =	simm.s32 @p0 $0x1  }
0x13: {  	[smem:$0x3FB8] =	sst s0;
	s0 =	simm.s32 @!p1 $0x0  }
0x14: {  	s2 =	sld [smem:$0x3F9C];
	s0 =	simm.s32 @p1 $0x1  }
0x15: {  	[smem:$0x3FB9] =	sst s0;
	s0 =	simm.s32 @!p2 $0x0  }
0x16: {  	s3 =	sld [smem:$0x3FDB];
	s0 =	simm.s32 @p2 $0x1  }
0x17: {  	s4 =	simm.s32 $0x1BF5;
	[smem:$0x3FBB] =	sst s0  }
0x18: {  	s0 =	sld [smem:$0x3F9E];
	_ =	swait.ge [sflag:s4], $0x0  }
0x19: {  	s7 =	sld [smem:$0x3F9F]  }
0x1a: {  	s8 =	sadd.s32 $0xFFFFE003, lr  }
0x1b: {  	s9 =	sadd.s32 $0xFFFFFEF7, lr;
	s5 =	simm.s32 $0xFFFFFFFF;
	p2 =	slt.u32 s8, $0xFFFFF086  }
0x1c: {  	p1 =	slt.u32 s9, $0xF7A;
	s5 =	simm.s32 @!p2 $0x0  }
0x1d: {  	s5 =	simm.s32 @p1 $0x1;
	p0 =	seq.s32 s7, s2  }
0x1e: {  	s7 =	smul.u32 @!p0 $0xF7A, s2;
	p2 =	seq.s32 @!p0 s5, $0x0  }
0x1f: {  	s9 =	smul.u32 $0xF7A, s1;
	s8 =	simm.s32 @!p0 $0x1BF5;
	p2 =	por !p2, p0  }
0x20: {  	[sflag:s8] =	ssyncset.s32 @!p0 $0xFFFFF086;
	s6 =	sadd.s32 @!p0 s3, s7;
	s7 =	simm.s32 @!p0 $0x108  }
0x21: {  	s3 =	sadd.s32 s3, s9;
	s6 =	sadd.s32 @!p0 $0x88, s6;
	s7 =	simm.s32 @p2 $0x1082  }
0x22: {  	[simem:s7], [sflag:s8] =	dma.local @!p0 [hbm:s6], $0xF7A  }
0x23: {  	s9 =	sor.u32 $0xD0000000, s2;
	s6 =	simm.s32 $0x108;
	_ =	swait.ge @!p0 [sflag:s8], $0x0  }
0x24: {  	s3 =	sadd.s32 $0x88, s3;
	s6 =	simm.s32 @!p1 $0x1082;
	[sflag:s4] =	ssyncset.s32 $0xFFFFF086  }
0x25: {  	[simem:s6], [sflag:s4] =	dma.local [hbm:s3], $0xF7A  }
0x26: {  	[smem:$0x3F9F] =	sst s1;
	(tag) =	ssettag s2;
	_ =	strace s9  }
0x27: {  	s1 =	sld [smem:$0x3FAF]  }
0x28: {  	s2 =	sld [smem:$0x3FB0]  }
0x29: {  	s4 =	sld [smem:$0x3FB2]  }
0x2a: {  	p0 =	seq.s32 s5, $0x0;
	s5 =	sld [smem:$0x3FB3]  }
0x2b: {  	s6 =	sld [smem:$0x3FB4]  }
0x2c: {  	s7 =	sld [smem:$0x3FB5]  }
0x2d: {  	s3 =	simm.s32 $0x108;
	s8 =	sld [smem:$0x3FB6]  }
0x2e: {  	s3 =	simm.s32 @!p0 $0x1082;
	s9 =	sld [smem:$0x3FB7]  }
0x2f: {  	lr =	sadd.s32 s0, s3;
	s0 =	sld [smem:$0x3FAE]  }
0x30: {  	s3 =	sld [smem:$0x3FB1]  }
0x31: {  	[smem:$0x3FBA] =	sst s10  }
0x32: {  	s10 =	sld [smem:$0x3FB8];
	_ =	sdelay $0x3  }
0x33: {  	p0 =	seq.s32 s10, $0x1;
	s10 =	sld [smem:$0x3FBA];
	_ =	sdelay $0x3  }
0x34: {  	[smem:$0x3FBA] =	sst s10  }
0x35: {  	s10 =	sld [smem:$0x3FB9];
	_ =	sdelay $0x3  }
0x36: {  	p1 =	seq.s32 s10, $0x1;
	s10 =	sld [smem:$0x3FBA];
	_ =	sdelay $0x3  }
0x37: {  	[smem:$0x3FBA] =	sst s10  }
0x38: {  	s10 =	sld [smem:$0x3FBB]  }
0x39: {  	_ = 	snop;
	(pc) =	sbr.ind lr, $3  }
0x3a: {  	_ = 	snop  }
0x3b: {  	_ = 	snop  }
0x3c: {  	p2 =	seq.s32 s10, $0x1;
	s10 =	sld [smem:$0x3FBA]  }
0x3d: {  	_ =	shalt  }
0x3e: {  	_ =	shalt  }
0x3f: {  	_ =	shalt  }
0x40: {  	_ =	shalt  }
0x41: {  	_ =	shalt  }
0x42: {  	_ =	shalt  }
0x43: {  	_ =	shalt  }
0x44: {  	_ =	shalt  }
0x45: {  	_ =	shalt  }
0x46: {  	_ =	shalt  }
0x47: {  	_ =	shalt  }
0x48: {  	_ =	shalt  }
0x49: {  	_ =	shalt  }
0x4a: {  	_ =	shalt  }
0x4b: {  	_ =	shalt  }
0x4c: {  	_ =	shalt  }
0x4d: {  	_ =	shalt  }
0x4e: {  	_ =	shalt  }
0x4f: {  	_ =	shalt  }
0x50: {  	_ =	shalt  }
0x51: {  	_ =	shalt  }
0x52: {  	_ =	shalt  }
0x53: {  	_ =	shalt  }
0x54: {  	_ =	shalt  }
0x55: {  	_ =	shalt  }
0x56: {  	_ =	shalt  }
0x57: {  	_ =	shalt  }
0x58: {  	_ =	shalt  }
0x59: {  	_ =	shalt  }
0x5a: {  	_ =	shalt  }
0x5b: {  	_ =	shalt  }
0x5c: {  	_ =	shalt  }
0x5d: {  	_ =	shalt  }
0x5e: {  	_ =	shalt  }
0x5f: {  	_ =	shalt  }
0x60: {  	_ =	shalt  }
0x61: {  	_ =	shalt  }
0x62: {  	_ =	shalt  }
0x63: {  	_ =	shalt  }
0x64: {  	_ =	shalt  }
0x65: {  	_ =	shalt  }
0x66: {  	_ =	shalt  }
0x67: {  	_ =	shalt  }
0x68: {  	_ =	shalt  }
0x69: {  	_ =	shalt  }
0x6a: {  	_ =	shalt  }
0x6b: {  	_ =	shalt  }
0x6c: {  	_ =	shalt  }
0x6d: {  	_ =	shalt  }
0x6e: {  	_ =	shalt  }
0x6f: {  	_ =	shalt  }
0x70: {  	_ =	shalt  }
0x71: {  	_ =	shalt  }
0x72: {  	_ =	shalt  }
0x73: {  	_ =	shalt  }
0x74: {  	_ =	shalt  }
0x75: {  	_ =	shalt  }
0x76: {  	_ =	shalt  }
0x77: {  	_ =	shalt  }
0x78: {  	_ =	shalt  }
0x79: {  	_ =	shalt  }
0x7a: {  	_ =	shalt  }
0x7b: {  	_ =	shalt  }
0x7c: {  	_ =	shalt  }
0x7d: {  	_ =	shalt  }
0x7e: {  	_ =	shalt  }
0x7f: {  	_ =	shalt  }
0x80: {  	_ =	shalt  }
0x81: {  	_ =	shalt  }
0x82: {  	_ =	shalt  }
0x83: {  	_ =	shalt  }
0x84: {  	_ =	shalt  }
0x85: {  	_ =	shalt  }
0x86: {  	_ =	shalt  }
0x87: {  	_ =	shalt  }
.Lfunc_end0:
.L_simem_size_0:
called_computation_lowered:
.L_overlay_start_0:
0x88: {  	s2 =	sld [smem:$0x3FD9]  }
0x89: {  	s3 =	sld [smem:$0x3FFE];
	_ =	sdelay $0x1  }
0x8a: {  	s1 =	srdreg.scid  }
0x8b: {  	s0 =	sand.u32 $0x1, s1  }
0x8c: {  	s16 =	sshll.u32 s0, $0xA;
	s2 =	sadd.s32 s3, s2  }
0x8d: {  	s2 =	sadd.s32 s2, s16  }
0x8e: {  	[smem:$0x3FC6] =	sst s2  }
0x8f: {  	_ = 	snop  }
0x90: {  	(tm) =	ssettm $0x1  }
0x91: {  	s17 =	sld [smem:$0x3FFB];
	_ =	sdelay $0x3  }
0x92: {  	_ =	strace s17  }
0x93: {  	s2 =	sld [smem:$0x3FFC];
	_ =	sdelay $0x3  }
0x94: {  	_ =	strace s2  }
0x95: {  	s2 =	sld [smem:$0x3FFD];
	_ =	sdelay $0x3  }
0x96: {  	_ =	strace s2  }
0x97: {  	_ =	strace $0x8FFFFFFF  }
0x98: {  	s18 =	sld [smem:$0x3FDB];
	_ =	sdelay $0x1  }
0x99: {  	s19 =	simm.s32 $_scs_section_size  }
0x9a: {  	s4 =	simm.s32 $_size__tile_overlayer_lowered;
	s5 =	simm.s32 $_tile_overlayer_lowered  }
0x9b: {  	s22 =	simm.s32 $0x1BFF;
	s21 =	sshll.u32 s5, $0x1;
	s2 =	sadd.s32 s19, s18  }
0x9c: {  	s6 =	simm.s32 $0x0;
	s20 =	sshll.u32 s4, $0x1;
	s4 =	sadd.s32 s21, s2  }
0x9d: {  	[timem:s6], [sflag:s22] =	dma.local [hbm:s4], s20  }
0x9e: {  	_ =	swait.ge [sflag:s22], s20  }
0x9f: {  	s3 =	ssub.s32 $0x0, s20;
	[sflag:s22] =	ssyncset.done $0x0  }
0xa0: {  	[sflag:s22] =	ssyncadd.s32 s3;
	_ =	sdelay $0x1  }
0xa1: {  	s23 =	simm.s32 $0x1B8B  }
0xa2: {  	_ =	swait.ge [sflag:s23], $0x1  }
0xa3: {  	[sflag:s23] =	ssyncset.done $0x0  }
0xa4: {  	s25 =	simm.s32 $0x1B8E;
	s24 =	sld [smem:$0x3FFE];
	[sflag:s23] =	ssyncadd.s32 $0xFFFFFFFF  }
0xa5: {  	s26 =	simm.s32 $execute0_lowered;
	[smem:$0x3FD2] =	sst s25  }
0xa6: {  	s4 =	sshll.u32 s26, $0x1;
	_ =	strace $0x80000046;
	[dreg:$0x1] =	wrdreg $0xFFFFFFFF  }
0xa7: {  	s28 =	simm.s32 $_size_execute0_lowered;
	s2 =	sadd.s32 s2, s4;
	[dreg:$0x0] =	wrdreg $0x0  }
0xa8: {  	s4 =	sshll.u32 s28, $0x1;
	[dreg:$0x2] =	wrdreg s2  }
0xa9: {  	[dreg:$0x3] =	wrdreg s4  }
0xaa: {  	[dreg:$0x4] =	wrdreg $0xC0  }
0xab: {  	_ =	task [dreg:s6], $0x5FFFF  }
0xac: {  	[dreg:$0x1] =	wrdreg $0xFFFFFFFF  }
0xad: {  	[dreg:$0x0] =	wrdreg $0x60  }
0xae: {  	[dreg:$0x2] =	wrdreg s24  }
0xaf: {  	[dreg:$0x3] =	wrdreg $0x9  }
0xb0: {  	_ =	task.clear_ibuf [dreg:s6], $0x4FFFF;
	_ =	strace $0x90000046  }
0xb1: {  	s29 =	simm.s32 $0x9;
	_ =	strace $0x80000048  }
0xb2: {  	_ =	swait.ge [sflag:s29], $0x1  }
0xb3: {  	[sflag:s29] =	ssyncadd.s32 $0xFFFFFFFF  }
0xb4: {  	_ =	strace $0x90000048  }
0xb5: {  	_ =	sfence  }
0xb6: {  	s30 =	sld [smem:$0x0];
	_ =	sdelay $0x2  }
0xb7: {  	s31 =	sshll.u32 s1, $0xD;
	s1 =	sshrl.u32 s1, $0x2  }
0xb8: {  	s3 =	sand.u32 $0x4000, s31;
	s1 =	sadd.s32 s1, s30  }
0xb9: {  	s0 =	sor.u32 s3, s0;
	s1 =	sshll.u32 s1, $0x11  }
0xba: {  	s0 =	sor.u32 s1, s0  }
0xbb: {  	s0 =	sadd.s32 $0x8F2B, s0  }
0xbc: {  	[sflag:s0] =	ssyncadd.remote.s32 $0x1  }
0xbd: {  	_ =	sfence.sel $0xFFFF  }
0xbe: {  	[dreg:$0x0] =	wrdreg $0xFFFFFFFF;
	(pc) =	sbr.abs _section_cstart, $3  }
0xbf: {  	[dreg:$0x1] =	wrdreg $0xFFFFFFFF  }
0xc0: {  	_ =	task.clear_ibuf [dreg:s6], $0x2FFFF;
	_ =	strace $0x9FFFFFFF  }
0xc1: {  	(tm) =	ssettm $0x7FFFFFFF  }
tec
execute0_lowered:
.L_overlay_start_1:
0x0: {  	(tag) =	ssettag $0x1  }
0x1: {  	s3 =	rddreg [dreg:$0x0]  }
0x2: {  	s0 =	rddreg [dreg:$0x1];
	s1 =	simm.s32 $0x0  }
0x3: {  	s4 =	srdreg.scid;
	s2 =	stileid.u32;
	s9 =	simm.s32 $0xC200  }
0x4: {  	s10 =	simm.s32 $0x2000;
	s11 =	simm.s32 $0x6100;
	s12 =	simm.s32 $0x4080  }
0x5: {  	s13 =	simm.s32 $0x8180;
	s14 =	simm.s32 $0xA200;
	s15 =	simm.s32 $0x0  }
0x6: {  	[smem:$0x7FF] =	sst s1;
	s5 =	sadd.s32 $0xA00, s3;
	s4 =	sand.u32 $0x1, s4  }
0x7: {  	s7 =	sshll.u32 s2, $0xC;
	s6 =	ssub.s32 $0x2, s4;
	s4 =	sshll.u32 s4, $0xB  }
0x8: {  	s8 =	sadd.s32 $0x10A00, s3;
	s29 =	sshrl.u32 s6, $0x1;
	s4 =	sor.u32 s4, s7  }
0x9: {  	v1 =	vlaneseq.u32;
	_ =	strace $0x80000047;
	s30 =	ssub.s32 s6, s29;
	s31 =	sor.u32 $0x400, s4  }
0xa: {  	v2 =	vmul.u32 $0x200, v1;
	v4 =	vmul.u32 $0x201, v1;
	s3 =	sadd.s32 s5, s4;
	s4 =	sadd.s32 s8, s4;
	s5 =	sadd.s32 s5, s31  }
0xb: {  	v0 =	vimm.s32 $0x0;
	v3 =	vimm.s32 $0x1;
	s6 =	sadd.s32 s8, s31;
	s7 =	smax.u32 s30, $0x1;
	s8 =	simm.s32 $0x1  }
.LBB2_1:
0xc: {  	[tilespmem:s1], [sflag:$0x1] =	stream.linear.gather [hbm4b:s3+s1], $0x2000, $0x38;
	[tilespmem:$0xD200] =	vst v63  }
0xd: {  	_ =	swait.ge [sflag:s8], $0x2000  }
0xe: {  	[sflag:s8] =	ssyncset.done $0x0  }
0xf: {  	s16 =	simm.s32 $0xC240;
	[sflag:s8] =	ssyncadd.s32 $0xFFFFE000  }
0x10: {  	[tilespmem:s16+$0xFFFFFFC0] =	vst v0  }
0x11: {  	[tilespmem:s16+$0x30] =	vst v0  }
0x12: {  	[tilespmem:s16+$0x20] =	vst v0  }
0x13: {  	[tilespmem:s16+$0x10] =	vst v0  }
0x14: {  	[tilespmem:s16+$0x0] =	vst v0  }
0x15: {  	[tilespmem:s16+$0xFFFFFFF0] =	vst v0  }
0x16: {  	s17 =	simm.s32 $0x0;
	[tilespmem:s16+$0xFFFFFFE0] =	vst v0  }
.LBB2_2:
0x17: {  	s17 =	sadd.s32 $0x8, s17;
	[tilespmem:s16+$0xFFFFFFD0] =	vst v0;
	s16 =	sadd.s32 $0x80, s16  }
0x18: {  	[tilespmem:s16+$0xFFFFFFC0] =	vst v0;
	p0 =	slt.u32 s17, $0xF8  }
0x19: {  	[tilespmem:s16+$0x30] =	vst v0  }
.Ltmp0:
0x1a: {  	[tilespmem:s16+$0x20] =	vst v0;
	(pc) =	sbr.rel @p0 .LBB2_2-.Ltmp0, $4  }
0x1b: {  	[tilespmem:s16+$0x10] =	vst v0  }
0x1c: {  	[tilespmem:s16+$0x0] =	vst v0  }
0x1d: {  	[tilespmem:s16+$0xFFFFFFF0] =	vst v0  }
0x1e: {  	[tilespmem:s16+$0xFFFFFFE0] =	vst v0  }
0x1f: {  	[tilespmem:s16+$0xFFFFFFD0] =	vst v0;
	s16 =	simm.s32 $0x0;
	s17 =	simm.s32 $0x0  }
.LBB2_4:
0x20: {  	v5 =	vor.u32 s17, v2;
	_ =	sdelay $0x4  }
0x21: {  	v5 =	vld.idx.msk [tilespmem:v5+s16+$0x0], $0xffff;
	_ =	sdelay $0x4  }
0x22: {  	v5 =	vshll.u32 v5, $0x4  }
0x23: {  	v5 =	vor.u32 v1, v5  }
0x24: {  	s18 =	sadd.s32 $0x1, s17;
	v5 =	vand.u32 $0xFFF, v5  }
0x25: {  	v6 =	vor.u32 s18, v2;
	_ =	sdelay $0x3  }
0x26: {  	[tilespmem:v5+s9+$0x0] =	vst.idx.add.s32.msk $0xffff, v3  }
0x27: {  	v5 =	vld.idx.msk [tilespmem:v6+s16+$0x0], $0xffff;
	_ =	sdelay $0x4  }
0x28: {  	v5 =	vshll.u32 v5, $0x4  }
0x29: {  	v5 =	vor.u32 v1, v5  }
0x2a: {  	s30 =	sadd.s32 $0x2, s17;
	v5 =	vand.u32 $0xFFF, v5  }
0x2b: {  	v6 =	vor.u32 s30, v2;
	_ =	sdelay $0x3  }
0x2c: {  	[tilespmem:v5+s9+$0x0] =	vst.idx.add.s32.msk $0xffff, v3  }
0x2d: {  	v5 =	vld.idx.msk [tilespmem:v6+s16+$0x0], $0xffff;
	_ =	sdelay $0x4  }
0x2e: {  	v5 =	vshll.u32 v5, $0x4  }
0x2f: {  	v5 =	vor.u32 v1, v5  }
0x30: {  	s31 =	sadd.s32 $0x3, s17;
	v5 =	vand.u32 $0xFFF, v5  }
0x31: {  	v6 =	vor.u32 s31, v2;
	_ =	sdelay $0x3  }
0x32: {  	[tilespmem:v5+s9+$0x0] =	vst.idx.add.s32.msk $0xffff, v3  }
0x33: {  	v5 =	vld.idx.msk [tilespmem:v6+s16+$0x0], $0xffff;
	_ =	sdelay $0x4  }
0x34: {  	v5 =	vshll.u32 v5, $0x4  }
0x35: {  	v5 =	vor.u32 v1, v5  }
0x36: {  	p0 =	slt.u32 s17, $0x1FC;
	v5 =	vand.u32 $0xFFF, v5  }
.Ltmp1:
0x37: {  	_ = 	snop;
	(pc) =	sbr.rel @p0 .LBB2_4-.Ltmp1, $2  }
0x38: {  	_ =	sdelay $0x2  }
0x39: {  	s17 =	sadd.s32 $0x4, s17;
	s18 =	simm.s32 $0xC210;
	[tilespmem:v5+s9+$0x0] =	vst.idx.add.s32.msk $0xffff, v3  }
0x3a: {  	v7 =	vld [tilespmem:s18+$0xFFFFFFF0];
	_ =	sdelay $0x4  }
0x3b: {  	(xrf0) =	vadd.scan.msk.s32 $0xffff, v7;
	_ =	sdelay $0x5  }
0x3c: {  	v8, _, _ =	vpop (xrf0)  }
0x3d: {  	v5 =	vxor.u32 $0x80000000, v8  }
0x3e: {  	(xrf0) =	vmax.scan.msk.u32 $0xffff, v5;
	_ =	sdelay $0x1  }
0x3f: {  	v9 =	vld [tilespmem:s18+$0x0];
	_ =	sdelay $0x3  }
0x40: {  	v5, _, _ =	vpop (xrf0)  }
0x41: {  	(xrf0) =	vadd.scan.msk.s32 $0xffff, v9;
	(v2sf) =	vpush v5, $0xF  }
0x42: {  	s17 =	simm.s32 $0xC230  }
0x43: {  	v5 =	vld [tilespmem:s17+$0xFFFFFFF0];
	_ =	sdelay $0x3  }
0x44: {  	v10, _, _ =	vpop (xrf0)  }
0x45: {  	v6 =	vxor.u32 $0x80000000, v10;
	(xrf0) =	vadd.scan.msk.s32 $0xffff, v5  }
0x46: {  	(xrf0) =	vmax.scan.msk.u32 $0xffff, v6;
	_ =	sdelay $0x4  }
0x47: {  	v7 =	vsub.s32 s16, v7;
	v6, _, _ =	vpop (xrf0)  }
0x48: {  	v7 =	vadd.s32 v8, v7;
	v8, _, _ =	vpop (xrf0)  }
0x49: {  	s19 =	spop (v2sf);
	(v2sf) =	vpush v8, $0xF;
	_ =	sdelay $0x6  }
0x4a: {  	v8 =	vxor.u32 $0x80000000, v6  }
0x4b: {  	(xrf0) =	vmax.scan.msk.u32 $0xffff, v8;
	_ =	sdelay $0x1  }
0x4c: {  	s31 =	sadd.s32 $0x0, s19  }
0x4d: {  	v9 =	vsub.s32 v10, v9;
	s19 =	sadd.s32 $0x80000000, s31  }
0x4e: {  	[tilespmem:s18+$0xFFFFFFF0] =	vst v7;
	v7 =	vadd.s32 s19, v9  }
0x4f: {  	[tilespmem:s18+$0x0] =	vst v7  }
0x50: {  	v9 =	vld [tilespmem:s17+$0x0];
	v10, _, _ =	vpop (xrf0)  }
0x51: {  	s16 =	simm.s32 $0xC250;
	s20 =	spop (v2sf);
	(v2sf) =	vpush v10, $0xF  }
0x52: {  	v7 =	vld [tilespmem:s16+$0xFFFFFFF0];
	_ =	sdelay $0x2  }
0x53: {  	(xrf0) =	vadd.scan.msk.s32 $0xffff, v9;
	_ =	sdelay $0x1  }
0x54: {  	(xrf0) =	vadd.scan.msk.s32 $0xffff, v7;
	_ =	sdelay $0x3  }
0x55: {  	v11, _, _ =	vpop (xrf0)  }
0x56: {  	v12 =	vxor.u32 $0x80000000, v11  }
0x57: {  	v8, _, _ =	vpop (xrf0);
	(xrf0) =	vmax.scan.msk.u32 $0xffff, v12  }
0x58: {  	v63 =	vxor.u32 $0x80000000, v8  }
0x59: {  	s18 =	simm.s32 $0x4;
	s19 =	sadd.s32 s20, s19;
	v9 =	vsub.s32 v11, v9;
	(xrf0) =	vmax.scan.msk.u32 $0xffff, v63  }
.LBB2_6:
0x5a: {  	s18 =	sadd.s32 $0x2, s18;
	s20 =	spop (v2sf);
	s19 =	sadd.s32 $0x80000000, s19  }
0x5b: {  	p0 =	slt.u32 s18, $0xFE;
	v10 =	vsub.s32 s19, v5;
	s19 =	sadd.s32 s20, s19;
	v5 =	vmov v7  }
0x5c: {  	v7 =	vadd.s32 v6, v10;
	s19 =	sadd.s32 $0x80000000, s19;
	v6 =	vmov v8  }
0x5d: {  	[tilespmem:s17+$0xFFFFFFF0] =	vst v7;
	v9 =	vadd.s32 s19, v9;
	v8, _, _ =	vpop (xrf0)  }
0x5e: {  	[tilespmem:s17+$0x0] =	vst v9;
	(v2sf) =	vpush v8, $0xF;
	s17 =	smov.u32 s16  }
0x5f: {  	v8 =	vld [tilespmem:s16+$0x0];
	v7, _, _ =	vpop (xrf0)  }
0x60: {  	s16 =	sadd.s32 $0x20, s16;
	(v2sf) =	vpush v7, $0xF  }
0x61: {  	v7 =	vld [tilespmem:s16+$0xFFFFFFF0];
	_ =	sdelay $0x2  }
0x62: {  	(xrf0) =	vadd.scan.msk.s32 $0xffff, v8;
	_ =	sdelay $0x1  }
0x63: {  	(xrf0) =	vadd.scan.msk.s32 $0xffff, v7;
	_ =	sdelay $0x3  }
.Ltmp2:
0x64: {  	v10, _, _ =	vpop (xrf0);
	(pc) =	sbr.rel @p0 .LBB2_6-.Ltmp2, $4  }
0x65: {  	v9 =	vsub.s32 v10, v8;
	v10 =	vxor.u32 $0x80000000, v10  }
0x66: {  	v8, _, _ =	vpop (xrf0);
	(xrf0) =	vmax.scan.msk.u32 $0xffff, v10  }
0x67: {  	v10 =	vxor.u32 $0x80000000, v8;
	s20 =	spop (v2sf)  }
0x68: {  	(xrf0) =	vmax.scan.msk.u32 $0xffff, v10;
	s19 =	sadd.s32 s20, s19  }
0x69: {  	s18 =	spop (v2sf);
	s19 =	sadd.s32 $0x80000000, s19  }
0x6a: {  	v5 =	vsub.s32 s19, v5;
	s18 =	sadd.s32 s18, s19  }
0x6b: {  	v5 =	vadd.s32 v6, v5;
	s18 =	sadd.s32 $0x80000000, s18  }
0x6c: {  	[tilespmem:s17+$0xFFFFFFF0] =	vst v5;
	v5 =	vadd.s32 s18, v9  }
0x6d: {  	[tilespmem:s17+$0x0] =	vst v5  }
0x6e: {  	v5 =	vld [tilespmem:s16+$0x0];
	_ =	sdelay $0x4  }
0x6f: {  	(xrf0) =	vadd.scan.msk.s32 $0xffff, v5;
	_ =	sdelay $0x3  }
0x70: {  	v6, _, _ =	vpop (xrf0)  }
0x71: {  	v63, _, _ =	vpop (xrf0)  }
0x72: {  	v10, _, _ =	vpop (xrf0)  }
0x73: {  	v11 =	vxor.u32 $0x80000000, v10  }
0x74: {  	(xrf0) =	vmax.scan.msk.u32 $0xffff, v11  }
0x75: {  	(v2sf) =	vpush v6, $0xF;
	_ =	sdelay $0x1  }
0x76: {  	(v2sf) =	vpush v63, $0xF;
	_ =	sdelay $0x2  }
0x77: {  	v6, _, _ =	vpop (xrf0)  }
0x78: {  	(v2sf) =	vpush v6, $0xF;
	_ =	sdelay $0x8  }
0x79: {  	s29 =	spop (v2sf)  }
0x7a: {  	s17 =	sadd.s32 s29, s18  }
0x7b: {  	s30 =	spop (v2sf);
	s17 =	sadd.s32 $0x80000000, s17  }
0x7c: {  	v6 =	vsub.s32 s17, v7;
	s17 =	sadd.s32 s30, s17  }
0x7d: {  	v5 =	vsub.s32 v10, v5;
	v6 =	vadd.s32 v8, v6;
	s17 =	sadd.s32 $0x80000000, s17  }
0x7e: {  	[tilespmem:s16+$0xFFFFFFF0] =	vst v6;
	v5 =	vadd.s32 s17, v5  }
0x7f: {  	[tilespmem:s16+$0x0] =	vst v5;
	s16 =	simm.s32 $0x0;
	s31 =	spop (v2sf)  }
.LBB2_8:
0x80: {  	v5 =	vor.u32 s16, v2;
	_ =	sdelay $0x4  }
0x81: {  	v6 =	vld.idx.msk [tilespmem:v5+s1+$0x0], $0xffff;
	_ =	sdelay $0x4  }
0x82: {  	v7 =	vshll.u32 v6, $0x4  }
0x83: {  	v7 =	vor.u32 v1, v7  }
0x84: {  	v7 =	vand.u32 $0xFFF, v7;
	_ =	sdelay $0x4  }
0x85: {  	v8 =	vld.idx.msk [tilespmem:v7+s9+$0x0], $0xffff;
	_ =	sdelay $0x4  }
0x86: {  	v9 =	vshra.s32 v8, $0x9  }
0x87: {  	v9 =	vadd.s32 v8, v9  }
0x88: {  	s17 =	sadd.s32 $0x1, s16  }
0x89: {  	v10 =	vor.u32 s17, v2  }
0x8a: {  	v8 =	vadd.s32 $0x1, v8  }
0x8b: {  	vm0 =	vlt.u32 v5, $0x801;
	[tilespmem:v7+s9+$0x0] =	vst.idx.msk $0xffff, v8  }
0x8c: {  	v5 =	vsel vm0, $0x1, v0;
	[tilespmem:v9+s10+$0x0] =	vst.idx.msk $0xffff, v6  }
0x8d: {  	[tilespmem:v9+s11+$0x0] =	vst.idx.msk $0xffff, v5  }
0x8e: {  	v5 =	vld.idx.msk [tilespmem:v10+s1+$0x0], $0xffff;
	_ =	sdelay $0x4  }
0x8f: {  	v6 =	vshll.u32 v5, $0x4  }
0x90: {  	v6 =	vor.u32 v1, v6  }
0x91: {  	v6 =	vand.u32 $0xFFF, v6;
	_ =	sdelay $0x4  }
0x92: {  	v7 =	vld.idx.msk [tilespmem:v6+s9+$0x0], $0xffff;
	_ =	sdelay $0x4  }
0x93: {  	v63 =	vshra.s32 v7, $0x9  }
0x94: {  	v8 =	vadd.s32 v7, v63  }
0x95: {  	p0 =	slt.u32 s16, $0x1FE  }
.Ltmp3:
0x96: {  	_ = 	snop;
	(pc) =	sbr.rel @p0 .LBB2_8-.Ltmp3, $4  }
0x97: {  	v7 =	vadd.s32 $0x1, v7  }
0x98: {  	vm15 =	vlt.u32 v10, $0x801;
	[tilespmem:v6+s9+$0x0] =	vst.idx.msk $0xffff, v7  }
0x99: {  	v6 =	vsel vm15, $0x1, v0;
	[tilespmem:v8+s10+$0x0] =	vst.idx.msk $0xffff, v5  }
0x9a: {  	s16 =	sadd.s32 $0x2, s16;
	s18 =	simm.s32 $0xFFFFFFF8;
	s17 =	simm.s32 $0xC240;
	[tilespmem:v8+s11+$0x0] =	vst.idx.msk $0xffff, v6  }
0x9b: {  	[tilespmem:s17+$0xFFFFFFC0] =	vst v0  }
0x9c: {  	[tilespmem:s17+$0x30] =	vst v0  }
0x9d: {  	[tilespmem:s17+$0x20] =	vst v0  }
0x9e: {  	[tilespmem:s17+$0x10] =	vst v0  }
0x9f: {  	[tilespmem:s17+$0x0] =	vst v0  }
0xa0: {  	[tilespmem:s17+$0xFFFFFFF0] =	vst v0  }
0xa1: {  	s16 =	sadd.s32 $0x8, s18;
	[tilespmem:s17+$0xFFFFFFE0] =	vst v0  }
.LBB2_10:
0xa2: {  	s16 =	sadd.s32 $0x8, s16;
	[tilespmem:s17+$0xFFFFFFD0] =	vst v0;
	s17 =	sadd.s32 $0x80, s17  }
0xa3: {  	[tilespmem:s17+$0xFFFFFFC0] =	vst v0;
	p0 =	slt.u32 s16, $0xF8  }
0xa4: {  	[tilespmem:s17+$0x30] =	vst v0  }
.Ltmp4:
0xa5: {  	[tilespmem:s17+$0x20] =	vst v0;
	(pc) =	sbr.rel @p0 .LBB2_10-.Ltmp4, $4  }
0xa6: {  	[tilespmem:s17+$0x10] =	vst v0  }
0xa7: {  	[tilespmem:s17+$0x0] =	vst v0  }
0xa8: {  	[tilespmem:s17+$0xFFFFFFF0] =	vst v0  }
0xa9: {  	[tilespmem:s17+$0xFFFFFFE0] =	vst v0  }
0xaa: {  	[tilespmem:s17+$0xFFFFFFD0] =	vst v0;
	s16 =	simm.s32 $0x0;
	s17 =	simm.s32 $0x0  }
.LBB2_12:
0xab: {  	v5 =	vadd.s32 s17, v4;
	_ =	sdelay $0x4  }
0xac: {  	v5 =	vld.idx.msk [tilespmem:v5+s10+$0x0], $0xffff;
	_ =	sdelay $0x4  }
0xad: {  	v5 =	vshrl.u32 v5, $0x4  }
0xae: {  	v5 =	vand.u32 $0xFF0, v5  }
0xaf: {  	s18 =	sadd.s32 $0x1, s17;
	v5 =	vor.u32 v1, v5  }
0xb0: {  	v6 =	vadd.s32 s18, v4;
	_ =	sdelay $0x3  }
0xb1: {  	[tilespmem:v5+s9+$0x0] =	vst.idx.add.s32.msk $0xffff, v3  }
0xb2: {  	v5 =	vld.idx.msk [tilespmem:v6+s10+$0x0], $0xffff;
	_ =	sdelay $0x4  }
0xb3: {  	v5 =	vshrl.u32 v5, $0x4  }
0xb4: {  	v5 =	vand.u32 $0xFF0, v5  }
0xb5: {  	s30 =	sadd.s32 $0x2, s17;
	v5 =	vor.u32 v1, v5  }
0xb6: {  	v6 =	vadd.s32 s30, v4;
	_ =	sdelay $0x3  }
0xb7: {  	[tilespmem:v5+s9+$0x0] =	vst.idx.add.s32.msk $0xffff, v3  }
0xb8: {  	v5 =	vld.idx.msk [tilespmem:v6+s10+$0x0], $0xffff;
	_ =	sdelay $0x4  }
0xb9: {  	v5 =	vshrl.u32 v5, $0x4  }
0xba: {  	v5 =	vand.u32 $0xFF0, v5  }
0xbb: {  	s31 =	sadd.s32 $0x3, s17;
	v5 =	vor.u32 v1, v5  }
0xbc: {  	v6 =	vadd.s32 s31, v4;
	_ =	sdelay $0x3  }
0xbd: {  	[tilespmem:v5+s9+$0x0] =	vst.idx.add.s32.msk $0xffff, v3  }
0xbe: {  	v5 =	vld.idx.msk [tilespmem:v6+s10+$0x0], $0xffff;
	_ =	sdelay $0x4  }
0xbf: {  	v5 =	vshrl.u32 v5, $0x4  }
0xc0: {  	v5 =	vand.u32 $0xFF0, v5  }
0xc1: {  	p0 =	slt.u32 s17, $0x1FC;
	v5 =	vor.u32 v1, v5  }
.Ltmp5:
0xc2: {  	_ = 	snop;
	(pc) =	sbr.rel @p0 .LBB2_12-.Ltmp5, $2  }
0xc3: {  	_ =	sdelay $0x2  }
0xc4: {  	s17 =	sadd.s32 $0x4, s17;
	s18 =	simm.s32 $0xC210;
	[tilespmem:v5+s9+$0x0] =	vst.idx.add.s32.msk $0xffff, v3  }
0xc5: {  	v7 =	vld [tilespmem:s18+$0xFFFFFFF0];
	_ =	sdelay $0x4  }
0xc6: {  	(xrf0) =	vadd.scan.msk.s32 $0xffff, v7;
	_ =	sdelay $0x5  }
0xc7: {  	v8, _, _ =	vpop (xrf0)  }
0xc8: {  	v5 =	vxor.u32 $0x80000000, v8  }
0xc9: {  	(xrf0) =	vmax.scan.msk.u32 $0xffff, v5;
	_ =	sdelay $0x1  }
0xca: {  	v9 =	vld [tilespmem:s18+$0x0];
	_ =	sdelay $0x3  }
0xcb: {  	v5, _, _ =	vpop (xrf0)  }
0xcc: {  	(xrf0) =	vadd.scan.msk.s32 $0xffff, v9;
	(v2sf) =	vpush v5, $0xF  }
0xcd: {  	s17 =	simm.s32 $0xC230  }
0xce: {  	v5 =	vld [tilespmem:s17+$0xFFFFFFF0];
	_ =	sdelay $0x3  }
0xcf: {  	v10, _, _ =	vpop (xrf0)  }
0xd0: {  	v6 =	vxor.u32 $0x80000000, v10;
	(xrf0) =	vadd.scan.msk.s32 $0xffff, v5  }
0xd1: {  	(xrf0) =	vmax.scan.msk.u32 $0xffff, v6;
	_ =	sdelay $0x4  }
0xd2: {  	v7 =	vsub.s32 s16, v7;
	v6, _, _ =	vpop (xrf0)  }
0xd3: {  	v7 =	vadd.s32 v8, v7;
	v8, _, _ =	vpop (xrf0)  }
0xd4: {  	s19 =	spop (v2sf);
	(v2sf) =	vpush v8, $0xF;
	_ =	sdelay $0x6  }
0xd5: {  	v8 =	vxor.u32 $0x80000000, v6  }
0xd6: {  	(xrf0) =	vmax.scan.msk.u32 $0xffff, v8;
	_ =	sdelay $0x1  }
0xd7: {  	s31 =	sadd.s32 $0x0, s19  }
0xd8: {  	v9 =	vsub.s32 v10, v9;
	s19 =	sadd.s32 $0x80000000, s31  }
0xd9: {  	[tilespmem:s18+$0xFFFFFFF0] =	vst v7;
	v7 =	vadd.s32 s19, v9  }
0xda: {  	[tilespmem:s18+$0x0] =	vst v7  }
0xdb: {  	v9 =	vld [tilespmem:s17+$0x0];
	v10, _, _ =	vpop (xrf0)  }
0xdc: {  	s16 =	simm.s32 $0xC250;
	s20 =	spop (v2sf);
	(v2sf) =	vpush v10, $0xF  }
0xdd: {  	v7 =	vld [tilespmem:s16+$0xFFFFFFF0];
	_ =	sdelay $0x2  }
0xde: {  	(xrf0) =	vadd.scan.msk.s32 $0xffff, v9;
	_ =	sdelay $0x1  }
0xdf: {  	(xrf0) =	vadd.scan.msk.s32 $0xffff, v7;
	_ =	sdelay $0x3  }
0xe0: {  	v11, _, _ =	vpop (xrf0)  }
0xe1: {  	v12 =	vxor.u32 $0x80000000, v11  }
0xe2: {  	v8, _, _ =	vpop (xrf0);
	(xrf0) =	vmax.scan.msk.u32 $0xffff, v12  }
0xe3: {  	v63 =	vxor.u32 $0x80000000, v8  }
0xe4: {  	s18 =	simm.s32 $0x4;
	s19 =	sadd.s32 s20, s19;
	v9 =	vsub.s32 v11, v9;
	(xrf0) =	vmax.scan.msk.u32 $0xffff, v63  }
.LBB2_14:
0xe5: {  	s18 =	sadd.s32 $0x2, s18;
	s20 =	spop (v2sf);
	s19 =	sadd.s32 $0x80000000, s19  }
0xe6: {  	p0 =	slt.u32 s18, $0xFE;
	v10 =	vsub.s32 s19, v5;
	s19 =	sadd.s32 s20, s19;
	v5 =	vmov v7  }
0xe7: {  	v7 =	vadd.s32 v6, v10;
	s19 =	sadd.s32 $0x80000000, s19;
	v6 =	vmov v8  }
0xe8: {  	[tilespmem:s17+$0xFFFFFFF0] =	vst v7;
	v9 =	vadd.s32 s19, v9;
	v8, _, _ =	vpop (xrf0)  }
0xe9: {  	[tilespmem:s17+$0x0] =	vst v9;
	(v2sf) =	vpush v8, $0xF;
	s17 =	smov.u32 s16  }
0xea: {  	v8 =	vld [tilespmem:s16+$0x0];
	v7, _, _ =	vpop (xrf0)  }
0xeb: {  	s16 =	sadd.s32 $0x20, s16;
	(v2sf) =	vpush v7, $0xF  }
0xec: {  	v7 =	vld [tilespmem:s16+$0xFFFFFFF0];
	_ =	sdelay $0x2  }
0xed: {  	(xrf0) =	vadd.scan.msk.s32 $0xffff, v8;
	_ =	sdelay $0x1  }
0xee: {  	(xrf0) =	vadd.scan.msk.s32 $0xffff, v7;
	_ =	sdelay $0x3  }
.Ltmp6:
0xef: {  	v10, _, _ =	vpop (xrf0);
	(pc) =	sbr.rel @p0 .LBB2_14-.Ltmp6, $4  }
0xf0: {  	v9 =	vsub.s32 v10, v8;
	v10 =	vxor.u32 $0x80000000, v10  }
0xf1: {  	v8, _, _ =	vpop (xrf0);
	(xrf0) =	vmax.scan.msk.u32 $0xffff, v10  }
0xf2: {  	v10 =	vxor.u32 $0x80000000, v8;
	s20 =	spop (v2sf)  }
0xf3: {  	(xrf0) =	vmax.scan.msk.u32 $0xffff, v10;
	s19 =	sadd.s32 s20, s19  }
0xf4: {  	s18 =	spop (v2sf);
	s19 =	sadd.s32 $0x80000000, s19  }
0xf5: {  	v5 =	vsub.s32 s19, v5;
	s18 =	sadd.s32 s18, s19  }
0xf6: {  	v5 =	vadd.s32 v6, v5;
	s18 =	sadd.s32 $0x80000000, s18  }
0xf7: {  	[tilespmem:s17+$0xFFFFFFF0] =	vst v5;
	v5 =	vadd.s32 s18, v9  }
0xf8: {  	[tilespmem:s17+$0x0] =	vst v5  }
0xf9: {  	v5 =	vld [tilespmem:s16+$0x0];
	_ =	sdelay $0x4  }
0xfa: {  	(xrf0) =	vadd.scan.msk.s32 $0xffff, v5;
	_ =	sdelay $0x3  }
0xfb: {  	v6, _, _ =	vpop (xrf0)  }
0xfc: {  	v63, _, _ =	vpop (xrf0)  }
0xfd: {  	v10, _, _ =	vpop (xrf0)  }
0xfe: {  	v11 =	vxor.u32 $0x80000000, v10  }
0xff: {  	(xrf0) =	vmax.scan.msk.u32 $0xffff, v11  }
0x100: {  	(v2sf) =	vpush v6, $0xF;
	_ =	sdelay $0x1  }
0x101: {  	(v2sf) =	vpush v63, $0xF;
	_ =	sdelay $0x2  }
0x102: {  	v6, _, _ =	vpop (xrf0)  }
0x103: {  	(v2sf) =	vpush v6, $0xF;
	_ =	sdelay $0x8  }
0x104: {  	s29 =	spop (v2sf)  }
0x105: {  	s17 =	sadd.s32 s29, s18  }
0x106: {  	s30 =	spop (v2sf);
	s17 =	sadd.s32 $0x80000000, s17  }
0x107: {  	v6 =	vsub.s32 s17, v7;
	s17 =	sadd.s32 s30, s17  }
0x108: {  	v5 =	vsub.s32 v10, v5;
	v6 =	vadd.s32 v8, v6;
	s17 =	sadd.s32 $0x80000000, s17  }
0x109: {  	[tilespmem:s16+$0xFFFFFFF0] =	vst v6;
	v5 =	vadd.s32 s17, v5  }
0x10a: {  	[tilespmem:s16+$0x0] =	vst v5;
	s16 =	simm.s32 $0x0;
	s31 =	spop (v2sf)  }
.LBB2_16:
0x10b: {  	v5 =	vadd.s32 s16, v4;
	_ =	sdelay $0x4  }
0x10c: {  	v6 =	vld.idx.msk [tilespmem:v5+s10+$0x0], $0xffff;
	_ =	sdelay $0x4  }
0x10d: {  	v7 =	vshrl.u32 v6, $0x4  }
0x10e: {  	v7 =	vand.u32 $0xFF0, v7  }
0x10f: {  	v7 =	vor.u32 v1, v7;
	_ =	sdelay $0x4  }
0x110: {  	v8 =	vld.idx.msk [tilespmem:v7+s9+$0x0], $0xffff;
	_ =	sdelay $0x4  }
0x111: {  	v9 =	vshra.s32 v8, $0x9  }
0x112: {  	v9 =	vadd.s32 v8, v9  }
0x113: {  	s17 =	sadd.s32 $0x1, s16;
	v5 =	vld.idx.msk [tilespmem:v5+s11+$0x0], $0xffff  }
0x114: {  	v10 =	vadd.s32 s17, v4  }
0x115: {  	v8 =	vadd.s32 $0x1, v8  }
0x116: {  	[tilespmem:v7+s9+$0x0] =	vst.idx.msk $0xffff, v8  }
0x117: {  	[tilespmem:v9+s12+$0x0] =	vst.idx.msk $0xffff, v6  }
0x118: {  	[tilespmem:v9+s13+$0x0] =	vst.idx.msk $0xffff, v5  }
0x119: {  	v5 =	vld.idx.msk [tilespmem:v10+s10+$0x0], $0xffff;
	_ =	sdelay $0x4  }
0x11a: {  	v6 =	vshrl.u32 v5, $0x4  }
0x11b: {  	v6 =	vand.u32 $0xFF0, v6  }
0x11c: {  	v6 =	vor.u32 v1, v6;
	_ =	sdelay $0x4  }
0x11d: {  	v7 =	vld.idx.msk [tilespmem:v6+s9+$0x0], $0xffff;
	_ =	sdelay $0x4  }
0x11e: {  	v63 =	vshra.s32 v7, $0x9  }
0x11f: {  	v8 =	vadd.s32 v7, v63  }
0x120: {  	p0 =	slt.u32 s16, $0x1FE;
	v9 =	vld.idx.msk [tilespmem:v10+s11+$0x0], $0xffff  }
.Ltmp7:
0x121: {  	_ = 	snop;
	(pc) =	sbr.rel @p0 .LBB2_16-.Ltmp7, $4  }
0x122: {  	v7 =	vadd.s32 $0x1, v7  }
0x123: {  	[tilespmem:v6+s9+$0x0] =	vst.idx.msk $0xffff, v7  }
0x124: {  	[tilespmem:v8+s12+$0x0] =	vst.idx.msk $0xffff, v5  }
0x125: {  	s16 =	sadd.s32 $0x2, s16;
	s18 =	simm.s32 $0xFFFFFFF8;
	s17 =	simm.s32 $0xC240;
	[tilespmem:v8+s13+$0x0] =	vst.idx.msk $0xffff, v9  }
0x126: {  	[tilespmem:s17+$0xFFFFFFC0] =	vst v0  }
0x127: {  	[tilespmem:s17+$0x30] =	vst v0  }
0x128: {  	[tilespmem:s17+$0x20] =	vst v0  }
0x129: {  	[tilespmem:s17+$0x10] =	vst v0  }
0x12a: {  	[tilespmem:s17+$0x0] =	vst v0  }
0x12b: {  	[tilespmem:s17+$0xFFFFFFF0] =	vst v0  }
0x12c: {  	s16 =	sadd.s32 $0x8, s18;
	[tilespmem:s17+$0xFFFFFFE0] =	vst v0  }
.LBB2_18:
0x12d: {  	s16 =	sadd.s32 $0x8, s16;
	[tilespmem:s17+$0xFFFFFFD0] =	vst v0;
	s17 =	sadd.s32 $0x80, s17  }
0x12e: {  	[tilespmem:s17+$0xFFFFFFC0] =	vst v0;
	p0 =	slt.u32 s16, $0xF8  }
0x12f: {  	[tilespmem:s17+$0x30] =	vst v0  }
.Ltmp8:
0x130: {  	[tilespmem:s17+$0x20] =	vst v0;
	(pc) =	sbr.rel @p0 .LBB2_18-.Ltmp8, $4  }
0x131: {  	[tilespmem:s17+$0x10] =	vst v0  }
0x132: {  	[tilespmem:s17+$0x0] =	vst v0  }
0x133: {  	[tilespmem:s17+$0xFFFFFFF0] =	vst v0  }
0x134: {  	[tilespmem:s17+$0xFFFFFFE0] =	vst v0  }
0x135: {  	[tilespmem:s17+$0xFFFFFFD0] =	vst v0;
	s16 =	simm.s32 $0x0;
	s17 =	simm.s32 $0x0  }
.LBB2_20:
0x136: {  	v5 =	vadd.s32 s17, v4;
	_ =	sdelay $0x4  }
0x137: {  	v5 =	vld.idx.msk [tilespmem:v5+s12+$0x0], $0xffff;
	_ =	sdelay $0x4  }
0x138: {  	v5 =	vshrl.u32 v5, $0xC  }
0x139: {  	v5 =	vand.u32 $0xFF0, v5  }
0x13a: {  	s18 =	sadd.s32 $0x1, s17;
	v5 =	vor.u32 v1, v5  }
0x13b: {  	v6 =	vadd.s32 s18, v4;
	_ =	sdelay $0x3  }
0x13c: {  	[tilespmem:v5+s9+$0x0] =	vst.idx.add.s32.msk $0xffff, v3  }
0x13d: {  	v5 =	vld.idx.msk [tilespmem:v6+s12+$0x0], $0xffff;
	_ =	sdelay $0x4  }
0x13e: {  	v5 =	vshrl.u32 v5, $0xC  }
0x13f: {  	v5 =	vand.u32 $0xFF0, v5  }
0x140: {  	s30 =	sadd.s32 $0x2, s17;
	v5 =	vor.u32 v1, v5  }
0x141: {  	v6 =	vadd.s32 s30, v4;
	_ =	sdelay $0x3  }
0x142: {  	[tilespmem:v5+s9+$0x0] =	vst.idx.add.s32.msk $0xffff, v3  }
0x143: {  	v5 =	vld.idx.msk [tilespmem:v6+s12+$0x0], $0xffff;
	_ =	sdelay $0x4  }
0x144: {  	v5 =	vshrl.u32 v5, $0xC  }
0x145: {  	v5 =	vand.u32 $0xFF0, v5  }
0x146: {  	s31 =	sadd.s32 $0x3, s17;
	v5 =	vor.u32 v1, v5  }
0x147: {  	v6 =	vadd.s32 s31, v4;
	_ =	sdelay $0x3  }
0x148: {  	[tilespmem:v5+s9+$0x0] =	vst.idx.add.s32.msk $0xffff, v3  }
0x149: {  	v5 =	vld.idx.msk [tilespmem:v6+s12+$0x0], $0xffff;
	_ =	sdelay $0x4  }
0x14a: {  	v5 =	vshrl.u32 v5, $0xC  }
0x14b: {  	v5 =	vand.u32 $0xFF0, v5  }
0x14c: {  	p0 =	slt.u32 s17, $0x1FC;
	v5 =	vor.u32 v1, v5  }
.Ltmp9:
0x14d: {  	_ = 	snop;
	(pc) =	sbr.rel @p0 .LBB2_20-.Ltmp9, $2  }
0x14e: {  	_ =	sdelay $0x2  }
0x14f: {  	s17 =	sadd.s32 $0x4, s17;
	s18 =	simm.s32 $0xC210;
	[tilespmem:v5+s9+$0x0] =	vst.idx.add.s32.msk $0xffff, v3  }
0x150: {  	v7 =	vld [tilespmem:s18+$0xFFFFFFF0];
	_ =	sdelay $0x4  }
0x151: {  	(xrf0) =	vadd.scan.msk.s32 $0xffff, v7;
	_ =	sdelay $0x5  }
0x152: {  	v8, _, _ =	vpop (xrf0)  }
0x153: {  	v5 =	vxor.u32 $0x80000000, v8  }
0x154: {  	(xrf0) =	vmax.scan.msk.u32 $0xffff, v5;
	_ =	sdelay $0x1  }
0x155: {  	v9 =	vld [tilespmem:s18+$0x0];
	_ =	sdelay $0x3  }
0x156: {  	v5, _, _ =	vpop (xrf0)  }
0x157: {  	(xrf0) =	vadd.scan.msk.s32 $0xffff, v9;
	(v2sf) =	vpush v5, $0xF  }
0x158: {  	s17 =	simm.s32 $0xC230  }
0x159: {  	v5 =	vld [tilespmem:s17+$0xFFFFFFF0];
	_ =	sdelay $0x3  }
0x15a: {  	v10, _, _ =	vpop (xrf0)  }
0x15b: {  	v6 =	vxor.u32 $0x80000000, v10;
	(xrf0) =	vadd.scan.msk.s32 $0xffff, v5  }
0x15c: {  	(xrf0) =	vmax.scan.msk.u32 $0xffff, v6;
	_ =	sdelay $0x4  }
0x15d: {  	v7 =	vsub.s32 s16, v7;
	v6, _, _ =	vpop (xrf0)  }
0x15e: {  	v7 =	vadd.s32 v8, v7;
	v8, _, _ =	vpop (xrf0)  }
0x15f: {  	s19 =	spop (v2sf);
	(v2sf) =	vpush v8, $0xF;
	_ =	sdelay $0x6  }
0x160: {  	v8 =	vxor.u32 $0x80000000, v6  }
0x161: {  	(xrf0) =	vmax.scan.msk.u32 $0xffff, v8;
	_ =	sdelay $0x1  }
0x162: {  	s31 =	sadd.s32 $0x0, s19  }
0x163: {  	v9 =	vsub.s32 v10, v9;
	s19 =	sadd.s32 $0x80000000, s31  }
0x164: {  	[tilespmem:s18+$0xFFFFFFF0] =	vst v7;
	v7 =	vadd.s32 s19, v9  }
0x165: {  	[tilespmem:s18+$0x0] =	vst v7  }
0x166: {  	v9 =	vld [tilespmem:s17+$0x0];
	v10, _, _ =	vpop (xrf0)  }
0x167: {  	s16 =	simm.s32 $0xC250;
	s20 =	spop (v2sf);
	(v2sf) =	vpush v10, $0xF  }
0x168: {  	v7 =	vld [tilespmem:s16+$0xFFFFFFF0];
	_ =	sdelay $0x2  }
0x169: {  	(xrf0) =	vadd.scan.msk.s32 $0xffff, v9;
	_ =	sdelay $0x1  }
0x16a: {  	(xrf0) =	vadd.scan.msk.s32 $0xffff, v7;
	_ =	sdelay $0x3  }
0x16b: {  	v11, _, _ =	vpop (xrf0)  }
0x16c: {  	v12 =	vxor.u32 $0x80000000, v11  }
0x16d: {  	v8, _, _ =	vpop (xrf0);
	(xrf0) =	vmax.scan.msk.u32 $0xffff, v12  }
0x16e: {  	v63 =	vxor.u32 $0x80000000, v8  }
0x16f: {  	s18 =	simm.s32 $0x4;
	s19 =	sadd.s32 s20, s19;
	v9 =	vsub.s32 v11, v9;
	(xrf0) =	vmax.scan.msk.u32 $0xffff, v63  }
.LBB2_22:
0x170: {  	s18 =	sadd.s32 $0x2, s18;
	s20 =	spop (v2sf);
	s19 =	sadd.s32 $0x80000000, s19  }
0x171: {  	p0 =	slt.u32 s18, $0xFE;
	v10 =	vsub.s32 s19, v5;
	s19 =	sadd.s32 s20, s19;
	v5 =	vmov v7  }
0x172: {  	v7 =	vadd.s32 v6, v10;
	s19 =	sadd.s32 $0x80000000, s19;
	v6 =	vmov v8  }
0x173: {  	[tilespmem:s17+$0xFFFFFFF0] =	vst v7;
	v9 =	vadd.s32 s19, v9;
	v8, _, _ =	vpop (xrf0)  }
0x174: {  	[tilespmem:s17+$0x0] =	vst v9;
	(v2sf) =	vpush v8, $0xF;
	s17 =	smov.u32 s16  }
0x175: {  	v8 =	vld [tilespmem:s16+$0x0];
	v7, _, _ =	vpop (xrf0)  }
0x176: {  	s16 =	sadd.s32 $0x20, s16;
	(v2sf) =	vpush v7, $0xF  }
0x177: {  	v7 =	vld [tilespmem:s16+$0xFFFFFFF0];
	_ =	sdelay $0x2  }
0x178: {  	(xrf0) =	vadd.scan.msk.s32 $0xffff, v8;
	_ =	sdelay $0x1  }
0x179: {  	(xrf0) =	vadd.scan.msk.s32 $0xffff, v7;
	_ =	sdelay $0x3  }
.Ltmp10:
0x17a: {  	v10, _, _ =	vpop (xrf0);
	(pc) =	sbr.rel @p0 .LBB2_22-.Ltmp10, $4  }
0x17b: {  	v9 =	vsub.s32 v10, v8;
	v10 =	vxor.u32 $0x80000000, v10  }
0x17c: {  	v8, _, _ =	vpop (xrf0);
	(xrf0) =	vmax.scan.msk.u32 $0xffff, v10  }
0x17d: {  	v10 =	vxor.u32 $0x80000000, v8;
	s20 =	spop (v2sf)  }
0x17e: {  	(xrf0) =	vmax.scan.msk.u32 $0xffff, v10;
	s19 =	sadd.s32 s20, s19  }
0x17f: {  	s18 =	spop (v2sf);
	s19 =	sadd.s32 $0x80000000, s19  }
0x180: {  	v5 =	vsub.s32 s19, v5;
	s18 =	sadd.s32 s18, s19  }
0x181: {  	v5 =	vadd.s32 v6, v5;
	s18 =	sadd.s32 $0x80000000, s18  }
0x182: {  	[tilespmem:s17+$0xFFFFFFF0] =	vst v5;
	v5 =	vadd.s32 s18, v9  }
0x183: {  	[tilespmem:s17+$0x0] =	vst v5  }
0x184: {  	v5 =	vld [tilespmem:s16+$0x0];
	_ =	sdelay $0x4  }
0x185: {  	(xrf0) =	vadd.scan.msk.s32 $0xffff, v5;
	_ =	sdelay $0x3  }
0x186: {  	v6, _, _ =	vpop (xrf0)  }
0x187: {  	v63, _, _ =	vpop (xrf0)  }
0x188: {  	v10, _, _ =	vpop (xrf0)  }
0x189: {  	v11 =	vxor.u32 $0x80000000, v10  }
0x18a: {  	(xrf0) =	vmax.scan.msk.u32 $0xffff, v11  }
0x18b: {  	(v2sf) =	vpush v6, $0xF;
	_ =	sdelay $0x1  }
0x18c: {  	(v2sf) =	vpush v63, $0xF;
	_ =	sdelay $0x2  }
0x18d: {  	v6, _, _ =	vpop (xrf0)  }
0x18e: {  	(v2sf) =	vpush v6, $0xF;
	_ =	sdelay $0x8  }
0x18f: {  	s29 =	spop (v2sf)  }
0x190: {  	s17 =	sadd.s32 s29, s18  }
0x191: {  	s30 =	spop (v2sf);
	s17 =	sadd.s32 $0x80000000, s17  }
0x192: {  	v6 =	vsub.s32 s17, v7;
	s17 =	sadd.s32 s30, s17  }
0x193: {  	v5 =	vsub.s32 v10, v5;
	v6 =	vadd.s32 v8, v6;
	s17 =	sadd.s32 $0x80000000, s17  }
0x194: {  	[tilespmem:s16+$0xFFFFFFF0] =	vst v6;
	v5 =	vadd.s32 s17, v5  }
0x195: {  	[tilespmem:s16+$0x0] =	vst v5;
	s16 =	simm.s32 $0x0;
	s31 =	spop (v2sf)  }
.LBB2_24:
0x196: {  	v5 =	vadd.s32 s16, v4;
	_ =	sdelay $0x4  }
0x197: {  	v6 =	vld.idx.msk [tilespmem:v5+s12+$0x0], $0xffff;
	_ =	sdelay $0x4  }
0x198: {  	v7 =	vshrl.u32 v6, $0xC  }
0x199: {  	v7 =	vand.u32 $0xFF0, v7  }
0x19a: {  	v7 =	vor.u32 v1, v7;
	_ =	sdelay $0x4  }
0x19b: {  	v8 =	vld.idx.msk [tilespmem:v7+s9+$0x0], $0xffff;
	_ =	sdelay $0x4  }
0x19c: {  	v9 =	vshra.s32 v8, $0x9  }
0x19d: {  	v9 =	vadd.s32 v8, v9  }
0x19e: {  	s17 =	sadd.s32 $0x1, s16;
	v5 =	vld.idx.msk [tilespmem:v5+s13+$0x0], $0xffff  }
0x19f: {  	v10 =	vadd.s32 s17, v4  }
0x1a0: {  	v8 =	vadd.s32 $0x1, v8  }
0x1a1: {  	[tilespmem:v7+s9+$0x0] =	vst.idx.msk $0xffff, v8  }
0x1a2: {  	[tilespmem:v9+s10+$0x0] =	vst.idx.msk $0xffff, v6  }
0x1a3: {  	[tilespmem:v9+s11+$0x0] =	vst.idx.msk $0xffff, v5  }
0x1a4: {  	v5 =	vld.idx.msk [tilespmem:v10+s12+$0x0], $0xffff;
	_ =	sdelay $0x4  }
0x1a5: {  	v6 =	vshrl.u32 v5, $0xC  }
0x1a6: {  	v6 =	vand.u32 $0xFF0, v6  }
0x1a7: {  	v6 =	vor.u32 v1, v6;
	_ =	sdelay $0x4  }
0x1a8: {  	v7 =	vld.idx.msk [tilespmem:v6+s9+$0x0], $0xffff;
	_ =	sdelay $0x4  }
0x1a9: {  	v63 =	vshra.s32 v7, $0x9  }
0x1aa: {  	v8 =	vadd.s32 v7, v63  }
0x1ab: {  	p0 =	slt.u32 s16, $0x1FE;
	v9 =	vld.idx.msk [tilespmem:v10+s13+$0x0], $0xffff  }
.Ltmp11:
0x1ac: {  	_ = 	snop;
	(pc) =	sbr.rel @p0 .LBB2_24-.Ltmp11, $4  }
0x1ad: {  	v7 =	vadd.s32 $0x1, v7  }
0x1ae: {  	[tilespmem:v6+s9+$0x0] =	vst.idx.msk $0xffff, v7  }
0x1af: {  	[tilespmem:v8+s10+$0x0] =	vst.idx.msk $0xffff, v5  }
0x1b0: {  	s16 =	sadd.s32 $0x2, s16;
	s18 =	simm.s32 $0xFFFFFFF8;
	s17 =	simm.s32 $0xC240;
	[tilespmem:v8+s11+$0x0] =	vst.idx.msk $0xffff, v9  }
0x1b1: {  	[tilespmem:s17+$0xFFFFFFC0] =	vst v0  }
0x1b2: {  	[tilespmem:s17+$0x30] =	vst v0  }
0x1b3: {  	[tilespmem:s17+$0x20] =	vst v0  }
0x1b4: {  	[tilespmem:s17+$0x10] =	vst v0  }
0x1b5: {  	[tilespmem:s17+$0x0] =	vst v0  }
0x1b6: {  	[tilespmem:s17+$0xFFFFFFF0] =	vst v0  }
0x1b7: {  	s16 =	sadd.s32 $0x8, s18;
	[tilespmem:s17+$0xFFFFFFE0] =	vst v0  }
.LBB2_26:
0x1b8: {  	s16 =	sadd.s32 $0x8, s16;
	[tilespmem:s17+$0xFFFFFFD0] =	vst v0;
	s17 =	sadd.s32 $0x80, s17  }
0x1b9: {  	[tilespmem:s17+$0xFFFFFFC0] =	vst v0;
	p0 =	slt.u32 s16, $0xF8  }
0x1ba: {  	[tilespmem:s17+$0x30] =	vst v0  }
.Ltmp12:
0x1bb: {  	[tilespmem:s17+$0x20] =	vst v0;
	(pc) =	sbr.rel @p0 .LBB2_26-.Ltmp12, $4  }
0x1bc: {  	[tilespmem:s17+$0x10] =	vst v0  }
0x1bd: {  	[tilespmem:s17+$0x0] =	vst v0  }
0x1be: {  	[tilespmem:s17+$0xFFFFFFF0] =	vst v0  }
0x1bf: {  	[tilespmem:s17+$0xFFFFFFE0] =	vst v0  }
0x1c0: {  	[tilespmem:s17+$0xFFFFFFD0] =	vst v0;
	s16 =	simm.s32 $0x0;
	s17 =	simm.s32 $0x0  }
.LBB2_28:
0x1c1: {  	v5 =	vadd.s32 s17, v4;
	_ =	sdelay $0x4  }
0x1c2: {  	v5 =	vld.idx.msk [tilespmem:v5+s10+$0x0], $0xffff;
	_ =	sdelay $0x4  }
0x1c3: {  	v5 =	vshrl.u32 v5, $0x14  }
0x1c4: {  	v5 =	vand.u32 $0xFF0, v5  }
0x1c5: {  	s18 =	sadd.s32 $0x1, s17;
	v5 =	vor.u32 v1, v5  }
0x1c6: {  	v6 =	vadd.s32 s18, v4;
	_ =	sdelay $0x3  }
0x1c7: {  	[tilespmem:v5+s9+$0x0] =	vst.idx.add.s32.msk $0xffff, v3  }
0x1c8: {  	v5 =	vld.idx.msk [tilespmem:v6+s10+$0x0], $0xffff;
	_ =	sdelay $0x4  }
0x1c9: {  	v5 =	vshrl.u32 v5, $0x14  }
0x1ca: {  	v5 =	vand.u32 $0xFF0, v5  }
0x1cb: {  	s30 =	sadd.s32 $0x2, s17;
	v5 =	vor.u32 v1, v5  }
0x1cc: {  	v6 =	vadd.s32 s30, v4;
	_ =	sdelay $0x3  }
0x1cd: {  	[tilespmem:v5+s9+$0x0] =	vst.idx.add.s32.msk $0xffff, v3  }
0x1ce: {  	v5 =	vld.idx.msk [tilespmem:v6+s10+$0x0], $0xffff;
	_ =	sdelay $0x4  }
0x1cf: {  	v5 =	vshrl.u32 v5, $0x14  }
0x1d0: {  	v5 =	vand.u32 $0xFF0, v5  }
0x1d1: {  	s31 =	sadd.s32 $0x3, s17;
	v5 =	vor.u32 v1, v5  }
0x1d2: {  	v6 =	vadd.s32 s31, v4;
	_ =	sdelay $0x3  }
0x1d3: {  	[tilespmem:v5+s9+$0x0] =	vst.idx.add.s32.msk $0xffff, v3  }
0x1d4: {  	v5 =	vld.idx.msk [tilespmem:v6+s10+$0x0], $0xffff;
	_ =	sdelay $0x4  }
0x1d5: {  	v5 =	vshrl.u32 v5, $0x14  }
0x1d6: {  	v5 =	vand.u32 $0xFF0, v5  }
0x1d7: {  	p0 =	slt.u32 s17, $0x1FC;
	v5 =	vor.u32 v1, v5  }
.Ltmp13:
0x1d8: {  	_ = 	snop;
	(pc) =	sbr.rel @p0 .LBB2_28-.Ltmp13, $2  }
0x1d9: {  	_ =	sdelay $0x2  }
0x1da: {  	s17 =	sadd.s32 $0x4, s17;
	s18 =	simm.s32 $0xC210;
	[tilespmem:v5+s9+$0x0] =	vst.idx.add.s32.msk $0xffff, v3  }
0x1db: {  	v7 =	vld [tilespmem:s18+$0xFFFFFFF0];
	_ =	sdelay $0x4  }
0x1dc: {  	(xrf0) =	vadd.scan.msk.s32 $0xffff, v7;
	_ =	sdelay $0x5  }
0x1dd: {  	v8, _, _ =	vpop (xrf0)  }
0x1de: {  	v5 =	vxor.u32 $0x80000000, v8  }
0x1df: {  	(xrf0) =	vmax.scan.msk.u32 $0xffff, v5;
	_ =	sdelay $0x1  }
0x1e0: {  	v9 =	vld [tilespmem:s18+$0x0];
	_ =	sdelay $0x3  }
0x1e1: {  	v5, _, _ =	vpop (xrf0)  }
0x1e2: {  	(xrf0) =	vadd.scan.msk.s32 $0xffff, v9;
	(v2sf) =	vpush v5, $0xF  }
0x1e3: {  	s17 =	simm.s32 $0xC230  }
0x1e4: {  	v5 =	vld [tilespmem:s17+$0xFFFFFFF0];
	_ =	sdelay $0x3  }
0x1e5: {  	v10, _, _ =	vpop (xrf0)  }
0x1e6: {  	v6 =	vxor.u32 $0x80000000, v10;
	(xrf0) =	vadd.scan.msk.s32 $0xffff, v5  }
0x1e7: {  	(xrf0) =	vmax.scan.msk.u32 $0xffff, v6;
	_ =	sdelay $0x4  }
0x1e8: {  	v7 =	vsub.s32 s16, v7;
	v6, _, _ =	vpop (xrf0)  }
0x1e9: {  	v7 =	vadd.s32 v8, v7;
	v8, _, _ =	vpop (xrf0)  }
0x1ea: {  	s19 =	spop (v2sf);
	(v2sf) =	vpush v8, $0xF;
	_ =	sdelay $0x6  }
0x1eb: {  	v8 =	vxor.u32 $0x80000000, v6  }
0x1ec: {  	(xrf0) =	vmax.scan.msk.u32 $0xffff, v8;
	_ =	sdelay $0x1  }
0x1ed: {  	s31 =	sadd.s32 $0x0, s19  }
0x1ee: {  	v9 =	vsub.s32 v10, v9;
	s19 =	sadd.s32 $0x80000000, s31  }
0x1ef: {  	[tilespmem:s18+$0xFFFFFFF0] =	vst v7;
	v7 =	vadd.s32 s19, v9  }
0x1f0: {  	[tilespmem:s18+$0x0] =	vst v7  }
0x1f1: {  	v9 =	vld [tilespmem:s17+$0x0];
	v10, _, _ =	vpop (xrf0)  }
0x1f2: {  	s16 =	simm.s32 $0xC250;
	s20 =	spop (v2sf);
	(v2sf) =	vpush v10, $0xF  }
0x1f3: {  	v7 =	vld [tilespmem:s16+$0xFFFFFFF0];
	_ =	sdelay $0x2  }
0x1f4: {  	(xrf0) =	vadd.scan.msk.s32 $0xffff, v9;
	_ =	sdelay $0x1  }
0x1f5: {  	(xrf0) =	vadd.scan.msk.s32 $0xffff, v7;
	_ =	sdelay $0x3  }
0x1f6: {  	v11, _, _ =	vpop (xrf0)  }
0x1f7: {  	v12 =	vxor.u32 $0x80000000, v11  }
0x1f8: {  	v8, _, _ =	vpop (xrf0);
	(xrf0) =	vmax.scan.msk.u32 $0xffff, v12  }
0x1f9: {  	v63 =	vxor.u32 $0x80000000, v8  }
0x1fa: {  	s18 =	simm.s32 $0x4;
	s19 =	sadd.s32 s20, s19;
	v9 =	vsub.s32 v11, v9;
	(xrf0) =	vmax.scan.msk.u32 $0xffff, v63  }
.LBB2_30:
0x1fb: {  	s18 =	sadd.s32 $0x2, s18;
	s20 =	spop (v2sf);
	s19 =	sadd.s32 $0x80000000, s19  }
0x1fc: {  	p0 =	slt.u32 s18, $0xFE;
	v10 =	vsub.s32 s19, v5;
	s19 =	sadd.s32 s20, s19;
	v5 =	vmov v7  }
0x1fd: {  	v7 =	vadd.s32 v6, v10;
	s19 =	sadd.s32 $0x80000000, s19;
	v6 =	vmov v8  }
0x1fe: {  	[tilespmem:s17+$0xFFFFFFF0] =	vst v7;
	v9 =	vadd.s32 s19, v9;
	v8, _, _ =	vpop (xrf0)  }
0x1ff: {  	[tilespmem:s17+$0x0] =	vst v9;
	(v2sf) =	vpush v8, $0xF;
	s17 =	smov.u32 s16  }
0x200: {  	v8 =	vld [tilespmem:s16+$0x0];
	v7, _, _ =	vpop (xrf0)  }
0x201: {  	s16 =	sadd.s32 $0x20, s16;
	(v2sf) =	vpush v7, $0xF  }
0x202: {  	v7 =	vld [tilespmem:s16+$0xFFFFFFF0];
	_ =	sdelay $0x2  }
0x203: {  	(xrf0) =	vadd.scan.msk.s32 $0xffff, v8;
	_ =	sdelay $0x1  }
0x204: {  	(xrf0) =	vadd.scan.msk.s32 $0xffff, v7;
	_ =	sdelay $0x3  }
.Ltmp14:
0x205: {  	v10, _, _ =	vpop (xrf0);
	(pc) =	sbr.rel @p0 .LBB2_30-.Ltmp14, $4  }
0x206: {  	v9 =	vsub.s32 v10, v8;
	v10 =	vxor.u32 $0x80000000, v10  }
0x207: {  	v8, _, _ =	vpop (xrf0);
	(xrf0) =	vmax.scan.msk.u32 $0xffff, v10  }
0x208: {  	v10 =	vxor.u32 $0x80000000, v8;
	s20 =	spop (v2sf)  }
0x209: {  	(xrf0) =	vmax.scan.msk.u32 $0xffff, v10;
	s19 =	sadd.s32 s20, s19  }
0x20a: {  	s18 =	spop (v2sf);
	s19 =	sadd.s32 $0x80000000, s19  }
0x20b: {  	v5 =	vsub.s32 s19, v5;
	s18 =	sadd.s32 s18, s19  }
0x20c: {  	v5 =	vadd.s32 v6, v5;
	s18 =	sadd.s32 $0x80000000, s18  }
0x20d: {  	[tilespmem:s17+$0xFFFFFFF0] =	vst v5;
	v5 =	vadd.s32 s18, v9  }
0x20e: {  	[tilespmem:s17+$0x0] =	vst v5  }
0x20f: {  	v5 =	vld [tilespmem:s16+$0x0];
	_ =	sdelay $0x4  }
0x210: {  	(xrf0) =	vadd.scan.msk.s32 $0xffff, v5;
	_ =	sdelay $0x3  }
0x211: {  	v6, _, _ =	vpop (xrf0)  }
0x212: {  	v63, _, _ =	vpop (xrf0)  }
0x213: {  	v10, _, _ =	vpop (xrf0)  }
0x214: {  	v11 =	vxor.u32 $0x80000000, v10  }
0x215: {  	(xrf0) =	vmax.scan.msk.u32 $0xffff, v11  }
0x216: {  	(v2sf) =	vpush v6, $0xF;
	_ =	sdelay $0x1  }
0x217: {  	(v2sf) =	vpush v63, $0xF;
	_ =	sdelay $0x2  }
0x218: {  	v6, _, _ =	vpop (xrf0)  }
0x219: {  	(v2sf) =	vpush v6, $0xF;
	_ =	sdelay $0x8  }
0x21a: {  	s29 =	spop (v2sf)  }
0x21b: {  	s17 =	sadd.s32 s29, s18  }
0x21c: {  	s30 =	spop (v2sf);
	s17 =	sadd.s32 $0x80000000, s17  }
0x21d: {  	v6 =	vsub.s32 s17, v7;
	s17 =	sadd.s32 s30, s17  }
0x21e: {  	v5 =	vsub.s32 v10, v5;
	v6 =	vadd.s32 v8, v6;
	s17 =	sadd.s32 $0x80000000, s17  }
0x21f: {  	[tilespmem:s16+$0xFFFFFFF0] =	vst v6;
	v5 =	vadd.s32 s17, v5  }
0x220: {  	[tilespmem:s16+$0x0] =	vst v5;
	s16 =	simm.s32 $0x0;
	s31 =	spop (v2sf)  }
.LBB2_32:
0x221: {  	v5 =	vadd.s32 s16, v4;
	_ =	sdelay $0x4  }
0x222: {  	v6 =	vld.idx.msk [tilespmem:v5+s10+$0x0], $0xffff;
	_ =	sdelay $0x4  }
0x223: {  	v6 =	vshrl.u32 v6, $0x14  }
0x224: {  	v6 =	vand.u32 $0xFF0, v6  }
0x225: {  	v6 =	vor.u32 v1, v6;
	_ =	sdelay $0x4  }
0x226: {  	v7 =	vld.idx.msk [tilespmem:v6+s9+$0x0], $0xffff;
	_ =	sdelay $0x4  }
0x227: {  	v7 =	vadd.s32 $0x1, v7  }
0x228: {  	s17 =	sadd.s32 $0x1, s16;
	v5 =	vld.idx.msk [tilespmem:v5+s11+$0x0], $0xffff;
	v8 =	vand.u32 $0x1FFF, v7  }
0x229: {  	v9 =	vadd.s32 s17, v4;
	_ =	sdelay $0x2  }
0x22a: {  	[tilespmem:v6+s9+$0x0] =	vst.idx.msk $0xffff, v7  }
0x22b: {  	[tilespmem:v8+s14+$0x0] =	vst.idx.msk $0xffff, v5  }
0x22c: {  	v5 =	vld.idx.msk [tilespmem:v9+s10+$0x0], $0xffff;
	_ =	sdelay $0x4  }
0x22d: {  	v5 =	vshrl.u32 v5, $0x14  }
0x22e: {  	v5 =	vand.u32 $0xFF0, v5  }
0x22f: {  	v5 =	vor.u32 v1, v5;
	_ =	sdelay $0x4  }
0x230: {  	v6 =	vld.idx.msk [tilespmem:v5+s9+$0x0], $0xffff;
	_ =	sdelay $0x4  }
0x231: {  	v6 =	vadd.s32 $0x1, v6  }
0x232: {  	p0 =	slt.u32 s16, $0x1FE;
	v7 =	vld.idx.msk [tilespmem:v9+s11+$0x0], $0xffff;
	v63 =	vand.u32 $0x1FFF, v6  }
.Ltmp15:
0x233: {  	_ = 	snop;
	(pc) =	sbr.rel @p0 .LBB2_32-.Ltmp15, $3  }
0x234: {  	_ =	sdelay $0x1  }
0x235: {  	[tilespmem:v5+s9+$0x0] =	vst.idx.msk $0xffff, v6  }
0x236: {  	s16 =	sadd.s32 $0x2, s16;
	[tilespmem:v63+s14+$0x0] =	vst.idx.msk $0xffff, v7  }
0x237: {  	[hbm4b:s4+s1] =	stream.linear.scatter [tilespmem:s14], [sflag:$0x1], $0x2000, $0x38;
	[tilespmem:$0xD200] =	vst v63  }
0x238: {  	_ =	swait.ge [sflag:s8], $0x2000  }
0x239: {  	[sflag:s8] =	ssyncset.done $0x0  }
0x23a: {  	[sflag:s8] =	ssyncadd.s32 $0xFFFFE000  }
0x23b: {  	[tilespmem:s1], [sflag:$0x1] =	stream.linear.gather [hbm4b:s5+s1], $0x2000, $0x38;
	[tilespmem:$0xD200] =	vst v63  }
0x23c: {  	_ =	swait.ge [sflag:s8], $0x2000  }
0x23d: {  	[sflag:s8] =	ssyncset.done $0x0  }
0x23e: {  	s16 =	simm.s32 $0xC240;
	[sflag:s8] =	ssyncadd.s32 $0xFFFFE000  }
0x23f: {  	[tilespmem:s16+$0xFFFFFFC0] =	vst v0  }
0x240: {  	[tilespmem:s16+$0x30] =	vst v0  }
0x241: {  	[tilespmem:s16+$0x20] =	vst v0  }
0x242: {  	[tilespmem:s16+$0x10] =	vst v0  }
0x243: {  	[tilespmem:s16+$0x0] =	vst v0  }
0x244: {  	[tilespmem:s16+$0xFFFFFFF0] =	vst v0  }
0x245: {  	s17 =	simm.s32 $0x0;
	[tilespmem:s16+$0xFFFFFFE0] =	vst v0  }
.LBB2_34:
0x246: {  	s17 =	sadd.s32 $0x8, s17;
	[tilespmem:s16+$0xFFFFFFD0] =	vst v0;
	s16 =	sadd.s32 $0x80, s16  }
0x247: {  	[tilespmem:s16+$0xFFFFFFC0] =	vst v0;
	p0 =	slt.u32 s17, $0xF8  }
0x248: {  	[tilespmem:s16+$0x30] =	vst v0  }
.Ltmp16:
0x249: {  	[tilespmem:s16+$0x20] =	vst v0;
	(pc) =	sbr.rel @p0 .LBB2_34-.Ltmp16, $4  }
0x24a: {  	[tilespmem:s16+$0x10] =	vst v0  }
0x24b: {  	[tilespmem:s16+$0x0] =	vst v0  }
0x24c: {  	[tilespmem:s16+$0xFFFFFFF0] =	vst v0  }
0x24d: {  	[tilespmem:s16+$0xFFFFFFE0] =	vst v0  }
0x24e: {  	[tilespmem:s16+$0xFFFFFFD0] =	vst v0;
	s16 =	simm.s32 $0x0;
	s17 =	simm.s32 $0x0  }
.LBB2_36:
0x24f: {  	v5 =	vor.u32 s17, v2;
	_ =	sdelay $0x4  }
0x250: {  	v5 =	vld.idx.msk [tilespmem:v5+s16+$0x0], $0xffff;
	_ =	sdelay $0x4  }
0x251: {  	v5 =	vshll.u32 v5, $0x4  }
0x252: {  	v5 =	vor.u32 v1, v5  }
0x253: {  	s18 =	sadd.s32 $0x1, s17;
	v5 =	vand.u32 $0xFFF, v5  }
0x254: {  	v6 =	vor.u32 s18, v2;
	_ =	sdelay $0x3  }
0x255: {  	[tilespmem:v5+s9+$0x0] =	vst.idx.add.s32.msk $0xffff, v3  }
0x256: {  	v5 =	vld.idx.msk [tilespmem:v6+s16+$0x0], $0xffff;
	_ =	sdelay $0x4  }
0x257: {  	v5 =	vshll.u32 v5, $0x4  }
0x258: {  	v5 =	vor.u32 v1, v5  }
0x259: {  	s30 =	sadd.s32 $0x2, s17;
	v5 =	vand.u32 $0xFFF, v5  }
0x25a: {  	v6 =	vor.u32 s30, v2;
	_ =	sdelay $0x3  }
0x25b: {  	[tilespmem:v5+s9+$0x0] =	vst.idx.add.s32.msk $0xffff, v3  }
0x25c: {  	v5 =	vld.idx.msk [tilespmem:v6+s16+$0x0], $0xffff;
	_ =	sdelay $0x4  }
0x25d: {  	v5 =	vshll.u32 v5, $0x4  }
0x25e: {  	v5 =	vor.u32 v1, v5  }
0x25f: {  	s31 =	sadd.s32 $0x3, s17;
	v5 =	vand.u32 $0xFFF, v5  }
0x260: {  	v6 =	vor.u32 s31, v2;
	_ =	sdelay $0x3  }
0x261: {  	[tilespmem:v5+s9+$0x0] =	vst.idx.add.s32.msk $0xffff, v3  }
0x262: {  	v5 =	vld.idx.msk [tilespmem:v6+s16+$0x0], $0xffff;
	_ =	sdelay $0x4  }
0x263: {  	v5 =	vshll.u32 v5, $0x4  }
0x264: {  	v5 =	vor.u32 v1, v5  }
0x265: {  	p0 =	slt.u32 s17, $0x1FC;
	v5 =	vand.u32 $0xFFF, v5  }
.Ltmp17:
0x266: {  	_ = 	snop;
	(pc) =	sbr.rel @p0 .LBB2_36-.Ltmp17, $2  }
0x267: {  	_ =	sdelay $0x2  }
0x268: {  	s17 =	sadd.s32 $0x4, s17;
	s18 =	simm.s32 $0xC210;
	[tilespmem:v5+s9+$0x0] =	vst.idx.add.s32.msk $0xffff, v3  }
0x269: {  	v7 =	vld [tilespmem:s18+$0xFFFFFFF0];
	_ =	sdelay $0x4  }
0x26a: {  	(xrf0) =	vadd.scan.msk.s32 $0xffff, v7;
	_ =	sdelay $0x5  }
0x26b: {  	v8, _, _ =	vpop (xrf0)  }
0x26c: {  	v5 =	vxor.u32 $0x80000000, v8  }
0x26d: {  	(xrf0) =	vmax.scan.msk.u32 $0xffff, v5;
	_ =	sdelay $0x1  }
0x26e: {  	v9 =	vld [tilespmem:s18+$0x0];
	_ =	sdelay $0x3  }
0x26f: {  	v5, _, _ =	vpop (xrf0)  }
0x270: {  	(xrf0) =	vadd.scan.msk.s32 $0xffff, v9;
	(v2sf) =	vpush v5, $0xF  }
0x271: {  	s17 =	simm.s32 $0xC230  }
0x272: {  	v5 =	vld [tilespmem:s17+$0xFFFFFFF0];
	_ =	sdelay $0x3  }
0x273: {  	v10, _, _ =	vpop (xrf0)  }
0x274: {  	v6 =	vxor.u32 $0x80000000, v10;
	(xrf0) =	vadd.scan.msk.s32 $0xffff, v5  }
0x275: {  	(xrf0) =	vmax.scan.msk.u32 $0xffff, v6;
	_ =	sdelay $0x4  }
0x276: {  	v7 =	vsub.s32 s16, v7;
	v6, _, _ =	vpop (xrf0)  }
0x277: {  	v7 =	vadd.s32 v8, v7;
	v8, _, _ =	vpop (xrf0)  }
0x278: {  	s19 =	spop (v2sf);
	(v2sf) =	vpush v8, $0xF;
	_ =	sdelay $0x6  }
0x279: {  	v8 =	vxor.u32 $0x80000000, v6  }
0x27a: {  	(xrf0) =	vmax.scan.msk.u32 $0xffff, v8;
	_ =	sdelay $0x1  }
0x27b: {  	s31 =	sadd.s32 $0x0, s19  }
0x27c: {  	v9 =	vsub.s32 v10, v9;
	s19 =	sadd.s32 $0x80000000, s31  }
0x27d: {  	[tilespmem:s18+$0xFFFFFFF0] =	vst v7;
	v7 =	vadd.s32 s19, v9  }
0x27e: {  	[tilespmem:s18+$0x0] =	vst v7  }
0x27f: {  	v9 =	vld [tilespmem:s17+$0x0];
	v10, _, _ =	vpop (xrf0)  }
0x280: {  	s16 =	simm.s32 $0xC250;
	s20 =	spop (v2sf);
	(v2sf) =	vpush v10, $0xF  }
0x281: {  	v7 =	vld [tilespmem:s16+$0xFFFFFFF0];
	_ =	sdelay $0x2  }
0x282: {  	(xrf0) =	vadd.scan.msk.s32 $0xffff, v9;
	_ =	sdelay $0x1  }
0x283: {  	(xrf0) =	vadd.scan.msk.s32 $0xffff, v7;
	_ =	sdelay $0x3  }
0x284: {  	v11, _, _ =	vpop (xrf0)  }
0x285: {  	v12 =	vxor.u32 $0x80000000, v11  }
0x286: {  	v8, _, _ =	vpop (xrf0);
	(xrf0) =	vmax.scan.msk.u32 $0xffff, v12  }
0x287: {  	v63 =	vxor.u32 $0x80000000, v8  }
0x288: {  	s18 =	simm.s32 $0x4;
	s19 =	sadd.s32 s20, s19;
	v9 =	vsub.s32 v11, v9;
	(xrf0) =	vmax.scan.msk.u32 $0xffff, v63  }
.LBB2_38:
0x289: {  	s18 =	sadd.s32 $0x2, s18;
	s20 =	spop (v2sf);
	s19 =	sadd.s32 $0x80000000, s19  }
0x28a: {  	p0 =	slt.u32 s18, $0xFE;
	v10 =	vsub.s32 s19, v5;
	s19 =	sadd.s32 s20, s19;
	v5 =	vmov v7  }
0x28b: {  	v7 =	vadd.s32 v6, v10;
	s19 =	sadd.s32 $0x80000000, s19;
	v6 =	vmov v8  }
0x28c: {  	[tilespmem:s17+$0xFFFFFFF0] =	vst v7;
	v9 =	vadd.s32 s19, v9;
	v8, _, _ =	vpop (xrf0)  }
0x28d: {  	[tilespmem:s17+$0x0] =	vst v9;
	(v2sf) =	vpush v8, $0xF;
	s17 =	smov.u32 s16  }
0x28e: {  	v8 =	vld [tilespmem:s16+$0x0];
	v7, _, _ =	vpop (xrf0)  }
0x28f: {  	s16 =	sadd.s32 $0x20, s16;
	(v2sf) =	vpush v7, $0xF  }
0x290: {  	v7 =	vld [tilespmem:s16+$0xFFFFFFF0];
	_ =	sdelay $0x2  }
0x291: {  	(xrf0) =	vadd.scan.msk.s32 $0xffff, v8;
	_ =	sdelay $0x1  }
0x292: {  	(xrf0) =	vadd.scan.msk.s32 $0xffff, v7;
	_ =	sdelay $0x3  }
.Ltmp18:
0x293: {  	v10, _, _ =	vpop (xrf0);
	(pc) =	sbr.rel @p0 .LBB2_38-.Ltmp18, $4  }
0x294: {  	v9 =	vsub.s32 v10, v8;
	v10 =	vxor.u32 $0x80000000, v10  }
0x295: {  	v8, _, _ =	vpop (xrf0);
	(xrf0) =	vmax.scan.msk.u32 $0xffff, v10  }
0x296: {  	v10 =	vxor.u32 $0x80000000, v8;
	s20 =	spop (v2sf)  }
0x297: {  	(xrf0) =	vmax.scan.msk.u32 $0xffff, v10;
	s19 =	sadd.s32 s20, s19  }
0x298: {  	s18 =	spop (v2sf);
	s19 =	sadd.s32 $0x80000000, s19  }
0x299: {  	v5 =	vsub.s32 s19, v5;
	s18 =	sadd.s32 s18, s19  }
0x29a: {  	v5 =	vadd.s32 v6, v5;
	s18 =	sadd.s32 $0x80000000, s18  }
0x29b: {  	[tilespmem:s17+$0xFFFFFFF0] =	vst v5;
	v5 =	vadd.s32 s18, v9  }
0x29c: {  	[tilespmem:s17+$0x0] =	vst v5  }
0x29d: {  	v5 =	vld [tilespmem:s16+$0x0];
	_ =	sdelay $0x4  }
0x29e: {  	(xrf0) =	vadd.scan.msk.s32 $0xffff, v5;
	_ =	sdelay $0x3  }
0x29f: {  	v6, _, _ =	vpop (xrf0)  }
0x2a0: {  	v63, _, _ =	vpop (xrf0)  }
0x2a1: {  	v10, _, _ =	vpop (xrf0)  }
0x2a2: {  	v11 =	vxor.u32 $0x80000000, v10  }
0x2a3: {  	(xrf0) =	vmax.scan.msk.u32 $0xffff, v11  }
0x2a4: {  	(v2sf) =	vpush v6, $0xF;
	_ =	sdelay $0x1  }
0x2a5: {  	(v2sf) =	vpush v63, $0xF;
	_ =	sdelay $0x2  }
0x2a6: {  	v6, _, _ =	vpop (xrf0)  }
0x2a7: {  	(v2sf) =	vpush v6, $0xF;
	_ =	sdelay $0x8  }
0x2a8: {  	s29 =	spop (v2sf)  }
0x2a9: {  	s17 =	sadd.s32 s29, s18  }
0x2aa: {  	s30 =	spop (v2sf);
	s17 =	sadd.s32 $0x80000000, s17  }
0x2ab: {  	v6 =	vsub.s32 s17, v7;
	s17 =	sadd.s32 s30, s17  }
0x2ac: {  	v5 =	vsub.s32 v10, v5;
	v6 =	vadd.s32 v8, v6;
	s17 =	sadd.s32 $0x80000000, s17  }
0x2ad: {  	[tilespmem:s16+$0xFFFFFFF0] =	vst v6;
	v5 =	vadd.s32 s17, v5  }
0x2ae: {  	[tilespmem:s16+$0x0] =	vst v5;
	s16 =	simm.s32 $0x0;
	s31 =	spop (v2sf)  }
.LBB2_40:
0x2af: {  	v5 =	vor.u32 s16, v2;
	_ =	sdelay $0x4  }
0x2b0: {  	v6 =	vld.idx.msk [tilespmem:v5+s1+$0x0], $0xffff;
	_ =	sdelay $0x4  }
0x2b1: {  	v7 =	vshll.u32 v6, $0x4  }
0x2b2: {  	v7 =	vor.u32 v1, v7  }
0x2b3: {  	v7 =	vand.u32 $0xFFF, v7;
	_ =	sdelay $0x4  }
0x2b4: {  	v8 =	vld.idx.msk [tilespmem:v7+s9+$0x0], $0xffff;
	_ =	sdelay $0x4  }
0x2b5: {  	v9 =	vshra.s32 v8, $0x9  }
0x2b6: {  	v9 =	vadd.s32 v8, v9  }
0x2b7: {  	s17 =	sadd.s32 $0x1, s16  }
0x2b8: {  	v10 =	vor.u32 s17, v2  }
0x2b9: {  	v8 =	vadd.s32 $0x1, v8  }
0x2ba: {  	vm0 =	vlt.u32 v5, $0x801;
	[tilespmem:v7+s9+$0x0] =	vst.idx.msk $0xffff, v8  }
0x2bb: {  	v5 =	vsel vm0, $0x1, v0;
	[tilespmem:v9+s10+$0x0] =	vst.idx.msk $0xffff, v6  }
0x2bc: {  	[tilespmem:v9+s11+$0x0] =	vst.idx.msk $0xffff, v5  }
0x2bd: {  	v5 =	vld.idx.msk [tilespmem:v10+s1+$0x0], $0xffff;
	_ =	sdelay $0x4  }
0x2be: {  	v6 =	vshll.u32 v5, $0x4  }
0x2bf: {  	v6 =	vor.u32 v1, v6  }
0x2c0: {  	v6 =	vand.u32 $0xFFF, v6;
	_ =	sdelay $0x4  }
0x2c1: {  	v7 =	vld.idx.msk [tilespmem:v6+s9+$0x0], $0xffff;
	_ =	sdelay $0x4  }
0x2c2: {  	v63 =	vshra.s32 v7, $0x9  }
0x2c3: {  	v8 =	vadd.s32 v7, v63  }
0x2c4: {  	p0 =	slt.u32 s16, $0x1FE  }
.Ltmp19:
0x2c5: {  	_ = 	snop;
	(pc) =	sbr.rel @p0 .LBB2_40-.Ltmp19, $4  }
0x2c6: {  	v7 =	vadd.s32 $0x1, v7  }
0x2c7: {  	vm15 =	vlt.u32 v10, $0x801;
	[tilespmem:v6+s9+$0x0] =	vst.idx.msk $0xffff, v7  }
0x2c8: {  	v6 =	vsel vm15, $0x1, v0;
	[tilespmem:v8+s10+$0x0] =	vst.idx.msk $0xffff, v5  }
0x2c9: {  	s16 =	sadd.s32 $0x2, s16;
	s18 =	simm.s32 $0xFFFFFFF8;
	s17 =	simm.s32 $0xC240;
	[tilespmem:v8+s11+$0x0] =	vst.idx.msk $0xffff, v6  }
0x2ca: {  	[tilespmem:s17+$0xFFFFFFC0] =	vst v0  }
0x2cb: {  	[tilespmem:s17+$0x30] =	vst v0  }
0x2cc: {  	[tilespmem:s17+$0x20] =	vst v0  }
0x2cd: {  	[tilespmem:s17+$0x10] =	vst v0  }
0x2ce: {  	[tilespmem:s17+$0x0] =	vst v0  }
0x2cf: {  	[tilespmem:s17+$0xFFFFFFF0] =	vst v0  }
0x2d0: {  	s16 =	sadd.s32 $0x8, s18;
	[tilespmem:s17+$0xFFFFFFE0] =	vst v0  }
.LBB2_42:
0x2d1: {  	s16 =	sadd.s32 $0x8, s16;
	[tilespmem:s17+$0xFFFFFFD0] =	vst v0;
	s17 =	sadd.s32 $0x80, s17  }
0x2d2: {  	[tilespmem:s17+$0xFFFFFFC0] =	vst v0;
	p0 =	slt.u32 s16, $0xF8  }
0x2d3: {  	[tilespmem:s17+$0x30] =	vst v0  }
.Ltmp20:
0x2d4: {  	[tilespmem:s17+$0x20] =	vst v0;
	(pc) =	sbr.rel @p0 .LBB2_42-.Ltmp20, $4  }
0x2d5: {  	[tilespmem:s17+$0x10] =	vst v0  }
0x2d6: {  	[tilespmem:s17+$0x0] =	vst v0  }
0x2d7: {  	[tilespmem:s17+$0xFFFFFFF0] =	vst v0  }
0x2d8: {  	[tilespmem:s17+$0xFFFFFFE0] =	vst v0  }
0x2d9: {  	[tilespmem:s17+$0xFFFFFFD0] =	vst v0;
	s16 =	simm.s32 $0x0;
	s17 =	simm.s32 $0x0  }
.LBB2_44:
0x2da: {  	v5 =	vadd.s32 s17, v4;
	_ =	sdelay $0x4  }
0x2db: {  	v5 =	vld.idx.msk [tilespmem:v5+s10+$0x0], $0xffff;
	_ =	sdelay $0x4  }
0x2dc: {  	v5 =	vshrl.u32 v5, $0x4  }
0x2dd: {  	v5 =	vand.u32 $0xFF0, v5  }
0x2de: {  	s18 =	sadd.s32 $0x1, s17;
	v5 =	vor.u32 v1, v5  }
0x2df: {  	v6 =	vadd.s32 s18, v4;
	_ =	sdelay $0x3  }
0x2e0: {  	[tilespmem:v5+s9+$0x0] =	vst.idx.add.s32.msk $0xffff, v3  }
0x2e1: {  	v5 =	vld.idx.msk [tilespmem:v6+s10+$0x0], $0xffff;
	_ =	sdelay $0x4  }
0x2e2: {  	v5 =	vshrl.u32 v5, $0x4  }
0x2e3: {  	v5 =	vand.u32 $0xFF0, v5  }
0x2e4: {  	s30 =	sadd.s32 $0x2, s17;
	v5 =	vor.u32 v1, v5  }
0x2e5: {  	v6 =	vadd.s32 s30, v4;
	_ =	sdelay $0x3  }
0x2e6: {  	[tilespmem:v5+s9+$0x0] =	vst.idx.add.s32.msk $0xffff, v3  }
0x2e7: {  	v5 =	vld.idx.msk [tilespmem:v6+s10+$0x0], $0xffff;
	_ =	sdelay $0x4  }
0x2e8: {  	v5 =	vshrl.u32 v5, $0x4  }
0x2e9: {  	v5 =	vand.u32 $0xFF0, v5  }
0x2ea: {  	s31 =	sadd.s32 $0x3, s17;
	v5 =	vor.u32 v1, v5  }
0x2eb: {  	v6 =	vadd.s32 s31, v4;
	_ =	sdelay $0x3  }
0x2ec: {  	[tilespmem:v5+s9+$0x0] =	vst.idx.add.s32.msk $0xffff, v3  }
0x2ed: {  	v5 =	vld.idx.msk [tilespmem:v6+s10+$0x0], $0xffff;
	_ =	sdelay $0x4  }
0x2ee: {  	v5 =	vshrl.u32 v5, $0x4  }
0x2ef: {  	v5 =	vand.u32 $0xFF0, v5  }
0x2f0: {  	p0 =	slt.u32 s17, $0x1FC;
	v5 =	vor.u32 v1, v5  }
.Ltmp21:
0x2f1: {  	_ = 	snop;
	(pc) =	sbr.rel @p0 .LBB2_44-.Ltmp21, $2  }
0x2f2: {  	_ =	sdelay $0x2  }
0x2f3: {  	s17 =	sadd.s32 $0x4, s17;
	s18 =	simm.s32 $0xC210;
	[tilespmem:v5+s9+$0x0] =	vst.idx.add.s32.msk $0xffff, v3  }
0x2f4: {  	v7 =	vld [tilespmem:s18+$0xFFFFFFF0];
	_ =	sdelay $0x4  }
0x2f5: {  	(xrf0) =	vadd.scan.msk.s32 $0xffff, v7;
	_ =	sdelay $0x5  }
0x2f6: {  	v8, _, _ =	vpop (xrf0)  }
0x2f7: {  	v5 =	vxor.u32 $0x80000000, v8  }
0x2f8: {  	(xrf0) =	vmax.scan.msk.u32 $0xffff, v5;
	_ =	sdelay $0x1  }
0x2f9: {  	v9 =	vld [tilespmem:s18+$0x0];
	_ =	sdelay $0x3  }
0x2fa: {  	v5, _, _ =	vpop (xrf0)  }
0x2fb: {  	(xrf0) =	vadd.scan.msk.s32 $0xffff, v9;
	(v2sf) =	vpush v5, $0xF  }
0x2fc: {  	s17 =	simm.s32 $0xC230  }
0x2fd: {  	v5 =	vld [tilespmem:s17+$0xFFFFFFF0];
	_ =	sdelay $0x3  }
0x2fe: {  	v10, _, _ =	vpop (xrf0)  }
0x2ff: {  	v6 =	vxor.u32 $0x80000000, v10;
	(xrf0) =	vadd.scan.msk.s32 $0xffff, v5  }
0x300: {  	(xrf0) =	vmax.scan.msk.u32 $0xffff, v6;
	_ =	sdelay $0x4  }
0x301: {  	v7 =	vsub.s32 s16, v7;
	v6, _, _ =	vpop (xrf0)  }
0x302: {  	v7 =	vadd.s32 v8, v7;
	v8, _, _ =	vpop (xrf0)  }
0x303: {  	s19 =	spop (v2sf);
	(v2sf) =	vpush v8, $0xF;
	_ =	sdelay $0x6  }
0x304: {  	v8 =	vxor.u32 $0x80000000, v6  }
0x305: {  	(xrf0) =	vmax.scan.msk.u32 $0xffff, v8;
	_ =	sdelay $0x1  }
0x306: {  	s31 =	sadd.s32 $0x0, s19  }
0x307: {  	v9 =	vsub.s32 v10, v9;
	s19 =	sadd.s32 $0x80000000, s31  }
0x308: {  	[tilespmem:s18+$0xFFFFFFF0] =	vst v7;
	v7 =	vadd.s32 s19, v9  }
0x309: {  	[tilespmem:s18+$0x0] =	vst v7  }
0x30a: {  	v9 =	vld [tilespmem:s17+$0x0];
	v10, _, _ =	vpop (xrf0)  }
0x30b: {  	s16 =	simm.s32 $0xC250;
	s20 =	spop (v2sf);
	(v2sf) =	vpush v10, $0xF  }
0x30c: {  	v7 =	vld [tilespmem:s16+$0xFFFFFFF0];
	_ =	sdelay $0x2  }
0x30d: {  	(xrf0) =	vadd.scan.msk.s32 $0xffff, v9;
	_ =	sdelay $0x1  }
0x30e: {  	(xrf0) =	vadd.scan.msk.s32 $0xffff, v7;
	_ =	sdelay $0x3  }
0x30f: {  	v11, _, _ =	vpop (xrf0)  }
0x310: {  	v12 =	vxor.u32 $0x80000000, v11  }
0x311: {  	v8, _, _ =	vpop (xrf0);
	(xrf0) =	vmax.scan.msk.u32 $0xffff, v12  }
0x312: {  	v63 =	vxor.u32 $0x80000000, v8  }
0x313: {  	s18 =	simm.s32 $0x4;
	s19 =	sadd.s32 s20, s19;
	v9 =	vsub.s32 v11, v9;
	(xrf0) =	vmax.scan.msk.u32 $0xffff, v63  }
.LBB2_46:
0x314: {  	s18 =	sadd.s32 $0x2, s18;
	s20 =	spop (v2sf);
	s19 =	sadd.s32 $0x80000000, s19  }
0x315: {  	p0 =	slt.u32 s18, $0xFE;
	v10 =	vsub.s32 s19, v5;
	s19 =	sadd.s32 s20, s19;
	v5 =	vmov v7  }
0x316: {  	v7 =	vadd.s32 v6, v10;
	s19 =	sadd.s32 $0x80000000, s19;
	v6 =	vmov v8  }
0x317: {  	[tilespmem:s17+$0xFFFFFFF0] =	vst v7;
	v9 =	vadd.s32 s19, v9;
	v8, _, _ =	vpop (xrf0)  }
0x318: {  	[tilespmem:s17+$0x0] =	vst v9;
	(v2sf) =	vpush v8, $0xF;
	s17 =	smov.u32 s16  }
0x319: {  	v8 =	vld [tilespmem:s16+$0x0];
	v7, _, _ =	vpop (xrf0)  }
0x31a: {  	s16 =	sadd.s32 $0x20, s16;
	(v2sf) =	vpush v7, $0xF  }
0x31b: {  	v7 =	vld [tilespmem:s16+$0xFFFFFFF0];
	_ =	sdelay $0x2  }
0x31c: {  	(xrf0) =	vadd.scan.msk.s32 $0xffff, v8;
	_ =	sdelay $0x1  }
0x31d: {  	(xrf0) =	vadd.scan.msk.s32 $0xffff, v7;
	_ =	sdelay $0x3  }
.Ltmp22:
0x31e: {  	v10, _, _ =	vpop (xrf0);
	(pc) =	sbr.rel @p0 .LBB2_46-.Ltmp22, $4  }
0x31f: {  	v9 =	vsub.s32 v10, v8;
	v10 =	vxor.u32 $0x80000000, v10  }
0x320: {  	v8, _, _ =	vpop (xrf0);
	(xrf0) =	vmax.scan.msk.u32 $0xffff, v10  }
0x321: {  	v10 =	vxor.u32 $0x80000000, v8;
	s20 =	spop (v2sf)  }
0x322: {  	(xrf0) =	vmax.scan.msk.u32 $0xffff, v10;
	s19 =	sadd.s32 s20, s19  }
0x323: {  	s18 =	spop (v2sf);
	s19 =	sadd.s32 $0x80000000, s19  }
0x324: {  	v5 =	vsub.s32 s19, v5;
	s18 =	sadd.s32 s18, s19  }
0x325: {  	v5 =	vadd.s32 v6, v5;
	s18 =	sadd.s32 $0x80000000, s18  }
0x326: {  	[tilespmem:s17+$0xFFFFFFF0] =	vst v5;
	v5 =	vadd.s32 s18, v9  }
0x327: {  	[tilespmem:s17+$0x0] =	vst v5  }
0x328: {  	v5 =	vld [tilespmem:s16+$0x0];
	_ =	sdelay $0x4  }
0x329: {  	(xrf0) =	vadd.scan.msk.s32 $0xffff, v5;
	_ =	sdelay $0x3  }
0x32a: {  	v6, _, _ =	vpop (xrf0)  }
0x32b: {  	v63, _, _ =	vpop (xrf0)  }
0x32c: {  	v10, _, _ =	vpop (xrf0)  }
0x32d: {  	v11 =	vxor.u32 $0x80000000, v10  }
0x32e: {  	(xrf0) =	vmax.scan.msk.u32 $0xffff, v11  }
0x32f: {  	(v2sf) =	vpush v6, $0xF;
	_ =	sdelay $0x1  }
0x330: {  	(v2sf) =	vpush v63, $0xF;
	_ =	sdelay $0x2  }
0x331: {  	v6, _, _ =	vpop (xrf0)  }
0x332: {  	(v2sf) =	vpush v6, $0xF;
	_ =	sdelay $0x8  }
0x333: {  	s29 =	spop (v2sf)  }
0x334: {  	s17 =	sadd.s32 s29, s18  }
0x335: {  	s30 =	spop (v2sf);
	s17 =	sadd.s32 $0x80000000, s17  }
0x336: {  	v6 =	vsub.s32 s17, v7;
	s17 =	sadd.s32 s30, s17  }
0x337: {  	v5 =	vsub.s32 v10, v5;
	v6 =	vadd.s32 v8, v6;
	s17 =	sadd.s32 $0x80000000, s17  }
0x338: {  	[tilespmem:s16+$0xFFFFFFF0] =	vst v6;
	v5 =	vadd.s32 s17, v5  }
0x339: {  	[tilespmem:s16+$0x0] =	vst v5;
	s16 =	simm.s32 $0x0;
	s31 =	spop (v2sf)  }
.LBB2_48:
0x33a: {  	v5 =	vadd.s32 s16, v4;
	_ =	sdelay $0x4  }
0x33b: {  	v6 =	vld.idx.msk [tilespmem:v5+s10+$0x0], $0xffff;
	_ =	sdelay $0x4  }
0x33c: {  	v7 =	vshrl.u32 v6, $0x4  }
0x33d: {  	v7 =	vand.u32 $0xFF0, v7  }
0x33e: {  	v7 =	vor.u32 v1, v7;
	_ =	sdelay $0x4  }
0x33f: {  	v8 =	vld.idx.msk [tilespmem:v7+s9+$0x0], $0xffff;
	_ =	sdelay $0x4  }
0x340: {  	v9 =	vshra.s32 v8, $0x9  }
0x341: {  	v9 =	vadd.s32 v8, v9  }
0x342: {  	s17 =	sadd.s32 $0x1, s16;
	v5 =	vld.idx.msk [tilespmem:v5+s11+$0x0], $0xffff  }
0x343: {  	v10 =	vadd.s32 s17, v4  }
0x344: {  	v8 =	vadd.s32 $0x1, v8  }
0x345: {  	[tilespmem:v7+s9+$0x0] =	vst.idx.msk $0xffff, v8  }
0x346: {  	[tilespmem:v9+s12+$0x0] =	vst.idx.msk $0xffff, v6  }
0x347: {  	[tilespmem:v9+s13+$0x0] =	vst.idx.msk $0xffff, v5  }
0x348: {  	v5 =	vld.idx.msk [tilespmem:v10+s10+$0x0], $0xffff;
	_ =	sdelay $0x4  }
0x349: {  	v6 =	vshrl.u32 v5, $0x4  }
0x34a: {  	v6 =	vand.u32 $0xFF0, v6  }
0x34b: {  	v6 =	vor.u32 v1, v6;
	_ =	sdelay $0x4  }
0x34c: {  	v7 =	vld.idx.msk [tilespmem:v6+s9+$0x0], $0xffff;
	_ =	sdelay $0x4  }
0x34d: {  	v63 =	vshra.s32 v7, $0x9  }
0x34e: {  	v8 =	vadd.s32 v7, v63  }
0x34f: {  	p0 =	slt.u32 s16, $0x1FE;
	v9 =	vld.idx.msk [tilespmem:v10+s11+$0x0], $0xffff  }
.Ltmp23:
0x350: {  	_ = 	snop;
	(pc) =	sbr.rel @p0 .LBB2_48-.Ltmp23, $4  }
0x351: {  	v7 =	vadd.s32 $0x1, v7  }
0x352: {  	[tilespmem:v6+s9+$0x0] =	vst.idx.msk $0xffff, v7  }
0x353: {  	[tilespmem:v8+s12+$0x0] =	vst.idx.msk $0xffff, v5  }
0x354: {  	s16 =	sadd.s32 $0x2, s16;
	s18 =	simm.s32 $0xFFFFFFF8;
	s17 =	simm.s32 $0xC240;
	[tilespmem:v8+s13+$0x0] =	vst.idx.msk $0xffff, v9  }
0x355: {  	[tilespmem:s17+$0xFFFFFFC0] =	vst v0  }
0x356: {  	[tilespmem:s17+$0x30] =	vst v0  }
0x357: {  	[tilespmem:s17+$0x20] =	vst v0  }
0x358: {  	[tilespmem:s17+$0x10] =	vst v0  }
0x359: {  	[tilespmem:s17+$0x0] =	vst v0  }
0x35a: {  	[tilespmem:s17+$0xFFFFFFF0] =	vst v0  }
0x35b: {  	s16 =	sadd.s32 $0x8, s18;
	[tilespmem:s17+$0xFFFFFFE0] =	vst v0  }
.LBB2_50:
0x35c: {  	s16 =	sadd.s32 $0x8, s16;
	[tilespmem:s17+$0xFFFFFFD0] =	vst v0;
	s17 =	sadd.s32 $0x80, s17  }
0x35d: {  	[tilespmem:s17+$0xFFFFFFC0] =	vst v0;
	p0 =	slt.u32 s16, $0xF8  }
0x35e: {  	[tilespmem:s17+$0x30] =	vst v0  }
.Ltmp24:
0x35f: {  	[tilespmem:s17+$0x20] =	vst v0;
	(pc) =	sbr.rel @p0 .LBB2_50-.Ltmp24, $4  }
0x360: {  	[tilespmem:s17+$0x10] =	vst v0  }
0x361: {  	[tilespmem:s17+$0x0] =	vst v0  }
0x362: {  	[tilespmem:s17+$0xFFFFFFF0] =	vst v0  }
0x363: {  	[tilespmem:s17+$0xFFFFFFE0] =	vst v0  }
0x364: {  	[tilespmem:s17+$0xFFFFFFD0] =	vst v0;
	s16 =	simm.s32 $0x0;
	s17 =	simm.s32 $0x0  }
.LBB2_52:
0x365: {  	v5 =	vadd.s32 s17, v4;
	_ =	sdelay $0x4  }
0x366: {  	v5 =	vld.idx.msk [tilespmem:v5+s12+$0x0], $0xffff;
	_ =	sdelay $0x4  }
0x367: {  	v5 =	vshrl.u32 v5, $0xC  }
0x368: {  	v5 =	vand.u32 $0xFF0, v5  }
0x369: {  	s18 =	sadd.s32 $0x1, s17;
	v5 =	vor.u32 v1, v5  }
0x36a: {  	v6 =	vadd.s32 s18, v4;
	_ =	sdelay $0x3  }
0x36b: {  	[tilespmem:v5+s9+$0x0] =	vst.idx.add.s32.msk $0xffff, v3  }
0x36c: {  	v5 =	vld.idx.msk [tilespmem:v6+s12+$0x0], $0xffff;
	_ =	sdelay $0x4  }
0x36d: {  	v5 =	vshrl.u32 v5, $0xC  }
0x36e: {  	v5 =	vand.u32 $0xFF0, v5  }
0x36f: {  	s30 =	sadd.s32 $0x2, s17;
	v5 =	vor.u32 v1, v5  }
0x370: {  	v6 =	vadd.s32 s30, v4;
	_ =	sdelay $0x3  }
0x371: {  	[tilespmem:v5+s9+$0x0] =	vst.idx.add.s32.msk $0xffff, v3  }
0x372: {  	v5 =	vld.idx.msk [tilespmem:v6+s12+$0x0], $0xffff;
	_ =	sdelay $0x4  }
0x373: {  	v5 =	vshrl.u32 v5, $0xC  }
0x374: {  	v5 =	vand.u32 $0xFF0, v5  }
0x375: {  	s31 =	sadd.s32 $0x3, s17;
	v5 =	vor.u32 v1, v5  }
0x376: {  	v6 =	vadd.s32 s31, v4;
	_ =	sdelay $0x3  }
0x377: {  	[tilespmem:v5+s9+$0x0] =	vst.idx.add.s32.msk $0xffff, v3  }
0x378: {  	v5 =	vld.idx.msk [tilespmem:v6+s12+$0x0], $0xffff;
	_ =	sdelay $0x4  }
0x379: {  	v5 =	vshrl.u32 v5, $0xC  }
0x37a: {  	v5 =	vand.u32 $0xFF0, v5  }
0x37b: {  	p0 =	slt.u32 s17, $0x1FC;
	v5 =	vor.u32 v1, v5  }
.Ltmp25:
0x37c: {  	_ = 	snop;
	(pc) =	sbr.rel @p0 .LBB2_52-.Ltmp25, $2  }
0x37d: {  	_ =	sdelay $0x2  }
0x37e: {  	s17 =	sadd.s32 $0x4, s17;
	s18 =	simm.s32 $0xC210;
	[tilespmem:v5+s9+$0x0] =	vst.idx.add.s32.msk $0xffff, v3  }
0x37f: {  	v7 =	vld [tilespmem:s18+$0xFFFFFFF0];
	_ =	sdelay $0x4  }
0x380: {  	(xrf0) =	vadd.scan.msk.s32 $0xffff, v7;
	_ =	sdelay $0x5  }
0x381: {  	v8, _, _ =	vpop (xrf0)  }
0x382: {  	v5 =	vxor.u32 $0x80000000, v8  }
0x383: {  	(xrf0) =	vmax.scan.msk.u32 $0xffff, v5;
	_ =	sdelay $0x1  }
0x384: {  	v9 =	vld [tilespmem:s18+$0x0];
	_ =	sdelay $0x3  }
0x385: {  	v5, _, _ =	vpop (xrf0)  }
0x386: {  	(xrf0) =	vadd.scan.msk.s32 $0xffff, v9;
	(v2sf) =	vpush v5, $0xF  }
0x387: {  	s17 =	simm.s32 $0xC230  }
0x388: {  	v5 =	vld [tilespmem:s17+$0xFFFFFFF0];
	_ =	sdelay $0x3  }
0x389: {  	v10, _, _ =	vpop (xrf0)  }
0x38a: {  	v6 =	vxor.u32 $0x80000000, v10;
	(xrf0) =	vadd.scan.msk.s32 $0xffff, v5  }
0x38b: {  	(xrf0) =	vmax.scan.msk.u32 $0xffff, v6;
	_ =	sdelay $0x4  }
0x38c: {  	v7 =	vsub.s32 s16, v7;
	v6, _, _ =	vpop (xrf0)  }
0x38d: {  	v7 =	vadd.s32 v8, v7;
	v8, _, _ =	vpop (xrf0)  }
0x38e: {  	s19 =	spop (v2sf);
	(v2sf) =	vpush v8, $0xF;
	_ =	sdelay $0x6  }
0x38f: {  	v8 =	vxor.u32 $0x80000000, v6  }
0x390: {  	(xrf0) =	vmax.scan.msk.u32 $0xffff, v8;
	_ =	sdelay $0x1  }
0x391: {  	s31 =	sadd.s32 $0x0, s19  }
0x392: {  	v9 =	vsub.s32 v10, v9;
	s19 =	sadd.s32 $0x80000000, s31  }
0x393: {  	[tilespmem:s18+$0xFFFFFFF0] =	vst v7;
	v7 =	vadd.s32 s19, v9  }
0x394: {  	[tilespmem:s18+$0x0] =	vst v7  }
0x395: {  	v9 =	vld [tilespmem:s17+$0x0];
	v10, _, _ =	vpop (xrf0)  }
0x396: {  	s16 =	simm.s32 $0xC250;
	s20 =	spop (v2sf);
	(v2sf) =	vpush v10, $0xF  }
0x397: {  	v7 =	vld [tilespmem:s16+$0xFFFFFFF0];
	_ =	sdelay $0x2  }
0x398: {  	(xrf0) =	vadd.scan.msk.s32 $0xffff, v9;
	_ =	sdelay $0x1  }
0x399: {  	(xrf0) =	vadd.scan.msk.s32 $0xffff, v7;
	_ =	sdelay $0x3  }
0x39a: {  	v11, _, _ =	vpop (xrf0)  }
0x39b: {  	v12 =	vxor.u32 $0x80000000, v11  }
0x39c: {  	v8, _, _ =	vpop (xrf0);
	(xrf0) =	vmax.scan.msk.u32 $0xffff, v12  }
0x39d: {  	v63 =	vxor.u32 $0x80000000, v8  }
0x39e: {  	s18 =	simm.s32 $0x4;
	s19 =	sadd.s32 s20, s19;
	v9 =	vsub.s32 v11, v9;
	(xrf0) =	vmax.scan.msk.u32 $0xffff, v63  }
.LBB2_54:
0x39f: {  	s18 =	sadd.s32 $0x2, s18;
	s20 =	spop (v2sf);
	s19 =	sadd.s32 $0x80000000, s19  }
0x3a0: {  	p0 =	slt.u32 s18, $0xFE;
	v10 =	vsub.s32 s19, v5;
	s19 =	sadd.s32 s20, s19;
	v5 =	vmov v7  }
0x3a1: {  	v7 =	vadd.s32 v6, v10;
	s19 =	sadd.s32 $0x80000000, s19;
	v6 =	vmov v8  }
0x3a2: {  	[tilespmem:s17+$0xFFFFFFF0] =	vst v7;
	v9 =	vadd.s32 s19, v9;
	v8, _, _ =	vpop (xrf0)  }
0x3a3: {  	[tilespmem:s17+$0x0] =	vst v9;
	(v2sf) =	vpush v8, $0xF;
	s17 =	smov.u32 s16  }
0x3a4: {  	v8 =	vld [tilespmem:s16+$0x0];
	v7, _, _ =	vpop (xrf0)  }
0x3a5: {  	s16 =	sadd.s32 $0x20, s16;
	(v2sf) =	vpush v7, $0xF  }
0x3a6: {  	v7 =	vld [tilespmem:s16+$0xFFFFFFF0];
	_ =	sdelay $0x2  }
0x3a7: {  	(xrf0) =	vadd.scan.msk.s32 $0xffff, v8;
	_ =	sdelay $0x1  }
0x3a8: {  	(xrf0) =	vadd.scan.msk.s32 $0xffff, v7;
	_ =	sdelay $0x3  }
.Ltmp26:
0x3a9: {  	v10, _, _ =	vpop (xrf0);
	(pc) =	sbr.rel @p0 .LBB2_54-.Ltmp26, $4  }
0x3aa: {  	v9 =	vsub.s32 v10, v8;
	v10 =	vxor.u32 $0x80000000, v10  }
0x3ab: {  	v8, _, _ =	vpop (xrf0);
	(xrf0) =	vmax.scan.msk.u32 $0xffff, v10  }
0x3ac: {  	v10 =	vxor.u32 $0x80000000, v8;
	s20 =	spop (v2sf)  }
0x3ad: {  	(xrf0) =	vmax.scan.msk.u32 $0xffff, v10;
	s19 =	sadd.s32 s20, s19  }
0x3ae: {  	s18 =	spop (v2sf);
	s19 =	sadd.s32 $0x80000000, s19  }
0x3af: {  	v5 =	vsub.s32 s19, v5;
	s18 =	sadd.s32 s18, s19  }
0x3b0: {  	v5 =	vadd.s32 v6, v5;
	s18 =	sadd.s32 $0x80000000, s18  }
0x3b1: {  	[tilespmem:s17+$0xFFFFFFF0] =	vst v5;
	v5 =	vadd.s32 s18, v9  }
0x3b2: {  	[tilespmem:s17+$0x0] =	vst v5  }
0x3b3: {  	v5 =	vld [tilespmem:s16+$0x0];
	_ =	sdelay $0x4  }
0x3b4: {  	(xrf0) =	vadd.scan.msk.s32 $0xffff, v5;
	_ =	sdelay $0x3  }
0x3b5: {  	v6, _, _ =	vpop (xrf0)  }
0x3b6: {  	v63, _, _ =	vpop (xrf0)  }
0x3b7: {  	v10, _, _ =	vpop (xrf0)  }
0x3b8: {  	v11 =	vxor.u32 $0x80000000, v10  }
0x3b9: {  	(xrf0) =	vmax.scan.msk.u32 $0xffff, v11  }
0x3ba: {  	(v2sf) =	vpush v6, $0xF;
	_ =	sdelay $0x1  }
0x3bb: {  	(v2sf) =	vpush v63, $0xF;
	_ =	sdelay $0x2  }
0x3bc: {  	v6, _, _ =	vpop (xrf0)  }
0x3bd: {  	(v2sf) =	vpush v6, $0xF;
	_ =	sdelay $0x8  }
0x3be: {  	s29 =	spop (v2sf)  }
0x3bf: {  	s17 =	sadd.s32 s29, s18  }
0x3c0: {  	s30 =	spop (v2sf);
	s17 =	sadd.s32 $0x80000000, s17  }
0x3c1: {  	v6 =	vsub.s32 s17, v7;
	s17 =	sadd.s32 s30, s17  }
0x3c2: {  	v5 =	vsub.s32 v10, v5;
	v6 =	vadd.s32 v8, v6;
	s17 =	sadd.s32 $0x80000000, s17  }
0x3c3: {  	[tilespmem:s16+$0xFFFFFFF0] =	vst v6;
	v5 =	vadd.s32 s17, v5  }
0x3c4: {  	[tilespmem:s16+$0x0] =	vst v5;
	s16 =	simm.s32 $0x0;
	s31 =	spop (v2sf)  }
.LBB2_56:
0x3c5: {  	v5 =	vadd.s32 s16, v4;
	_ =	sdelay $0x4  }
0x3c6: {  	v6 =	vld.idx.msk [tilespmem:v5+s12+$0x0], $0xffff;
	_ =	sdelay $0x4  }
0x3c7: {  	v7 =	vshrl.u32 v6, $0xC  }
0x3c8: {  	v7 =	vand.u32 $0xFF0, v7  }
0x3c9: {  	v7 =	vor.u32 v1, v7;
	_ =	sdelay $0x4  }
0x3ca: {  	v8 =	vld.idx.msk [tilespmem:v7+s9+$0x0], $0xffff;
	_ =	sdelay $0x4  }
0x3cb: {  	v9 =	vshra.s32 v8, $0x9  }
0x3cc: {  	v9 =	vadd.s32 v8, v9  }
0x3cd: {  	s17 =	sadd.s32 $0x1, s16;
	v5 =	vld.idx.msk [tilespmem:v5+s13+$0x0], $0xffff  }
0x3ce: {  	v10 =	vadd.s32 s17, v4  }
0x3cf: {  	v8 =	vadd.s32 $0x1, v8  }
0x3d0: {  	[tilespmem:v7+s9+$0x0] =	vst.idx.msk $0xffff, v8  }
0x3d1: {  	[tilespmem:v9+s10+$0x0] =	vst.idx.msk $0xffff, v6  }
0x3d2: {  	[tilespmem:v9+s11+$0x0] =	vst.idx.msk $0xffff, v5  }
0x3d3: {  	v5 =	vld.idx.msk [tilespmem:v10+s12+$0x0], $0xffff;
	_ =	sdelay $0x4  }
0x3d4: {  	v6 =	vshrl.u32 v5, $0xC  }
0x3d5: {  	v6 =	vand.u32 $0xFF0, v6  }
0x3d6: {  	v6 =	vor.u32 v1, v6;
	_ =	sdelay $0x4  }
0x3d7: {  	v7 =	vld.idx.msk [tilespmem:v6+s9+$0x0], $0xffff;
	_ =	sdelay $0x4  }
0x3d8: {  	v63 =	vshra.s32 v7, $0x9  }
0x3d9: {  	v8 =	vadd.s32 v7, v63  }
0x3da: {  	p0 =	slt.u32 s16, $0x1FE;
	v9 =	vld.idx.msk [tilespmem:v10+s13+$0x0], $0xffff  }
.Ltmp27:
0x3db: {  	_ = 	snop;
	(pc) =	sbr.rel @p0 .LBB2_56-.Ltmp27, $4  }
0x3dc: {  	v7 =	vadd.s32 $0x1, v7  }
0x3dd: {  	[tilespmem:v6+s9+$0x0] =	vst.idx.msk $0xffff, v7  }
0x3de: {  	[tilespmem:v8+s10+$0x0] =	vst.idx.msk $0xffff, v5  }
0x3df: {  	s16 =	sadd.s32 $0x2, s16;
	s18 =	simm.s32 $0xFFFFFFF8;
	s17 =	simm.s32 $0xC240;
	[tilespmem:v8+s11+$0x0] =	vst.idx.msk $0xffff, v9  }
0x3e0: {  	[tilespmem:s17+$0xFFFFFFC0] =	vst v0  }
0x3e1: {  	[tilespmem:s17+$0x30] =	vst v0  }
0x3e2: {  	[tilespmem:s17+$0x20] =	vst v0  }
0x3e3: {  	[tilespmem:s17+$0x10] =	vst v0  }
0x3e4: {  	[tilespmem:s17+$0x0] =	vst v0  }
0x3e5: {  	[tilespmem:s17+$0xFFFFFFF0] =	vst v0  }
0x3e6: {  	s16 =	sadd.s32 $0x8, s18;
	[tilespmem:s17+$0xFFFFFFE0] =	vst v0  }
.LBB2_58:
0x3e7: {  	s16 =	sadd.s32 $0x8, s16;
	[tilespmem:s17+$0xFFFFFFD0] =	vst v0;
	s17 =	sadd.s32 $0x80, s17  }
0x3e8: {  	[tilespmem:s17+$0xFFFFFFC0] =	vst v0;
	p0 =	slt.u32 s16, $0xF8  }
0x3e9: {  	[tilespmem:s17+$0x30] =	vst v0  }
.Ltmp28:
0x3ea: {  	[tilespmem:s17+$0x20] =	vst v0;
	(pc) =	sbr.rel @p0 .LBB2_58-.Ltmp28, $4  }
0x3eb: {  	[tilespmem:s17+$0x10] =	vst v0  }
0x3ec: {  	[tilespmem:s17+$0x0] =	vst v0  }
0x3ed: {  	[tilespmem:s17+$0xFFFFFFF0] =	vst v0  }
0x3ee: {  	[tilespmem:s17+$0xFFFFFFE0] =	vst v0  }
0x3ef: {  	[tilespmem:s17+$0xFFFFFFD0] =	vst v0;
	s16 =	simm.s32 $0x0;
	s17 =	simm.s32 $0x0  }
.LBB2_60:
0x3f0: {  	v5 =	vadd.s32 s17, v4;
	_ =	sdelay $0x4  }
0x3f1: {  	v5 =	vld.idx.msk [tilespmem:v5+s10+$0x0], $0xffff;
	_ =	sdelay $0x4  }
0x3f2: {  	v5 =	vshrl.u32 v5, $0x14  }
0x3f3: {  	v5 =	vand.u32 $0xFF0, v5  }
0x3f4: {  	s18 =	sadd.s32 $0x1, s17;
	v5 =	vor.u32 v1, v5  }
0x3f5: {  	v6 =	vadd.s32 s18, v4;
	_ =	sdelay $0x3  }
0x3f6: {  	[tilespmem:v5+s9+$0x0] =	vst.idx.add.s32.msk $0xffff, v3  }
0x3f7: {  	v5 =	vld.idx.msk [tilespmem:v6+s10+$0x0], $0xffff;
	_ =	sdelay $0x4  }
0x3f8: {  	v5 =	vshrl.u32 v5, $0x14  }
0x3f9: {  	v5 =	vand.u32 $0xFF0, v5  }
0x3fa: {  	s30 =	sadd.s32 $0x2, s17;
	v5 =	vor.u32 v1, v5  }
0x3fb: {  	v6 =	vadd.s32 s30, v4;
	_ =	sdelay $0x3  }
0x3fc: {  	[tilespmem:v5+s9+$0x0] =	vst.idx.add.s32.msk $0xffff, v3  }
0x3fd: {  	v5 =	vld.idx.msk [tilespmem:v6+s10+$0x0], $0xffff;
	_ =	sdelay $0x4  }
0x3fe: {  	v5 =	vshrl.u32 v5, $0x14  }
0x3ff: {  	v5 =	vand.u32 $0xFF0, v5  }
0x400: {  	s31 =	sadd.s32 $0x3, s17;
	v5 =	vor.u32 v1, v5  }
0x401: {  	v6 =	vadd.s32 s31, v4;
	_ =	sdelay $0x3  }
0x402: {  	[tilespmem:v5+s9+$0x0] =	vst.idx.add.s32.msk $0xffff, v3  }
0x403: {  	v5 =	vld.idx.msk [tilespmem:v6+s10+$0x0], $0xffff;
	_ =	sdelay $0x4  }
0x404: {  	v5 =	vshrl.u32 v5, $0x14  }
0x405: {  	v5 =	vand.u32 $0xFF0, v5  }
0x406: {  	p0 =	slt.u32 s17, $0x1FC;
	v5 =	vor.u32 v1, v5  }
.Ltmp29:
0x407: {  	_ = 	snop;
	(pc) =	sbr.rel @p0 .LBB2_60-.Ltmp29, $2  }
0x408: {  	_ =	sdelay $0x2  }
0x409: {  	s17 =	sadd.s32 $0x4, s17;
	s18 =	simm.s32 $0xC210;
	[tilespmem:v5+s9+$0x0] =	vst.idx.add.s32.msk $0xffff, v3  }
0x40a: {  	v7 =	vld [tilespmem:s18+$0xFFFFFFF0];
	_ =	sdelay $0x4  }
0x40b: {  	(xrf0) =	vadd.scan.msk.s32 $0xffff, v7;
	_ =	sdelay $0x5  }
0x40c: {  	v8, _, _ =	vpop (xrf0)  }
0x40d: {  	v5 =	vxor.u32 $0x80000000, v8  }
0x40e: {  	(xrf0) =	vmax.scan.msk.u32 $0xffff, v5;
	_ =	sdelay $0x1  }
0x40f: {  	v9 =	vld [tilespmem:s18+$0x0];
	_ =	sdelay $0x3  }
0x410: {  	v5, _, _ =	vpop (xrf0)  }
0x411: {  	(xrf0) =	vadd.scan.msk.s32 $0xffff, v9;
	(v2sf) =	vpush v5, $0xF  }
0x412: {  	s17 =	simm.s32 $0xC230  }
0x413: {  	v5 =	vld [tilespmem:s17+$0xFFFFFFF0];
	_ =	sdelay $0x3  }
0x414: {  	v10, _, _ =	vpop (xrf0)  }
0x415: {  	v6 =	vxor.u32 $0x80000000, v10;
	(xrf0) =	vadd.scan.msk.s32 $0xffff, v5  }
0x416: {  	(xrf0) =	vmax.scan.msk.u32 $0xffff, v6;
	_ =	sdelay $0x4  }
0x417: {  	v7 =	vsub.s32 s16, v7;
	v6, _, _ =	vpop (xrf0)  }
0x418: {  	v7 =	vadd.s32 v8, v7;
	v8, _, _ =	vpop (xrf0)  }
0x419: {  	s19 =	spop (v2sf);
	(v2sf) =	vpush v8, $0xF;
	_ =	sdelay $0x6  }
0x41a: {  	v8 =	vxor.u32 $0x80000000, v6  }
0x41b: {  	(xrf0) =	vmax.scan.msk.u32 $0xffff, v8;
	_ =	sdelay $0x1  }
0x41c: {  	s31 =	sadd.s32 $0x0, s19  }
0x41d: {  	v9 =	vsub.s32 v10, v9;
	s19 =	sadd.s32 $0x80000000, s31  }
0x41e: {  	[tilespmem:s18+$0xFFFFFFF0] =	vst v7;
	v7 =	vadd.s32 s19, v9  }
0x41f: {  	[tilespmem:s18+$0x0] =	vst v7  }
0x420: {  	v9 =	vld [tilespmem:s17+$0x0];
	v10, _, _ =	vpop (xrf0)  }
0x421: {  	s16 =	simm.s32 $0xC250;
	s20 =	spop (v2sf);
	(v2sf) =	vpush v10, $0xF  }
0x422: {  	v7 =	vld [tilespmem:s16+$0xFFFFFFF0];
	_ =	sdelay $0x2  }
0x423: {  	(xrf0) =	vadd.scan.msk.s32 $0xffff, v9;
	_ =	sdelay $0x1  }
0x424: {  	(xrf0) =	vadd.scan.msk.s32 $0xffff, v7;
	_ =	sdelay $0x3  }
0x425: {  	v11, _, _ =	vpop (xrf0)  }
0x426: {  	v12 =	vxor.u32 $0x80000000, v11  }
0x427: {  	v8, _, _ =	vpop (xrf0);
	(xrf0) =	vmax.scan.msk.u32 $0xffff, v12  }
0x428: {  	v63 =	vxor.u32 $0x80000000, v8  }
0x429: {  	s18 =	simm.s32 $0x4;
	s19 =	sadd.s32 s20, s19;
	v9 =	vsub.s32 v11, v9;
	(xrf0) =	vmax.scan.msk.u32 $0xffff, v63  }
.LBB2_62:
0x42a: {  	s18 =	sadd.s32 $0x2, s18;
	s20 =	spop (v2sf);
	s19 =	sadd.s32 $0x80000000, s19  }
0x42b: {  	p0 =	slt.u32 s18, $0xFE;
	v10 =	vsub.s32 s19, v5;
	s19 =	sadd.s32 s20, s19;
	v5 =	vmov v7  }
0x42c: {  	v7 =	vadd.s32 v6, v10;
	s19 =	sadd.s32 $0x80000000, s19;
	v6 =	vmov v8  }
0x42d: {  	[tilespmem:s17+$0xFFFFFFF0] =	vst v7;
	v9 =	vadd.s32 s19, v9;
	v8, _, _ =	vpop (xrf0)  }
0x42e: {  	[tilespmem:s17+$0x0] =	vst v9;
	(v2sf) =	vpush v8, $0xF;
	s17 =	smov.u32 s16  }
0x42f: {  	v8 =	vld [tilespmem:s16+$0x0];
	v7, _, _ =	vpop (xrf0)  }
0x430: {  	s16 =	sadd.s32 $0x20, s16;
	(v2sf) =	vpush v7, $0xF  }
0x431: {  	v7 =	vld [tilespmem:s16+$0xFFFFFFF0];
	_ =	sdelay $0x2  }
0x432: {  	(xrf0) =	vadd.scan.msk.s32 $0xffff, v8;
	_ =	sdelay $0x1  }
0x433: {  	(xrf0) =	vadd.scan.msk.s32 $0xffff, v7;
	_ =	sdelay $0x3  }
.Ltmp30:
0x434: {  	v10, _, _ =	vpop (xrf0);
	(pc) =	sbr.rel @p0 .LBB2_62-.Ltmp30, $4  }
0x435: {  	v9 =	vsub.s32 v10, v8;
	v10 =	vxor.u32 $0x80000000, v10  }
0x436: {  	v8, _, _ =	vpop (xrf0);
	(xrf0) =	vmax.scan.msk.u32 $0xffff, v10  }
0x437: {  	v10 =	vxor.u32 $0x80000000, v8;
	s20 =	spop (v2sf)  }
0x438: {  	(xrf0) =	vmax.scan.msk.u32 $0xffff, v10;
	s19 =	sadd.s32 s20, s19  }
0x439: {  	s18 =	spop (v2sf);
	s19 =	sadd.s32 $0x80000000, s19  }
0x43a: {  	v5 =	vsub.s32 s19, v5;
	s18 =	sadd.s32 s18, s19  }
0x43b: {  	v5 =	vadd.s32 v6, v5;
	s18 =	sadd.s32 $0x80000000, s18  }
0x43c: {  	[tilespmem:s17+$0xFFFFFFF0] =	vst v5;
	v5 =	vadd.s32 s18, v9  }
0x43d: {  	[tilespmem:s17+$0x0] =	vst v5  }
0x43e: {  	v5 =	vld [tilespmem:s16+$0x0];
	_ =	sdelay $0x4  }
0x43f: {  	(xrf0) =	vadd.scan.msk.s32 $0xffff, v5;
	_ =	sdelay $0x3  }
0x440: {  	v6, _, _ =	vpop (xrf0)  }
0x441: {  	v63, _, _ =	vpop (xrf0)  }
0x442: {  	v10, _, _ =	vpop (xrf0)  }
0x443: {  	v11 =	vxor.u32 $0x80000000, v10  }
0x444: {  	(xrf0) =	vmax.scan.msk.u32 $0xffff, v11  }
0x445: {  	(v2sf) =	vpush v6, $0xF;
	_ =	sdelay $0x1  }
0x446: {  	(v2sf) =	vpush v63, $0xF;
	_ =	sdelay $0x2  }
0x447: {  	v6, _, _ =	vpop (xrf0)  }
0x448: {  	(v2sf) =	vpush v6, $0xF;
	_ =	sdelay $0x8  }
0x449: {  	s29 =	spop (v2sf)  }
0x44a: {  	s17 =	sadd.s32 s29, s18  }
0x44b: {  	s30 =	spop (v2sf);
	s17 =	sadd.s32 $0x80000000, s17  }
0x44c: {  	v6 =	vsub.s32 s17, v7;
	s17 =	sadd.s32 s30, s17  }
0x44d: {  	v5 =	vsub.s32 v10, v5;
	v6 =	vadd.s32 v8, v6;
	s17 =	sadd.s32 $0x80000000, s17  }
0x44e: {  	[tilespmem:s16+$0xFFFFFFF0] =	vst v6;
	v5 =	vadd.s32 s17, v5  }
0x44f: {  	[tilespmem:s16+$0x0] =	vst v5;
	s16 =	simm.s32 $0x0;
	s31 =	spop (v2sf)  }
.LBB2_64:
0x450: {  	v5 =	vadd.s32 s16, v4;
	_ =	sdelay $0x4  }
0x451: {  	v6 =	vld.idx.msk [tilespmem:v5+s10+$0x0], $0xffff;
	_ =	sdelay $0x4  }
0x452: {  	v6 =	vshrl.u32 v6, $0x14  }
0x453: {  	v6 =	vand.u32 $0xFF0, v6  }
0x454: {  	v6 =	vor.u32 v1, v6;
	_ =	sdelay $0x4  }
0x455: {  	v7 =	vld.idx.msk [tilespmem:v6+s9+$0x0], $0xffff;
	_ =	sdelay $0x4  }
0x456: {  	v7 =	vadd.s32 $0x1, v7  }
0x457: {  	s17 =	sadd.s32 $0x1, s16;
	v5 =	vld.idx.msk [tilespmem:v5+s11+$0x0], $0xffff;
	v8 =	vand.u32 $0x1FFF, v7  }
0x458: {  	v9 =	vadd.s32 s17, v4;
	_ =	sdelay $0x2  }
0x459: {  	[tilespmem:v6+s9+$0x0] =	vst.idx.msk $0xffff, v7  }
0x45a: {  	[tilespmem:v8+s14+$0x0] =	vst.idx.msk $0xffff, v5  }
0x45b: {  	v5 =	vld.idx.msk [tilespmem:v9+s10+$0x0], $0xffff;
	_ =	sdelay $0x4  }
0x45c: {  	v5 =	vshrl.u32 v5, $0x14  }
0x45d: {  	v5 =	vand.u32 $0xFF0, v5  }
0x45e: {  	v5 =	vor.u32 v1, v5;
	_ =	sdelay $0x4  }
0x45f: {  	v6 =	vld.idx.msk [tilespmem:v5+s9+$0x0], $0xffff;
	_ =	sdelay $0x4  }
0x460: {  	v6 =	vadd.s32 $0x1, v6  }
0x461: {  	p0 =	slt.u32 s16, $0x1FE;
	v7 =	vld.idx.msk [tilespmem:v9+s11+$0x0], $0xffff;
	v63 =	vand.u32 $0x1FFF, v6  }
.Ltmp31:
0x462: {  	_ = 	snop;
	(pc) =	sbr.rel @p0 .LBB2_64-.Ltmp31, $3  }
0x463: {  	_ =	sdelay $0x1  }
0x464: {  	[tilespmem:v5+s9+$0x0] =	vst.idx.msk $0xffff, v6  }
0x465: {  	s16 =	sadd.s32 $0x2, s16;
	[tilespmem:v63+s14+$0x0] =	vst.idx.msk $0xffff, v7  }
0x466: {  	s15 =	sadd.s32 $0x1, s15  }
0x467: {  	p0 =	sne.s32 s15, s7  }
.Ltmp32:
0x468: {  	_ = 	snop;
	(pc) =	sbr.rel @p0 .LBB2_1-.Ltmp32, $4  }
0x469: {  	[hbm4b:s6+s1] =	stream.linear.scatter [tilespmem:s14], [sflag:$0x1], $0x2000, $0x38;
	[tilespmem:$0xD200] =	vst v63  }
0x46a: {  	_ =	swait.ge [sflag:s8], $0x2000  }
0x46b: {  	[sflag:s8] =	ssyncset.done $0x0  }
0x46c: {  	[sflag:s8] =	ssyncadd.s32 $0xFFFFE000  }
0x46d: {  	_ =	sfence.sel $0x180000  }
0x46e: {  	[bflag:$0x0] =	sbarrier.arrive $0xFFFF  }
0x46f: {  	p0 =	sne.s32 s2, $0x0;
	_ =	strace $0x90000047  }
0x470: {  	s0 =	sadd.s32 @!p0 $0x100000, s0;
	[bflag:$0x2] =	sbarrier.arrive $0xFFFF  }
0x471: {  	[sflag:s0] =	ssyncadd.tile.s32 @!p0 $0x1;
	_ =	shalt  }
.Lfunc_end2:
_tile_overlayer_lowered:
.L_overlay_start_2:
0x472: {  	(tag) =	ssettag $0x2  }
0x473: {  	s0 =	rddreg [dreg:$0x0];
	s2 =	stileid.u32  }
0x474: {  	s1 =	rddreg [dreg:$0x1];
	p0 =	sne.s32 s2, $0x0  }
0x475: {  	s3 =	rddreg [dreg:$0x2];
	[bflag:$0x3] =	sbarrier.arrive $0xFFFF;
	s2 =	simm.s32 @!p0 $0x1C01  }
0x476: {  	[timem:s3], [sflag:s2] =	dma.local @!p0 [hbm:s0], s1  }
0x477: {  	s0 =	simm.s32 @!p0 $0x1  }
0x478: {  	_ =	swait.ge @!p0 [sflag:s0], s1  }
0x479: {  	s1 =	ssub.s32 @!p0 $0x0, s1;
	[sflag:s0] =	ssyncset.done @!p0 $0x0  }
0x47a: {  	[sflag:s0] =	ssyncadd.s32 @!p0 s1  }
0x47b: {  	[bflag:$0x3] =	sbarrier.arrive $0xFFFF  }
0x47c: {  	_ =	shalt  }

</sc_bundles>
